<compile_context>
chip_gen: v7x
topology: tpu7x:2x2x1
jax: 0.10.2.dev20260603
libtpu: 0.0.44.dev20260713+nightly
codegen_flags: <defaults>
</compile_context>

<pallas_src>
import jax
import jax.numpy as jnp
from jax import lax
from jax.experimental import pallas as pl
from jax.experimental.pallas import tpu as pltpu
from jax.experimental.pallas import tpu_sc as plsc

_NLO = 1.0000500033334732e-04
_NHI = 9.210340371976184
_LN2 = 0.6931471805599453

_LOGC = (
    -0.006151470821350813, 0.08406148105859756, -0.5094411969184875,
    1.8016612529754639, -4.118063449859619, 6.3783440589904785,
    -6.894534587860107, 5.635407447814941, -2.371283531188965,
)

_PIX = 512 * 512
_SC_NB = 2
_SC_NC, _SC_NS = 2, 16
_SC_NW = _SC_NC * _SC_NS
_SC_CH = 4096



def _tc_body(x_ref, t_ref, roi_ref, out_ref, acc_ref):
    i = pl.program_id(0)

    @pl.when(i == 0)
    def _init():
        acc_ref[0] = 0.0
        acc_ref[1] = 0.0

    x = x_ref[...]
    x0, x1, x2, x3 = x[:, 0], x[:, 1], x[:, 2], x[:, 3]
    s = (jnp.exp(x0) + jnp.exp(x1)) + (jnp.exp(x2) + jnp.exp(x3))

    t = t_ref[...]
    xt = jnp.where(t == 0, x0, jnp.where(t == 1, x1, jnp.where(t == 2, x2, x3)))
    nll = jnp.clip(jnp.log(s) - xt, _NLO, _NHI)

    live = roi_ref[...] != 0
    acc_ref[0] += jnp.sum(jnp.where(live, nll, 0.0))
    acc_ref[1] += jnp.sum(jnp.where(live, 1.0, 0.0))

    @pl.when(i == pl.num_programs(0) - 1)
    def _fin():
        out_ref[0, 0] = acc_ref[0]
        out_ref[0, 1] = acc_ref[1]


def _tc_partial(input, target, ROI, nb_skip):
    B, C, H, W = input.shape
    NB = 2
    grid = ((B - nb_skip) // NB,)
    off = nb_skip // NB
    out = pl.pallas_call(
        _tc_body,
        grid=grid,
        in_specs=[
            pl.BlockSpec((NB, C, H, W), lambda i: (i + off, 0, 0, 0)),
            pl.BlockSpec((NB, H, W), lambda i: (i + off, 0, 0)),
            pl.BlockSpec((NB, H, W), lambda i: (i + off, 0, 0)),
        ],
        out_specs=pl.BlockSpec((1, 2), lambda i: (0, 0), memory_space=pltpu.SMEM),
        out_shape=jax.ShapeDtypeStruct((1, 2), jnp.float32),
        scratch_shapes=[pltpu.SMEM((2,), jnp.float32)],
    )(input, target, ROI)
    return out[0, 0], out[0, 1]



def _sc_body(x_hbm, t_hbm, r_hbm, num_out, den_out,
             x0b, x1b, x2b, x3b, tb, rb, nacc, dacc):
    wid = lax.axis_index("s") * _SC_NC + lax.axis_index("c")
    n_chunks = _SC_NB * 64 // _SC_NW

    def step(i, acc):
        an, ad = acc
        r = i // 32
        sl = pl.ds((i % 32) * 16, 16)
        x0 = x0b[r, sl]
        x1 = x1b[r, sl]
        x2 = x2b[r, sl]
        x3 = x3b[r, sl]
        s = (jnp.exp(x0) + jnp.exp(x1)) + (jnp.exp(x2) + jnp.exp(x3))
        bits = lax.bitcast_convert_type(s, jnp.int32)
        e = jnp.right_shift(bits, 23) - 127
        mb = jnp.bitwise_or(jnp.bitwise_and(bits, 0x007FFFFF), 0x3F800000)
        m = lax.bitcast_convert_type(mb, jnp.float32)
        p = jnp.full((16,), _LOGC[0], jnp.float32)
        for c in _LOGC[1:]:
            p = p * m + c
        logs = e.astype(jnp.float32) * _LN2 + p
        t = tb[r, sl]
        xt = jnp.where(t == 0, x0, jnp.where(t == 1, x1, jnp.where(t == 2, x2, x3)))
        nll = jnp.clip(logs - xt, _NLO, _NHI)
        live = rb[r, sl] != 0
        an = an + jnp.where(live, nll, 0.0)
        ad = ad + jnp.where(live, 1.0, 0.0)
        return (an, ad)

    acc = (jnp.zeros((16,), jnp.float32), jnp.zeros((16,), jnp.float32))
    for j in range(n_chunks):
        chunk = wid * n_chunks + j
        b = chunk // 64
        r0 = (chunk % 64) * 8
        rows = pl.ds(r0, 8)
        pltpu.sync_copy(x_hbm.at[b, 0, rows, :], x0b)
        pltpu.sync_copy(x_hbm.at[b, 1, rows, :], x1b)
        pltpu.sync_copy(x_hbm.at[b, 2, rows, :], x2b)
        pltpu.sync_copy(x_hbm.at[b, 3, rows, :], x3b)
        pltpu.sync_copy(t_hbm.at[b, rows, :], tb)
        pltpu.sync_copy(r_hbm.at[b, rows, :], rb)
        acc = lax.fori_loop(0, 256, step, acc)

    nacc[...] = acc[0]
    dacc[...] = acc[1]
    pltpu.sync_copy(nacc, num_out.at[wid])
    pltpu.sync_copy(dacc, den_out.at[wid])


def _sc_partial(x, t, r):
    f = pl.kernel(
        _sc_body,
        out_type=[
            jax.ShapeDtypeStruct((_SC_NW, 16), jnp.float32),
            jax.ShapeDtypeStruct((_SC_NW, 16), jnp.float32),
        ],
        scratch_types=[
            pltpu.VMEM((8, 512), jnp.float32),
            pltpu.VMEM((8, 512), jnp.float32),
            pltpu.VMEM((8, 512), jnp.float32),
            pltpu.VMEM((8, 512), jnp.float32),
            pltpu.VMEM((8, 512), jnp.int32),
            pltpu.VMEM((8, 512), jnp.int32),
            pltpu.VMEM((16,), jnp.float32),
            pltpu.VMEM((16,), jnp.float32),
        ],
        mesh=plsc.VectorSubcoreMesh(core_axis_name="c", subcore_axis_name="s"),
    )
    return f(x, t, r)



@jax.jit
def kernel(input, target, ROI):
    num_sc, den_sc = _sc_partial(input, target, ROI)
    num_tc, den_tc = _tc_partial(input, target, ROI, _SC_NB)
    num = num_tc + jnp.sum(num_sc)
    den = den_tc + jnp.sum(den_sc)
    return num / den

# --- scband reference (transcript-rebuilt; emitter-appended) ---
"""Pipeline reference for scband-masked-ce-loss-88639535055514 (READ-ONLY COPY).

The authoritative reference and input builder live on the scoring server;
editing this copy changes nothing except your own understanding.
"""

import jax, jax.numpy as jnp
import numpy as np


def setup_inputs(seed: int = 0) -> dict:
    key = jax.random.key(seed)
    k1, k2, k3 = jax.random.split(key, 3)
    inp = jax.random.normal(k1, (16, 4, 512, 512), dtype=jnp.float32)
    target = jax.random.randint(k2, (16, 512, 512), 0, 4, dtype=jnp.int32)
    ROI = jax.random.randint(k3, (16, 512, 512), 0, 2, dtype=jnp.int32)
    return {"input": inp, "target": target, "ROI": ROI}


def reference(input, target, ROI):
    # Faithful translation of masked_CE_loss.forward with slice_based_flag=False,
    # delta=None, softmax_flag=True, size_average=True.
    B = input.shape[0]
    C = input.shape[1]
    # input.view(B, C, -1).transpose(1, 2).contiguous().view(-1, C)
    x = input.reshape(B, C, -1)
    x = jnp.transpose(x, (0, 2, 1))
    x = x.reshape(-1, C)
    t = target.reshape(-1)
    roi = ROI.reshape(-1)
    # nonZeroRows mask (abs(ROI) > 0). Masked mean == mean over selected rows.
    mask = (jnp.abs(roi) > 0).astype(x.dtype)
    logpt = jax.nn.softmax(x, axis=1)
    logpt = jnp.clip(logpt, 0.0001, 1.0 - 0.0001)
    logpt = jnp.log(logpt)
    logpt = jnp.take_along_axis(logpt, t[:, None], axis=1).reshape(-1)
    loss = -1.0 * logpt
    return jnp.sum(loss * mask) / jnp.sum(mask)

if __name__ == "__main__":
    import jax
    _d = setup_inputs()
    print(jax.jit(kernel)(*tuple(_d.values())))

</pallas_src>

<mosaic_0001>
#map = affine_map<(d0, d1) -> (0, 0, 0, 0)>
#map1 = affine_map<(d0, d1) -> (0, 0, 0)>
#map2 = affine_map<(d0, d1) -> (0, 0)>
module attributes {stable_mosaic.version = 14 : i64} {
  func.func @_sc_body(%arg0: i32, %arg1: i32, %arg2: memref<16x4x512x512xf32, #tpu.memory_space<hbm>>, %arg3: memref<16x512x512xi32, #tpu.memory_space<hbm>>, %arg4: memref<16x512x512xi32, #tpu.memory_space<hbm>>, %arg5: memref<32x16xf32, #tpu.memory_space<hbm>>, %arg6: memref<32x16xf32, #tpu.memory_space<hbm>>, %arg7: memref<8x512xf32, #tpu.memory_space<vmem>>, %arg8: memref<8x512xf32, #tpu.memory_space<vmem>>, %arg9: memref<8x512xf32, #tpu.memory_space<vmem>>, %arg10: memref<8x512xf32, #tpu.memory_space<vmem>>, %arg11: memref<8x512xi32, #tpu.memory_space<vmem>>, %arg12: memref<8x512xi32, #tpu.memory_space<vmem>>, %arg13: memref<16xf32, #tpu.memory_space<vmem>>, %arg14: memref<16xf32, #tpu.memory_space<vmem>>) attributes {dimension_semantics = [#tpu.dimension_semantics<core_parallel>, #tpu.dimension_semantics<subcore_parallel>], iteration_bounds = array<i64: 2, 16>, scalar_prefetch = 0 : i64, scratch_operands = 8 : i64, tpu.core_type = #tpu.core_type<sc_vector_subcore>, window_params = [{transform_indices = #map}, {transform_indices = #map1}, {transform_indices = #map1}, {transform_indices = #map2}, {transform_indices = #map2}]} {
    %mul3A = arith.constant 2 : i32
    %mul3A_0 = arith.muli %arg1, %mul3A : i32
    %add3A = arith.addi %mul3A_0, %arg0 : i32
    %broadcast_in_dim3A = arith.constant 0.000000e+00 : f32
    %broadcast_in_dim3A_1 = vector.broadcast %broadcast_in_dim3A : f32 to vector<16xf32>
    %broadcast_in_dim3A_2 = arith.constant 0.000000e+00 : f32
    %broadcast_in_dim3A_3 = vector.broadcast %broadcast_in_dim3A_2 : f32 to vector<16xf32>
    %mul3A_4 = arith.constant 4 : i32
    %mul3A_5 = arith.muli %add3A, %mul3A_4 : i32
    %add3A_6 = arith.constant 0 : i32
    %add3A_7 = arith.addi %mul3A_5, %add3A_6 : i32
    %jit3A = arith.constant 64 : i32
    %div3A = arith.divsi %add3A_7, %jit3A : i32
    %sign3A = arith.constant 0 : i32
    %sign3A_8 = arith.cmpi sgt, %add3A_7, %sign3A : i32
    %sign3A_9 = arith.extui %sign3A_8 : i1 to i32
    %sign3A_10 = arith.constant 0 : i32
    %sign3A_11 = arith.cmpi slt, %add3A_7, %sign3A_10 : i32
    %sign3A_12 = arith.extui %sign3A_11 : i1 to i32
    %sign3A_13 = arith.subi %sign3A_9, %sign3A_12 : i32
    %sign3A_14 = arith.constant 0 : i32
    %sign3A_15 = arith.cmpi sgt, %jit3A, %sign3A_14 : i32
    %sign3A_16 = arith.extui %sign3A_15 : i1 to i32
    %sign3A_17 = arith.constant 0 : i32
    %sign3A_18 = arith.cmpi slt, %jit3A, %sign3A_17 : i32
    %sign3A_19 = arith.extui %sign3A_18 : i1 to i32
    %sign3A_20 = arith.subi %sign3A_16, %sign3A_19 : i32
    %ne3A = arith.cmpi ne, %sign3A_13, %sign3A_20 : i32
    %rem3A = arith.remsi %add3A_7, %jit3A : i32
    %ne3A_21 = arith.constant 0 : i32
    %ne3A_22 = arith.cmpi ne, %rem3A, %ne3A_21 : i32
    %and3A = arith.andi %ne3A, %ne3A_22 : i1
    %sub3A = arith.constant 1 : i32
    %sub3A_23 = arith.subi %div3A, %sub3A : i32
    %select_n3A = arith.select %and3A, %sub3A_23, %div3A : i32
    %jit3A_24 = arith.constant 64 : i32
    %eq3A = arith.constant 0 : i32
    %eq3A_25 = arith.cmpi eq, %jit3A_24, %eq3A : i32
    %jit3A_26 = arith.constant 1 : i32
    %select_n3A_27 = arith.select %eq3A_25, %jit3A_26, %jit3A_24 : i32
    %rem3A_28 = arith.remsi %add3A_7, %select_n3A_27 : i32
    %ne3A_29 = arith.constant 0 : i32
    %ne3A_30 = arith.cmpi ne, %rem3A_28, %ne3A_29 : i32
    %lt3A = arith.constant 0 : i32
    %lt3A_31 = arith.cmpi slt, %rem3A_28, %lt3A : i32
    %lt3A_32 = arith.constant 0 : i32
    %lt3A_33 = arith.cmpi slt, %select_n3A_27, %lt3A_32 : i32
    %ne3A_34 = arith.xori %lt3A_31, %lt3A_33 : i1
    %and3A_35 = arith.andi %ne3A_34, %ne3A_30 : i1
    %add3A_36 = arith.addi %rem3A_28, %select_n3A_27 : i32
    %select_n3A_37 = arith.select %and3A_35, %add3A_36, %rem3A_28 : i32
    %mul3A_38 = arith.constant 8 : i32
    %mul3A_39 = arith.muli %select_n3A_37, %mul3A_38 : i32
    %run_scoped3A = arith.constant 0 : i32
    "tpu.region"() ({
      %run_scoped3A_223 = tpu.sem_alloc : memref<!tpu.dma_semaphore, #tpu.memory_space<semaphore_mem>>
      %dma_start3A = arith.constant 0 : i32
      %dma_start3A_224 = tpu.memref_slice %arg2[%select_n3A, %run_scoped3A, %mul3A_39, %dma_start3A] : memref<16x4x512x512xf32, #tpu.memory_space<hbm>> -> memref<1x1x8x512xf32, #tpu.memory_space<hbm>>
      %dma_start3A_225 = tpu.memref_squeeze %dma_start3A_224 : memref<1x1x8x512xf32, #tpu.memory_space<hbm>> -> memref<8x512xf32, #tpu.memory_space<hbm>>
      %dma_start3A_226 = arith.constant 0 : i32
      %dma_start3A_227 = tpu.memref_slice %arg2[%select_n3A, %run_scoped3A, %mul3A_39, %dma_start3A_226] : memref<16x4x512x512xf32, #tpu.memory_space<hbm>> -> memref<1x1x8x512xf32, #tpu.memory_space<hbm>>
      %dma_start3A_228 = tpu.memref_squeeze %dma_start3A_227 : memref<1x1x8x512xf32, #tpu.memory_space<hbm>> -> memref<8x512xf32, #tpu.memory_space<hbm>>
      tpu.enqueue_dma source(%dma_start3A_228 : memref<8x512xf32, #tpu.memory_space<hbm>>) target(%arg7 : memref<8x512xf32, #tpu.memory_space<vmem>>) target_semaphore(%run_scoped3A_223 : memref<!tpu.dma_semaphore, #tpu.memory_space<semaphore_mem>>)
      %dma_wait3A = arith.constant 0 : i32
      %dma_wait3A_229 = tpu.memref_slice %arg2[%select_n3A, %run_scoped3A, %mul3A_39, %dma_wait3A] : memref<16x4x512x512xf32, #tpu.memory_space<hbm>> -> memref<1x1x8x512xf32, #tpu.memory_space<hbm>>
      %dma_wait3A_230 = tpu.memref_squeeze %dma_wait3A_229 : memref<1x1x8x512xf32, #tpu.memory_space<hbm>> -> memref<8x512xf32, #tpu.memory_space<hbm>>
      %dma_wait3A_231 = arith.constant 0 : i32
      %dma_wait3A_232 = tpu.memref_slice %arg2[%select_n3A, %run_scoped3A, %mul3A_39, %dma_wait3A_231] : memref<16x4x512x512xf32, #tpu.memory_space<hbm>> -> memref<1x1x8x512xf32, #tpu.memory_space<hbm>>
      %dma_wait3A_233 = tpu.memref_squeeze %dma_wait3A_232 : memref<1x1x8x512xf32, #tpu.memory_space<hbm>> -> memref<8x512xf32, #tpu.memory_space<hbm>>
      tpu.wait_dma2 semaphore(%run_scoped3A_223 : memref<!tpu.dma_semaphore, #tpu.memory_space<semaphore_mem>>) src(%dma_wait3A_233 : memref<8x512xf32, #tpu.memory_space<hbm>>) dst(%arg7 : memref<8x512xf32, #tpu.memory_space<vmem>>)
      tpu.yield
    }) : () -> ()
    %run_scoped3A_40 = arith.constant 1 : i32
    "tpu.region"() ({
      %run_scoped3A_223 = tpu.sem_alloc : memref<!tpu.dma_semaphore, #tpu.memory_space<semaphore_mem>>
      %dma_start3A = arith.constant 0 : i32
      %dma_start3A_224 = tpu.memref_slice %arg2[%select_n3A, %run_scoped3A_40, %mul3A_39, %dma_start3A] : memref<16x4x512x512xf32, #tpu.memory_space<hbm>> -> memref<1x1x8x512xf32, #tpu.memory_space<hbm>>
      %dma_start3A_225 = tpu.memref_squeeze %dma_start3A_224 : memref<1x1x8x512xf32, #tpu.memory_space<hbm>> -> memref<8x512xf32, #tpu.memory_space<hbm>>
      %dma_start3A_226 = arith.constant 0 : i32
      %dma_start3A_227 = tpu.memref_slice %arg2[%select_n3A, %run_scoped3A_40, %mul3A_39, %dma_start3A_226] : memref<16x4x512x512xf32, #tpu.memory_space<hbm>> -> memref<1x1x8x512xf32, #tpu.memory_space<hbm>>
      %dma_start3A_228 = tpu.memref_squeeze %dma_start3A_227 : memref<1x1x8x512xf32, #tpu.memory_space<hbm>> -> memref<8x512xf32, #tpu.memory_space<hbm>>
      tpu.enqueue_dma source(%dma_start3A_228 : memref<8x512xf32, #tpu.memory_space<hbm>>) target(%arg8 : memref<8x512xf32, #tpu.memory_space<vmem>>) target_semaphore(%run_scoped3A_223 : memref<!tpu.dma_semaphore, #tpu.memory_space<semaphore_mem>>)
      %dma_wait3A = arith.constant 0 : i32
      %dma_wait3A_229 = tpu.memref_slice %arg2[%select_n3A, %run_scoped3A_40, %mul3A_39, %dma_wait3A] : memref<16x4x512x512xf32, #tpu.memory_space<hbm>> -> memref<1x1x8x512xf32, #tpu.memory_space<hbm>>
      %dma_wait3A_230 = tpu.memref_squeeze %dma_wait3A_229 : memref<1x1x8x512xf32, #tpu.memory_space<hbm>> -> memref<8x512xf32, #tpu.memory_space<hbm>>
      %dma_wait3A_231 = arith.constant 0 : i32
      %dma_wait3A_232 = tpu.memref_slice %arg2[%select_n3A, %run_scoped3A_40, %mul3A_39, %dma_wait3A_231] : memref<16x4x512x512xf32, #tpu.memory_space<hbm>> -> memref<1x1x8x512xf32, #tpu.memory_space<hbm>>
      %dma_wait3A_233 = tpu.memref_squeeze %dma_wait3A_232 : memref<1x1x8x512xf32, #tpu.memory_space<hbm>> -> memref<8x512xf32, #tpu.memory_space<hbm>>
      tpu.wait_dma2 semaphore(%run_scoped3A_223 : memref<!tpu.dma_semaphore, #tpu.memory_space<semaphore_mem>>) src(%dma_wait3A_233 : memref<8x512xf32, #tpu.memory_space<hbm>>) dst(%arg8 : memref<8x512xf32, #tpu.memory_space<vmem>>)
      tpu.yield
    }) : () -> ()
    %run_scoped3A_41 = arith.constant 2 : i32
    "tpu.region"() ({
      %run_scoped3A_223 = tpu.sem_alloc : memref<!tpu.dma_semaphore, #tpu.memory_space<semaphore_mem>>
      %dma_start3A = arith.constant 0 : i32
      %dma_start3A_224 = tpu.memref_slice %arg2[%select_n3A, %run_scoped3A_41, %mul3A_39, %dma_start3A] : memref<16x4x512x512xf32, #tpu.memory_space<hbm>> -> memref<1x1x8x512xf32, #tpu.memory_space<hbm>>
      %dma_start3A_225 = tpu.memref_squeeze %dma_start3A_224 : memref<1x1x8x512xf32, #tpu.memory_space<hbm>> -> memref<8x512xf32, #tpu.memory_space<hbm>>
      %dma_start3A_226 = arith.constant 0 : i32
      %dma_start3A_227 = tpu.memref_slice %arg2[%select_n3A, %run_scoped3A_41, %mul3A_39, %dma_start3A_226] : memref<16x4x512x512xf32, #tpu.memory_space<hbm>> -> memref<1x1x8x512xf32, #tpu.memory_space<hbm>>
      %dma_start3A_228 = tpu.memref_squeeze %dma_start3A_227 : memref<1x1x8x512xf32, #tpu.memory_space<hbm>> -> memref<8x512xf32, #tpu.memory_space<hbm>>
      tpu.enqueue_dma source(%dma_start3A_228 : memref<8x512xf32, #tpu.memory_space<hbm>>) target(%arg9 : memref<8x512xf32, #tpu.memory_space<vmem>>) target_semaphore(%run_scoped3A_223 : memref<!tpu.dma_semaphore, #tpu.memory_space<semaphore_mem>>)
      %dma_wait3A = arith.constant 0 : i32
      %dma_wait3A_229 = tpu.memref_slice %arg2[%select_n3A, %run_scoped3A_41, %mul3A_39, %dma_wait3A] : memref<16x4x512x512xf32, #tpu.memory_space<hbm>> -> memref<1x1x8x512xf32, #tpu.memory_space<hbm>>
      %dma_wait3A_230 = tpu.memref_squeeze %dma_wait3A_229 : memref<1x1x8x512xf32, #tpu.memory_space<hbm>> -> memref<8x512xf32, #tpu.memory_space<hbm>>
      %dma_wait3A_231 = arith.constant 0 : i32
      %dma_wait3A_232 = tpu.memref_slice %arg2[%select_n3A, %run_scoped3A_41, %mul3A_39, %dma_wait3A_231] : memref<16x4x512x512xf32, #tpu.memory_space<hbm>> -> memref<1x1x8x512xf32, #tpu.memory_space<hbm>>
      %dma_wait3A_233 = tpu.memref_squeeze %dma_wait3A_232 : memref<1x1x8x512xf32, #tpu.memory_space<hbm>> -> memref<8x512xf32, #tpu.memory_space<hbm>>
      tpu.wait_dma2 semaphore(%run_scoped3A_223 : memref<!tpu.dma_semaphore, #tpu.memory_space<semaphore_mem>>) src(%dma_wait3A_233 : memref<8x512xf32, #tpu.memory_space<hbm>>) dst(%arg9 : memref<8x512xf32, #tpu.memory_space<vmem>>)
      tpu.yield
    }) : () -> ()
    %run_scoped3A_42 = arith.constant 3 : i32
    "tpu.region"() ({
      %run_scoped3A_223 = tpu.sem_alloc : memref<!tpu.dma_semaphore, #tpu.memory_space<semaphore_mem>>
      %dma_start3A = arith.constant 0 : i32
      %dma_start3A_224 = tpu.memref_slice %arg2[%select_n3A, %run_scoped3A_42, %mul3A_39, %dma_start3A] : memref<16x4x512x512xf32, #tpu.memory_space<hbm>> -> memref<1x1x8x512xf32, #tpu.memory_space<hbm>>
      %dma_start3A_225 = tpu.memref_squeeze %dma_start3A_224 : memref<1x1x8x512xf32, #tpu.memory_space<hbm>> -> memref<8x512xf32, #tpu.memory_space<hbm>>
      %dma_start3A_226 = arith.constant 0 : i32
      %dma_start3A_227 = tpu.memref_slice %arg2[%select_n3A, %run_scoped3A_42, %mul3A_39, %dma_start3A_226] : memref<16x4x512x512xf32, #tpu.memory_space<hbm>> -> memref<1x1x8x512xf32, #tpu.memory_space<hbm>>
      %dma_start3A_228 = tpu.memref_squeeze %dma_start3A_227 : memref<1x1x8x512xf32, #tpu.memory_space<hbm>> -> memref<8x512xf32, #tpu.memory_space<hbm>>
      tpu.enqueue_dma source(%dma_start3A_228 : memref<8x512xf32, #tpu.memory_space<hbm>>) target(%arg10 : memref<8x512xf32, #tpu.memory_space<vmem>>) target_semaphore(%run_scoped3A_223 : memref<!tpu.dma_semaphore, #tpu.memory_space<semaphore_mem>>)
      %dma_wait3A = arith.constant 0 : i32
      %dma_wait3A_229 = tpu.memref_slice %arg2[%select_n3A, %run_scoped3A_42, %mul3A_39, %dma_wait3A] : memref<16x4x512x512xf32, #tpu.memory_space<hbm>> -> memref<1x1x8x512xf32, #tpu.memory_space<hbm>>
      %dma_wait3A_230 = tpu.memref_squeeze %dma_wait3A_229 : memref<1x1x8x512xf32, #tpu.memory_space<hbm>> -> memref<8x512xf32, #tpu.memory_space<hbm>>
      %dma_wait3A_231 = arith.constant 0 : i32
      %dma_wait3A_232 = tpu.memref_slice %arg2[%select_n3A, %run_scoped3A_42, %mul3A_39, %dma_wait3A_231] : memref<16x4x512x512xf32, #tpu.memory_space<hbm>> -> memref<1x1x8x512xf32, #tpu.memory_space<hbm>>
      %dma_wait3A_233 = tpu.memref_squeeze %dma_wait3A_232 : memref<1x1x8x512xf32, #tpu.memory_space<hbm>> -> memref<8x512xf32, #tpu.memory_space<hbm>>
      tpu.wait_dma2 semaphore(%run_scoped3A_223 : memref<!tpu.dma_semaphore, #tpu.memory_space<semaphore_mem>>) src(%dma_wait3A_233 : memref<8x512xf32, #tpu.memory_space<hbm>>) dst(%arg10 : memref<8x512xf32, #tpu.memory_space<vmem>>)
      tpu.yield
    }) : () -> ()
    "tpu.region"() ({
      %run_scoped3A_223 = tpu.sem_alloc : memref<!tpu.dma_semaphore, #tpu.memory_space<semaphore_mem>>
      %dma_start3A = arith.constant 0 : i32
      %dma_start3A_224 = tpu.memref_slice %arg3[%select_n3A, %mul3A_39, %dma_start3A] : memref<16x512x512xi32, #tpu.memory_space<hbm>> -> memref<1x8x512xi32, #tpu.memory_space<hbm>>
      %dma_start3A_225 = tpu.memref_squeeze %dma_start3A_224 : memref<1x8x512xi32, #tpu.memory_space<hbm>> -> memref<8x512xi32, #tpu.memory_space<hbm>>
      %dma_start3A_226 = arith.constant 0 : i32
      %dma_start3A_227 = tpu.memref_slice %arg3[%select_n3A, %mul3A_39, %dma_start3A_226] : memref<16x512x512xi32, #tpu.memory_space<hbm>> -> memref<1x8x512xi32, #tpu.memory_space<hbm>>
      %dma_start3A_228 = tpu.memref_squeeze %dma_start3A_227 : memref<1x8x512xi32, #tpu.memory_space<hbm>> -> memref<8x512xi32, #tpu.memory_space<hbm>>
      tpu.enqueue_dma source(%dma_start3A_228 : memref<8x512xi32, #tpu.memory_space<hbm>>) target(%arg11 : memref<8x512xi32, #tpu.memory_space<vmem>>) target_semaphore(%run_scoped3A_223 : memref<!tpu.dma_semaphore, #tpu.memory_space<semaphore_mem>>)
      %dma_wait3A = arith.constant 0 : i32
      %dma_wait3A_229 = tpu.memref_slice %arg3[%select_n3A, %mul3A_39, %dma_wait3A] : memref<16x512x512xi32, #tpu.memory_space<hbm>> -> memref<1x8x512xi32, #tpu.memory_space<hbm>>
      %dma_wait3A_230 = tpu.memref_squeeze %dma_wait3A_229 : memref<1x8x512xi32, #tpu.memory_space<hbm>> -> memref<8x512xi32, #tpu.memory_space<hbm>>
      %dma_wait3A_231 = arith.constant 0 : i32
      %dma_wait3A_232 = tpu.memref_slice %arg3[%select_n3A, %mul3A_39, %dma_wait3A_231] : memref<16x512x512xi32, #tpu.memory_space<hbm>> -> memref<1x8x512xi32, #tpu.memory_space<hbm>>
      %dma_wait3A_233 = tpu.memref_squeeze %dma_wait3A_232 : memref<1x8x512xi32, #tpu.memory_space<hbm>> -> memref<8x512xi32, #tpu.memory_space<hbm>>
      tpu.wait_dma2 semaphore(%run_scoped3A_223 : memref<!tpu.dma_semaphore, #tpu.memory_space<semaphore_mem>>) src(%dma_wait3A_233 : memref<8x512xi32, #tpu.memory_space<hbm>>) dst(%arg11 : memref<8x512xi32, #tpu.memory_space<vmem>>)
      tpu.yield
    }) : () -> ()
    "tpu.region"() ({
      %run_scoped3A_223 = tpu.sem_alloc : memref<!tpu.dma_semaphore, #tpu.memory_space<semaphore_mem>>
      %dma_start3A = arith.constant 0 : i32
      %dma_start3A_224 = tpu.memref_slice %arg4[%select_n3A, %mul3A_39, %dma_start3A] : memref<16x512x512xi32, #tpu.memory_space<hbm>> -> memref<1x8x512xi32, #tpu.memory_space<hbm>>
      %dma_start3A_225 = tpu.memref_squeeze %dma_start3A_224 : memref<1x8x512xi32, #tpu.memory_space<hbm>> -> memref<8x512xi32, #tpu.memory_space<hbm>>
      %dma_start3A_226 = arith.constant 0 : i32
      %dma_start3A_227 = tpu.memref_slice %arg4[%select_n3A, %mul3A_39, %dma_start3A_226] : memref<16x512x512xi32, #tpu.memory_space<hbm>> -> memref<1x8x512xi32, #tpu.memory_space<hbm>>
      %dma_start3A_228 = tpu.memref_squeeze %dma_start3A_227 : memref<1x8x512xi32, #tpu.memory_space<hbm>> -> memref<8x512xi32, #tpu.memory_space<hbm>>
      tpu.enqueue_dma source(%dma_start3A_228 : memref<8x512xi32, #tpu.memory_space<hbm>>) target(%arg12 : memref<8x512xi32, #tpu.memory_space<vmem>>) target_semaphore(%run_scoped3A_223 : memref<!tpu.dma_semaphore, #tpu.memory_space<semaphore_mem>>)
      %dma_wait3A = arith.constant 0 : i32
      %dma_wait3A_229 = tpu.memref_slice %arg4[%select_n3A, %mul3A_39, %dma_wait3A] : memref<16x512x512xi32, #tpu.memory_space<hbm>> -> memref<1x8x512xi32, #tpu.memory_space<hbm>>
      %dma_wait3A_230 = tpu.memref_squeeze %dma_wait3A_229 : memref<1x8x512xi32, #tpu.memory_space<hbm>> -> memref<8x512xi32, #tpu.memory_space<hbm>>
      %dma_wait3A_231 = arith.constant 0 : i32
      %dma_wait3A_232 = tpu.memref_slice %arg4[%select_n3A, %mul3A_39, %dma_wait3A_231] : memref<16x512x512xi32, #tpu.memory_space<hbm>> -> memref<1x8x512xi32, #tpu.memory_space<hbm>>
      %dma_wait3A_233 = tpu.memref_squeeze %dma_wait3A_232 : memref<1x8x512xi32, #tpu.memory_space<hbm>> -> memref<8x512xi32, #tpu.memory_space<hbm>>
      tpu.wait_dma2 semaphore(%run_scoped3A_223 : memref<!tpu.dma_semaphore, #tpu.memory_space<semaphore_mem>>) src(%dma_wait3A_233 : memref<8x512xi32, #tpu.memory_space<hbm>>) dst(%arg12 : memref<8x512xi32, #tpu.memory_space<vmem>>)
      tpu.yield
    }) : () -> ()
    %scan3A = arith.constant 0 : i32
    %scan3A_43 = arith.constant 256 : i32
    %scan3A_44 = arith.addi %scan3A, %scan3A_43 : i32
    %scan3A_45 = arith.constant 1 : i32
    %scan3A_46:2 = scf.for %scan3A_223 = %scan3A to %scan3A_44 step %scan3A_45 iter_args(%scan3A_224 = %broadcast_in_dim3A_1, %scan3A_225 = %broadcast_in_dim3A_3) -> (vector<16xf32>, vector<16xf32>)  : i32 {
      %jit3A_226 = arith.constant 32 : i32
      %div3A_227 = arith.divsi %scan3A_223, %jit3A_226 : i32
      %sign3A_228 = arith.constant 0 : i32
      %sign3A_229 = arith.cmpi sgt, %scan3A_223, %sign3A_228 : i32
      %sign3A_230 = arith.extui %sign3A_229 : i1 to i32
      %sign3A_231 = arith.constant 0 : i32
      %sign3A_232 = arith.cmpi slt, %scan3A_223, %sign3A_231 : i32
      %sign3A_233 = arith.extui %sign3A_232 : i1 to i32
      %sign3A_234 = arith.subi %sign3A_230, %sign3A_233 : i32
      %sign3A_235 = arith.constant 0 : i32
      %sign3A_236 = arith.cmpi sgt, %jit3A_226, %sign3A_235 : i32
      %sign3A_237 = arith.extui %sign3A_236 : i1 to i32
      %sign3A_238 = arith.constant 0 : i32
      %sign3A_239 = arith.cmpi slt, %jit3A_226, %sign3A_238 : i32
      %sign3A_240 = arith.extui %sign3A_239 : i1 to i32
      %sign3A_241 = arith.subi %sign3A_237, %sign3A_240 : i32
      %ne3A_242 = arith.cmpi ne, %sign3A_234, %sign3A_241 : i32
      %rem3A_243 = arith.remsi %scan3A_223, %jit3A_226 : i32
      %ne3A_244 = arith.constant 0 : i32
      %ne3A_245 = arith.cmpi ne, %rem3A_243, %ne3A_244 : i32
      %and3A_246 = arith.andi %ne3A_242, %ne3A_245 : i1
      %sub3A_247 = arith.constant 1 : i32
      %sub3A_248 = arith.subi %div3A_227, %sub3A_247 : i32
      %select_n3A_249 = arith.select %and3A_246, %sub3A_248, %div3A_227 : i32
      %jit3A_250 = arith.constant 32 : i32
      %eq3A_251 = arith.constant 0 : i32
      %eq3A_252 = arith.cmpi eq, %jit3A_250, %eq3A_251 : i32
      %jit3A_253 = arith.constant 1 : i32
      %select_n3A_254 = arith.select %eq3A_252, %jit3A_253, %jit3A_250 : i32
      %rem3A_255 = arith.remsi %scan3A_223, %select_n3A_254 : i32
      %ne3A_256 = arith.constant 0 : i32
      %ne3A_257 = arith.cmpi ne, %rem3A_255, %ne3A_256 : i32
      %lt3A_258 = arith.constant 0 : i32
      %lt3A_259 = arith.cmpi slt, %rem3A_255, %lt3A_258 : i32
      %lt3A_260 = arith.constant 0 : i32
      %lt3A_261 = arith.cmpi slt, %select_n3A_254, %lt3A_260 : i32
      %ne3A_262 = arith.xori %lt3A_259, %lt3A_261 : i1
      %and3A_263 = arith.andi %ne3A_262, %ne3A_257 : i1
      %add3A_264 = arith.addi %rem3A_255, %select_n3A_254 : i32
      %select_n3A_265 = arith.select %and3A_263, %add3A_264, %rem3A_255 : i32
      %mul3A_266 = arith.constant 16 : i32
      %mul3A_267 = arith.muli %select_n3A_265, %mul3A_266 : i32
      %get3A = arith.index_cast %select_n3A_249 : i32 to index
      %get3A_268 = arith.index_cast %mul3A_267 : i32 to index
      %get3A_269 = tpu.vector_load %arg7[%get3A, %get3A_268] {strides = array<i32>} : memref<8x512xf32, #tpu.memory_space<vmem>>, vector<1x16xf32>,
      %get3A_270 = vector.shape_cast %get3A_269 : vector<1x16xf32> to vector<16xf32>
      %get3A_271 = arith.index_cast %select_n3A_249 : i32 to index
      %get3A_272 = arith.index_cast %mul3A_267 : i32 to index
      %get3A_273 = tpu.vector_load %arg8[%get3A_271, %get3A_272] {strides = array<i32>} : memref<8x512xf32, #tpu.memory_space<vmem>>, vector<1x16xf32>,
      %get3A_274 = vector.shape_cast %get3A_273 : vector<1x16xf32> to vector<16xf32>
      %get3A_275 = arith.index_cast %select_n3A_249 : i32 to index
      %get3A_276 = arith.index_cast %mul3A_267 : i32 to index
      %get3A_277 = tpu.vector_load %arg9[%get3A_275, %get3A_276] {strides = array<i32>} : memref<8x512xf32, #tpu.memory_space<vmem>>, vector<1x16xf32>,
      %get3A_278 = vector.shape_cast %get3A_277 : vector<1x16xf32> to vector<16xf32>
      %get3A_279 = arith.index_cast %select_n3A_249 : i32 to index
      %get3A_280 = arith.index_cast %mul3A_267 : i32 to index
      %get3A_281 = tpu.vector_load %arg10[%get3A_279, %get3A_280] {strides = array<i32>} : memref<8x512xf32, #tpu.memory_space<vmem>>, vector<1x16xf32>,
      %get3A_282 = vector.shape_cast %get3A_281 : vector<1x16xf32> to vector<16xf32>
      %exp3A = math.exp %get3A_270 : vector<16xf32>
      %exp3A_283 = math.exp %get3A_274 : vector<16xf32>
      %add3A_284 = arith.addf %exp3A, %exp3A_283 : vector<16xf32>
      %exp3A_285 = math.exp %get3A_278 : vector<16xf32>
      %exp3A_286 = math.exp %get3A_282 : vector<16xf32>
      %add3A_287 = arith.addf %exp3A_285, %exp3A_286 : vector<16xf32>
      %add3A_288 = arith.addf %add3A_284, %add3A_287 : vector<16xf32>
      %bitcast_convert_type3A = tpu.bitcast %add3A_288 : vector<16xf32> -> vector<16xi32>
      %shift_right_arithmetic3A = arith.constant 23 : i32
      %shift_right_arithmetic3A_289 = vector.broadcast %shift_right_arithmetic3A : i32 to vector<16xi32>
      %shift_right_arithmetic3A_290 = arith.shrsi %bitcast_convert_type3A, %shift_right_arithmetic3A_289 : vector<16xi32>
      %sub3A_291 = arith.constant 127 : i32
      %sub3A_292 = vector.broadcast %sub3A_291 : i32 to vector<16xi32>
      %sub3A_293 = arith.subi %shift_right_arithmetic3A_290, %sub3A_292 : vector<16xi32>
      %and3A_294 = arith.constant 8388607 : i32
      %and3A_295 = vector.broadcast %and3A_294 : i32 to vector<16xi32>
      %and3A_296 = arith.andi %bitcast_convert_type3A, %and3A_295 : vector<16xi32>
      %or3A = arith.constant 1065353216 : i32
      %or3A_297 = vector.broadcast %or3A : i32 to vector<16xi32>
      %or3A_298 = arith.ori %and3A_296, %or3A_297 : vector<16xi32>
      %bitcast_convert_type3A_299 = tpu.bitcast %or3A_298 : vector<16xi32> -> vector<16xf32>
      %broadcast_in_dim3A_300 = arith.constant -0.00615147082 : f32
      %broadcast_in_dim3A_301 = vector.broadcast %broadcast_in_dim3A_300 : f32 to vector<16xf32>
      %mul3A_302 = arith.mulf %broadcast_in_dim3A_301, %bitcast_convert_type3A_299 : vector<16xf32>
      %add3A_303 = arith.constant 0.084061481 : f32
      %add3A_304 = vector.broadcast %add3A_303 : f32 to vector<16xf32>
      %add3A_305 = arith.addf %mul3A_302, %add3A_304 : vector<16xf32>
      %mul3A_306 = arith.mulf %add3A_305, %bitcast_convert_type3A_299 : vector<16xf32>
      %add3A_307 = arith.constant -0.509441197 : f32
      %add3A_308 = vector.broadcast %add3A_307 : f32 to vector<16xf32>
      %add3A_309 = arith.addf %mul3A_306, %add3A_308 : vector<16xf32>
      %mul3A_310 = arith.mulf %add3A_309, %bitcast_convert_type3A_299 : vector<16xf32>
      %add3A_311 = arith.constant 1.80166125 : f32
      %add3A_312 = vector.broadcast %add3A_311 : f32 to vector<16xf32>
      %add3A_313 = arith.addf %mul3A_310, %add3A_312 : vector<16xf32>
      %mul3A_314 = arith.mulf %add3A_313, %bitcast_convert_type3A_299 : vector<16xf32>
      %add3A_315 = arith.constant -4.11806345 : f32
      %add3A_316 = vector.broadcast %add3A_315 : f32 to vector<16xf32>
      %add3A_317 = arith.addf %mul3A_314, %add3A_316 : vector<16xf32>
      %mul3A_318 = arith.mulf %add3A_317, %bitcast_convert_type3A_299 : vector<16xf32>
      %add3A_319 = arith.constant 6.37834406 : f32
      %add3A_320 = vector.broadcast %add3A_319 : f32 to vector<16xf32>
      %add3A_321 = arith.addf %mul3A_318, %add3A_320 : vector<16xf32>
      %mul3A_322 = arith.mulf %add3A_321, %bitcast_convert_type3A_299 : vector<16xf32>
      %add3A_323 = arith.constant -6.89453459 : f32
      %add3A_324 = vector.broadcast %add3A_323 : f32 to vector<16xf32>
      %add3A_325 = arith.addf %mul3A_322, %add3A_324 : vector<16xf32>
      %mul3A_326 = arith.mulf %add3A_325, %bitcast_convert_type3A_299 : vector<16xf32>
      %add3A_327 = arith.constant 5.63540745 : f32
      %add3A_328 = vector.broadcast %add3A_327 : f32 to vector<16xf32>
      %add3A_329 = arith.addf %mul3A_326, %add3A_328 : vector<16xf32>
      %mul3A_330 = arith.mulf %add3A_329, %bitcast_convert_type3A_299 : vector<16xf32>
      %add3A_331 = arith.constant -2.37128353 : f32
      %add3A_332 = vector.broadcast %add3A_331 : f32 to vector<16xf32>
      %add3A_333 = arith.addf %mul3A_330, %add3A_332 : vector<16xf32>
      %convert_element_type3A = arith.sitofp %sub3A_293 : vector<16xi32> to vector<16xf32>
      %mul3A_334 = arith.constant 0.693147182 : f32
      %mul3A_335 = vector.broadcast %mul3A_334 : f32 to vector<16xf32>
      %mul3A_336 = arith.mulf %convert_element_type3A, %mul3A_335 : vector<16xf32>
      %add3A_337 = arith.addf %mul3A_336, %add3A_333 : vector<16xf32>
      %get3A_338 = arith.index_cast %select_n3A_249 : i32 to index
      %get3A_339 = arith.index_cast %mul3A_267 : i32 to index
      %get3A_340 = tpu.vector_load %arg11[%get3A_338, %get3A_339] {strides = array<i32>} : memref<8x512xi32, #tpu.memory_space<vmem>>, vector<1x16xi32>,
      %get3A_341 = vector.shape_cast %get3A_340 : vector<1x16xi32> to vector<16xi32>
      %eq3A_342 = arith.constant 0 : i32
      %eq3A_343 = vector.broadcast %eq3A_342 : i32 to vector<16xi32>
      %eq3A_344 = arith.cmpi eq, %get3A_341, %eq3A_343 : vector<16xi32>
      %eq3A_345 = arith.constant 1 : i32
      %eq3A_346 = vector.broadcast %eq3A_345 : i32 to vector<16xi32>
      %eq3A_347 = arith.cmpi eq, %get3A_341, %eq3A_346 : vector<16xi32>
      %eq3A_348 = arith.constant 2 : i32
      %eq3A_349 = vector.broadcast %eq3A_348 : i32 to vector<16xi32>
      %eq3A_350 = arith.cmpi eq, %get3A_341, %eq3A_349 : vector<16xi32>
      %select_n3A_351 = arith.select %eq3A_350, %get3A_278, %get3A_282 : vector<16xi1>, vector<16xf32>
      %select_n3A_352 = arith.select %eq3A_347, %get3A_274, %select_n3A_351 : vector<16xi1>, vector<16xf32>
      %select_n3A_353 = arith.select %eq3A_344, %get3A_270, %select_n3A_352 : vector<16xi1>, vector<16xf32>
      %sub3A_354 = arith.subf %add3A_337, %select_n3A_353 : vector<16xf32>
      %jit3A_355 = arith.constant 1.000050e-04 : f32
      %jit3A_356 = arith.constant 9.21034049 : f32
      %max3A = vector.broadcast %jit3A_355 : f32 to vector<16xf32>
      %max3A_357 = arith.maximumf %max3A, %sub3A_354 : vector<16xf32>
      %min3A = vector.broadcast %jit3A_356 : f32 to vector<16xf32>
      %min3A_358 = arith.minimumf %min3A, %max3A_357 : vector<16xf32>
      %get3A_359 = arith.index_cast %select_n3A_249 : i32 to index
      %get3A_360 = arith.index_cast %mul3A_267 : i32 to index
      %get3A_361 = tpu.vector_load %arg12[%get3A_359, %get3A_360] {strides = array<i32>} : memref<8x512xi32, #tpu.memory_space<vmem>>, vector<1x16xi32>,
      %get3A_362 = vector.shape_cast %get3A_361 : vector<1x16xi32> to vector<16xi32>
      %ne3A_363 = arith.constant 0 : i32
      %ne3A_364 = vector.broadcast %ne3A_363 : i32 to vector<16xi32>
      %ne3A_365 = arith.cmpi ne, %get3A_362, %ne3A_364 : vector<16xi32>
      %jit3A_366 = arith.constant 0.000000e+00 : f32
      %broadcast_in_dim3A_367 = vector.broadcast %jit3A_366 : f32 to vector<16xf32>
      %select_n3A_368 = arith.select %ne3A_365, %min3A_358, %broadcast_in_dim3A_367 : vector<16xi1>, vector<16xf32>
      %add3A_369 = arith.addf %scan3A_224, %select_n3A_368 : vector<16xf32>
      %jit3A_370 = arith.constant 1.000000e+00 : f32
      %jit3A_371 = arith.constant 0.000000e+00 : f32
      %broadcast_in_dim3A_372 = vector.broadcast %jit3A_370 : f32 to vector<16xf32>
      %broadcast_in_dim3A_373 = vector.broadcast %jit3A_371 : f32 to vector<16xf32>
      %select_n3A_374 = arith.select %ne3A_365, %broadcast_in_dim3A_372, %broadcast_in_dim3A_373 : vector<16xi1>, vector<16xf32>
      %add3A_375 = arith.addf %scan3A_225, %select_n3A_374 : vector<16xf32>
      scf.yield %add3A_369, %add3A_375 : vector<16xf32>, vector<16xf32>
    }
    %scan3A_47 = arith.constant 256 : i32
    %mul3A_48 = arith.constant 4 : i32
    %mul3A_49 = arith.muli %add3A, %mul3A_48 : i32
    %add3A_50 = arith.constant 1 : i32
    %add3A_51 = arith.addi %mul3A_49, %add3A_50 : i32
    %jit3A_52 = arith.constant 64 : i32
    %div3A_53 = arith.divsi %add3A_51, %jit3A_52 : i32
    %sign3A_54 = arith.constant 0 : i32
    %sign3A_55 = arith.cmpi sgt, %add3A_51, %sign3A_54 : i32
    %sign3A_56 = arith.extui %sign3A_55 : i1 to i32
    %sign3A_57 = arith.constant 0 : i32
    %sign3A_58 = arith.cmpi slt, %add3A_51, %sign3A_57 : i32
    %sign3A_59 = arith.extui %sign3A_58 : i1 to i32
    %sign3A_60 = arith.subi %sign3A_56, %sign3A_59 : i32
    %sign3A_61 = arith.constant 0 : i32
    %sign3A_62 = arith.cmpi sgt, %jit3A_52, %sign3A_61 : i32
    %sign3A_63 = arith.extui %sign3A_62 : i1 to i32
    %sign3A_64 = arith.constant 0 : i32
    %sign3A_65 = arith.cmpi slt, %jit3A_52, %sign3A_64 : i32
    %sign3A_66 = arith.extui %sign3A_65 : i1 to i32
    %sign3A_67 = arith.subi %sign3A_63, %sign3A_66 : i32
    %ne3A_68 = arith.cmpi ne, %sign3A_60, %sign3A_67 : i32
    %rem3A_69 = arith.remsi %add3A_51, %jit3A_52 : i32
    %ne3A_70 = arith.constant 0 : i32
    %ne3A_71 = arith.cmpi ne, %rem3A_69, %ne3A_70 : i32
    %and3A_72 = arith.andi %ne3A_68, %ne3A_71 : i1
    %sub3A_73 = arith.constant 1 : i32
    %sub3A_74 = arith.subi %div3A_53, %sub3A_73 : i32
    %select_n3A_75 = arith.select %and3A_72, %sub3A_74, %div3A_53 : i32
    %jit3A_76 = arith.constant 64 : i32
    %eq3A_77 = arith.constant 0 : i32
    %eq3A_78 = arith.cmpi eq, %jit3A_76, %eq3A_77 : i32
    %jit3A_79 = arith.constant 1 : i32
    %select_n3A_80 = arith.select %eq3A_78, %jit3A_79, %jit3A_76 : i32
    %rem3A_81 = arith.remsi %add3A_51, %select_n3A_80 : i32
    %ne3A_82 = arith.constant 0 : i32
    %ne3A_83 = arith.cmpi ne, %rem3A_81, %ne3A_82 : i32
    %lt3A_84 = arith.constant 0 : i32
    %lt3A_85 = arith.cmpi slt, %rem3A_81, %lt3A_84 : i32
    %lt3A_86 = arith.constant 0 : i32
    %lt3A_87 = arith.cmpi slt, %select_n3A_80, %lt3A_86 : i32
    %ne3A_88 = arith.xori %lt3A_85, %lt3A_87 : i1
    %and3A_89 = arith.andi %ne3A_88, %ne3A_83 : i1
    %add3A_90 = arith.addi %rem3A_81, %select_n3A_80 : i32
    %select_n3A_91 = arith.select %and3A_89, %add3A_90, %rem3A_81 : i32
    %mul3A_92 = arith.constant 8 : i32
    %mul3A_93 = arith.muli %select_n3A_91, %mul3A_92 : i32
    %run_scoped3A_94 = arith.constant 0 : i32
    "tpu.region"() ({
      %run_scoped3A_223 = tpu.sem_alloc : memref<!tpu.dma_semaphore, #tpu.memory_space<semaphore_mem>>
      %dma_start3A = arith.constant 0 : i32
      %dma_start3A_224 = tpu.memref_slice %arg2[%select_n3A_75, %run_scoped3A_94, %mul3A_93, %dma_start3A] : memref<16x4x512x512xf32, #tpu.memory_space<hbm>> -> memref<1x1x8x512xf32, #tpu.memory_space<hbm>>
      %dma_start3A_225 = tpu.memref_squeeze %dma_start3A_224 : memref<1x1x8x512xf32, #tpu.memory_space<hbm>> -> memref<8x512xf32, #tpu.memory_space<hbm>>
      %dma_start3A_226 = arith.constant 0 : i32
      %dma_start3A_227 = tpu.memref_slice %arg2[%select_n3A_75, %run_scoped3A_94, %mul3A_93, %dma_start3A_226] : memref<16x4x512x512xf32, #tpu.memory_space<hbm>> -> memref<1x1x8x512xf32, #tpu.memory_space<hbm>>
      %dma_start3A_228 = tpu.memref_squeeze %dma_start3A_227 : memref<1x1x8x512xf32, #tpu.memory_space<hbm>> -> memref<8x512xf32, #tpu.memory_space<hbm>>
      tpu.enqueue_dma source(%dma_start3A_228 : memref<8x512xf32, #tpu.memory_space<hbm>>) target(%arg7 : memref<8x512xf32, #tpu.memory_space<vmem>>) target_semaphore(%run_scoped3A_223 : memref<!tpu.dma_semaphore, #tpu.memory_space<semaphore_mem>>)
      %dma_wait3A = arith.constant 0 : i32
      %dma_wait3A_229 = tpu.memref_slice %arg2[%select_n3A_75, %run_scoped3A_94, %mul3A_93, %dma_wait3A] : memref<16x4x512x512xf32, #tpu.memory_space<hbm>> -> memref<1x1x8x512xf32, #tpu.memory_space<hbm>>
      %dma_wait3A_230 = tpu.memref_squeeze %dma_wait3A_229 : memref<1x1x8x512xf32, #tpu.memory_space<hbm>> -> memref<8x512xf32, #tpu.memory_space<hbm>>
      %dma_wait3A_231 = arith.constant 0 : i32
      %dma_wait3A_232 = tpu.memref_slice %arg2[%select_n3A_75, %run_scoped3A_94, %mul3A_93, %dma_wait3A_231] : memref<16x4x512x512xf32, #tpu.memory_space<hbm>> -> memref<1x1x8x512xf32, #tpu.memory_space<hbm>>
      %dma_wait3A_233 = tpu.memref_squeeze %dma_wait3A_232 : memref<1x1x8x512xf32, #tpu.memory_space<hbm>> -> memref<8x512xf32, #tpu.memory_space<hbm>>
      tpu.wait_dma2 semaphore(%run_scoped3A_223 : memref<!tpu.dma_semaphore, #tpu.memory_space<semaphore_mem>>) src(%dma_wait3A_233 : memref<8x512xf32, #tpu.memory_space<hbm>>) dst(%arg7 : memref<8x512xf32, #tpu.memory_space<vmem>>)
      tpu.yield
    }) : () -> ()
    %run_scoped3A_95 = arith.constant 1 : i32
    "tpu.region"() ({
      %run_scoped3A_223 = tpu.sem_alloc : memref<!tpu.dma_semaphore, #tpu.memory_space<semaphore_mem>>
      %dma_start3A = arith.constant 0 : i32
      %dma_start3A_224 = tpu.memref_slice %arg2[%select_n3A_75, %run_scoped3A_95, %mul3A_93, %dma_start3A] : memref<16x4x512x512xf32, #tpu.memory_space<hbm>> -> memref<1x1x8x512xf32, #tpu.memory_space<hbm>>
      %dma_start3A_225 = tpu.memref_squeeze %dma_start3A_224 : memref<1x1x8x512xf32, #tpu.memory_space<hbm>> -> memref<8x512xf32, #tpu.memory_space<hbm>>
      %dma_start3A_226 = arith.constant 0 : i32
      %dma_start3A_227 = tpu.memref_slice %arg2[%select_n3A_75, %run_scoped3A_95, %mul3A_93, %dma_start3A_226] : memref<16x4x512x512xf32, #tpu.memory_space<hbm>> -> memref<1x1x8x512xf32, #tpu.memory_space<hbm>>
      %dma_start3A_228 = tpu.memref_squeeze %dma_start3A_227 : memref<1x1x8x512xf32, #tpu.memory_space<hbm>> -> memref<8x512xf32, #tpu.memory_space<hbm>>
      tpu.enqueue_dma source(%dma_start3A_228 : memref<8x512xf32, #tpu.memory_space<hbm>>) target(%arg8 : memref<8x512xf32, #tpu.memory_space<vmem>>) target_semaphore(%run_scoped3A_223 : memref<!tpu.dma_semaphore, #tpu.memory_space<semaphore_mem>>)
      %dma_wait3A = arith.constant 0 : i32
      %dma_wait3A_229 = tpu.memref_slice %arg2[%select_n3A_75, %run_scoped3A_95, %mul3A_93, %dma_wait3A] : memref<16x4x512x512xf32, #tpu.memory_space<hbm>> -> memref<1x1x8x512xf32, #tpu.memory_space<hbm>>
      %dma_wait3A_230 = tpu.memref_squeeze %dma_wait3A_229 : memref<1x1x8x512xf32, #tpu.memory_space<hbm>> -> memref<8x512xf32, #tpu.memory_space<hbm>>
      %dma_wait3A_231 = arith.constant 0 : i32
      %dma_wait3A_232 = tpu.memref_slice %arg2[%select_n3A_75, %run_scoped3A_95, %mul3A_93, %dma_wait3A_231] : memref<16x4x512x512xf32, #tpu.memory_space<hbm>> -> memref<1x1x8x512xf32, #tpu.memory_space<hbm>>
      %dma_wait3A_233 = tpu.memref_squeeze %dma_wait3A_232 : memref<1x1x8x512xf32, #tpu.memory_space<hbm>> -> memref<8x512xf32, #tpu.memory_space<hbm>>
      tpu.wait_dma2 semaphore(%run_scoped3A_223 : memref<!tpu.dma_semaphore, #tpu.memory_space<semaphore_mem>>) src(%dma_wait3A_233 : memref<8x512xf32, #tpu.memory_space<hbm>>) dst(%arg8 : memref<8x512xf32, #tpu.memory_space<vmem>>)
      tpu.yield
    }) : () -> ()
    %run_scoped3A_96 = arith.constant 2 : i32
    "tpu.region"() ({
      %run_scoped3A_223 = tpu.sem_alloc : memref<!tpu.dma_semaphore, #tpu.memory_space<semaphore_mem>>
      %dma_start3A = arith.constant 0 : i32
      %dma_start3A_224 = tpu.memref_slice %arg2[%select_n3A_75, %run_scoped3A_96, %mul3A_93, %dma_start3A] : memref<16x4x512x512xf32, #tpu.memory_space<hbm>> -> memref<1x1x8x512xf32, #tpu.memory_space<hbm>>
      %dma_start3A_225 = tpu.memref_squeeze %dma_start3A_224 : memref<1x1x8x512xf32, #tpu.memory_space<hbm>> -> memref<8x512xf32, #tpu.memory_space<hbm>>
      %dma_start3A_226 = arith.constant 0 : i32
      %dma_start3A_227 = tpu.memref_slice %arg2[%select_n3A_75, %run_scoped3A_96, %mul3A_93, %dma_start3A_226] : memref<16x4x512x512xf32, #tpu.memory_space<hbm>> -> memref<1x1x8x512xf32, #tpu.memory_space<hbm>>
      %dma_start3A_228 = tpu.memref_squeeze %dma_start3A_227 : memref<1x1x8x512xf32, #tpu.memory_space<hbm>> -> memref<8x512xf32, #tpu.memory_space<hbm>>
      tpu.enqueue_dma source(%dma_start3A_228 : memref<8x512xf32, #tpu.memory_space<hbm>>) target(%arg9 : memref<8x512xf32, #tpu.memory_space<vmem>>) target_semaphore(%run_scoped3A_223 : memref<!tpu.dma_semaphore, #tpu.memory_space<semaphore_mem>>)
      %dma_wait3A = arith.constant 0 : i32
      %dma_wait3A_229 = tpu.memref_slice %arg2[%select_n3A_75, %run_scoped3A_96, %mul3A_93, %dma_wait3A] : memref<16x4x512x512xf32, #tpu.memory_space<hbm>> -> memref<1x1x8x512xf32, #tpu.memory_space<hbm>>
      %dma_wait3A_230 = tpu.memref_squeeze %dma_wait3A_229 : memref<1x1x8x512xf32, #tpu.memory_space<hbm>> -> memref<8x512xf32, #tpu.memory_space<hbm>>
      %dma_wait3A_231 = arith.constant 0 : i32
      %dma_wait3A_232 = tpu.memref_slice %arg2[%select_n3A_75, %run_scoped3A_96, %mul3A_93, %dma_wait3A_231] : memref<16x4x512x512xf32, #tpu.memory_space<hbm>> -> memref<1x1x8x512xf32, #tpu.memory_space<hbm>>
      %dma_wait3A_233 = tpu.memref_squeeze %dma_wait3A_232 : memref<1x1x8x512xf32, #tpu.memory_space<hbm>> -> memref<8x512xf32, #tpu.memory_space<hbm>>
      tpu.wait_dma2 semaphore(%run_scoped3A_223 : memref<!tpu.dma_semaphore, #tpu.memory_space<semaphore_mem>>) src(%dma_wait3A_233 : memref<8x512xf32, #tpu.memory_space<hbm>>) dst(%arg9 : memref<8x512xf32, #tpu.memory_space<vmem>>)
      tpu.yield
    }) : () -> ()
    %run_scoped3A_97 = arith.constant 3 : i32
    "tpu.region"() ({
      %run_scoped3A_223 = tpu.sem_alloc : memref<!tpu.dma_semaphore, #tpu.memory_space<semaphore_mem>>
      %dma_start3A = arith.constant 0 : i32
      %dma_start3A_224 = tpu.memref_slice %arg2[%select_n3A_75, %run_scoped3A_97, %mul3A_93, %dma_start3A] : memref<16x4x512x512xf32, #tpu.memory_space<hbm>> -> memref<1x1x8x512xf32, #tpu.memory_space<hbm>>
      %dma_start3A_225 = tpu.memref_squeeze %dma_start3A_224 : memref<1x1x8x512xf32, #tpu.memory_space<hbm>> -> memref<8x512xf32, #tpu.memory_space<hbm>>
      %dma_start3A_226 = arith.constant 0 : i32
      %dma_start3A_227 = tpu.memref_slice %arg2[%select_n3A_75, %run_scoped3A_97, %mul3A_93, %dma_start3A_226] : memref<16x4x512x512xf32, #tpu.memory_space<hbm>> -> memref<1x1x8x512xf32, #tpu.memory_space<hbm>>
      %dma_start3A_228 = tpu.memref_squeeze %dma_start3A_227 : memref<1x1x8x512xf32, #tpu.memory_space<hbm>> -> memref<8x512xf32, #tpu.memory_space<hbm>>
      tpu.enqueue_dma source(%dma_start3A_228 : memref<8x512xf32, #tpu.memory_space<hbm>>) target(%arg10 : memref<8x512xf32, #tpu.memory_space<vmem>>) target_semaphore(%run_scoped3A_223 : memref<!tpu.dma_semaphore, #tpu.memory_space<semaphore_mem>>)
      %dma_wait3A = arith.constant 0 : i32
      %dma_wait3A_229 = tpu.memref_slice %arg2[%select_n3A_75, %run_scoped3A_97, %mul3A_93, %dma_wait3A] : memref<16x4x512x512xf32, #tpu.memory_space<hbm>> -> memref<1x1x8x512xf32, #tpu.memory_space<hbm>>
      %dma_wait3A_230 = tpu.memref_squeeze %dma_wait3A_229 : memref<1x1x8x512xf32, #tpu.memory_space<hbm>> -> memref<8x512xf32, #tpu.memory_space<hbm>>
      %dma_wait3A_231 = arith.constant 0 : i32
      %dma_wait3A_232 = tpu.memref_slice %arg2[%select_n3A_75, %run_scoped3A_97, %mul3A_93, %dma_wait3A_231] : memref<16x4x512x512xf32, #tpu.memory_space<hbm>> -> memref<1x1x8x512xf32, #tpu.memory_space<hbm>>
      %dma_wait3A_233 = tpu.memref_squeeze %dma_wait3A_232 : memref<1x1x8x512xf32, #tpu.memory_space<hbm>> -> memref<8x512xf32, #tpu.memory_space<hbm>>
      tpu.wait_dma2 semaphore(%run_scoped3A_223 : memref<!tpu.dma_semaphore, #tpu.memory_space<semaphore_mem>>) src(%dma_wait3A_233 : memref<8x512xf32, #tpu.memory_space<hbm>>) dst(%arg10 : memref<8x512xf32, #tpu.memory_space<vmem>>)
      tpu.yield
    }) : () -> ()
    "tpu.region"() ({
      %run_scoped3A_223 = tpu.sem_alloc : memref<!tpu.dma_semaphore, #tpu.memory_space<semaphore_mem>>
      %dma_start3A = arith.constant 0 : i32
      %dma_start3A_224 = tpu.memref_slice %arg3[%select_n3A_75, %mul3A_93, %dma_start3A] : memref<16x512x512xi32, #tpu.memory_space<hbm>> -> memref<1x8x512xi32, #tpu.memory_space<hbm>>
      %dma_start3A_225 = tpu.memref_squeeze %dma_start3A_224 : memref<1x8x512xi32, #tpu.memory_space<hbm>> -> memref<8x512xi32, #tpu.memory_space<hbm>>
      %dma_start3A_226 = arith.constant 0 : i32
      %dma_start3A_227 = tpu.memref_slice %arg3[%select_n3A_75, %mul3A_93, %dma_start3A_226] : memref<16x512x512xi32, #tpu.memory_space<hbm>> -> memref<1x8x512xi32, #tpu.memory_space<hbm>>
      %dma_start3A_228 = tpu.memref_squeeze %dma_start3A_227 : memref<1x8x512xi32, #tpu.memory_space<hbm>> -> memref<8x512xi32, #tpu.memory_space<hbm>>
      tpu.enqueue_dma source(%dma_start3A_228 : memref<8x512xi32, #tpu.memory_space<hbm>>) target(%arg11 : memref<8x512xi32, #tpu.memory_space<vmem>>) target_semaphore(%run_scoped3A_223 : memref<!tpu.dma_semaphore, #tpu.memory_space<semaphore_mem>>)
      %dma_wait3A = arith.constant 0 : i32
      %dma_wait3A_229 = tpu.memref_slice %arg3[%select_n3A_75, %mul3A_93, %dma_wait3A] : memref<16x512x512xi32, #tpu.memory_space<hbm>> -> memref<1x8x512xi32, #tpu.memory_space<hbm>>
      %dma_wait3A_230 = tpu.memref_squeeze %dma_wait3A_229 : memref<1x8x512xi32, #tpu.memory_space<hbm>> -> memref<8x512xi32, #tpu.memory_space<hbm>>
      %dma_wait3A_231 = arith.constant 0 : i32
      %dma_wait3A_232 = tpu.memref_slice %arg3[%select_n3A_75, %mul3A_93, %dma_wait3A_231] : memref<16x512x512xi32, #tpu.memory_space<hbm>> -> memref<1x8x512xi32, #tpu.memory_space<hbm>>
      %dma_wait3A_233 = tpu.memref_squeeze %dma_wait3A_232 : memref<1x8x512xi32, #tpu.memory_space<hbm>> -> memref<8x512xi32, #tpu.memory_space<hbm>>
      tpu.wait_dma2 semaphore(%run_scoped3A_223 : memref<!tpu.dma_semaphore, #tpu.memory_space<semaphore_mem>>) src(%dma_wait3A_233 : memref<8x512xi32, #tpu.memory_space<hbm>>) dst(%arg11 : memref<8x512xi32, #tpu.memory_space<vmem>>)
      tpu.yield
    }) : () -> ()
    "tpu.region"() ({
      %run_scoped3A_223 = tpu.sem_alloc : memref<!tpu.dma_semaphore, #tpu.memory_space<semaphore_mem>>
      %dma_start3A = arith.constant 0 : i32
      %dma_start3A_224 = tpu.memref_slice %arg4[%select_n3A_75, %mul3A_93, %dma_start3A] : memref<16x512x512xi32, #tpu.memory_space<hbm>> -> memref<1x8x512xi32, #tpu.memory_space<hbm>>
      %dma_start3A_225 = tpu.memref_squeeze %dma_start3A_224 : memref<1x8x512xi32, #tpu.memory_space<hbm>> -> memref<8x512xi32, #tpu.memory_space<hbm>>
      %dma_start3A_226 = arith.constant 0 : i32
      %dma_start3A_227 = tpu.memref_slice %arg4[%select_n3A_75, %mul3A_93, %dma_start3A_226] : memref<16x512x512xi32, #tpu.memory_space<hbm>> -> memref<1x8x512xi32, #tpu.memory_space<hbm>>
      %dma_start3A_228 = tpu.memref_squeeze %dma_start3A_227 : memref<1x8x512xi32, #tpu.memory_space<hbm>> -> memref<8x512xi32, #tpu.memory_space<hbm>>
      tpu.enqueue_dma source(%dma_start3A_228 : memref<8x512xi32, #tpu.memory_space<hbm>>) target(%arg12 : memref<8x512xi32, #tpu.memory_space<vmem>>) target_semaphore(%run_scoped3A_223 : memref<!tpu.dma_semaphore, #tpu.memory_space<semaphore_mem>>)
      %dma_wait3A = arith.constant 0 : i32
      %dma_wait3A_229 = tpu.memref_slice %arg4[%select_n3A_75, %mul3A_93, %dma_wait3A] : memref<16x512x512xi32, #tpu.memory_space<hbm>> -> memref<1x8x512xi32, #tpu.memory_space<hbm>>
      %dma_wait3A_230 = tpu.memref_squeeze %dma_wait3A_229 : memref<1x8x512xi32, #tpu.memory_space<hbm>> -> memref<8x512xi32, #tpu.memory_space<hbm>>
      %dma_wait3A_231 = arith.constant 0 : i32
      %dma_wait3A_232 = tpu.memref_slice %arg4[%select_n3A_75, %mul3A_93, %dma_wait3A_231] : memref<16x512x512xi32, #tpu.memory_space<hbm>> -> memref<1x8x512xi32, #tpu.memory_space<hbm>>
      %dma_wait3A_233 = tpu.memref_squeeze %dma_wait3A_232 : memref<1x8x512xi32, #tpu.memory_space<hbm>> -> memref<8x512xi32, #tpu.memory_space<hbm>>
      tpu.wait_dma2 semaphore(%run_scoped3A_223 : memref<!tpu.dma_semaphore, #tpu.memory_space<semaphore_mem>>) src(%dma_wait3A_233 : memref<8x512xi32, #tpu.memory_space<hbm>>) dst(%arg12 : memref<8x512xi32, #tpu.memory_space<vmem>>)
      tpu.yield
    }) : () -> ()
    %scan3A_98 = arith.constant 0 : i32
    %scan3A_99 = arith.constant 256 : i32
    %scan3A_100 = arith.addi %scan3A_98, %scan3A_99 : i32
    %scan3A_101 = arith.constant 1 : i32
    %scan3A_102:2 = scf.for %scan3A_223 = %scan3A_98 to %scan3A_100 step %scan3A_101 iter_args(%scan3A_224 = %scan3A_46#0, %scan3A_225 = %scan3A_46#1) -> (vector<16xf32>, vector<16xf32>)  : i32 {
      %jit3A_226 = arith.constant 32 : i32
      %div3A_227 = arith.divsi %scan3A_223, %jit3A_226 : i32
      %sign3A_228 = arith.constant 0 : i32
      %sign3A_229 = arith.cmpi sgt, %scan3A_223, %sign3A_228 : i32
      %sign3A_230 = arith.extui %sign3A_229 : i1 to i32
      %sign3A_231 = arith.constant 0 : i32
      %sign3A_232 = arith.cmpi slt, %scan3A_223, %sign3A_231 : i32
      %sign3A_233 = arith.extui %sign3A_232 : i1 to i32
      %sign3A_234 = arith.subi %sign3A_230, %sign3A_233 : i32
      %sign3A_235 = arith.constant 0 : i32
      %sign3A_236 = arith.cmpi sgt, %jit3A_226, %sign3A_235 : i32
      %sign3A_237 = arith.extui %sign3A_236 : i1 to i32
      %sign3A_238 = arith.constant 0 : i32
      %sign3A_239 = arith.cmpi slt, %jit3A_226, %sign3A_238 : i32
      %sign3A_240 = arith.extui %sign3A_239 : i1 to i32
      %sign3A_241 = arith.subi %sign3A_237, %sign3A_240 : i32
      %ne3A_242 = arith.cmpi ne, %sign3A_234, %sign3A_241 : i32
      %rem3A_243 = arith.remsi %scan3A_223, %jit3A_226 : i32
      %ne3A_244 = arith.constant 0 : i32
      %ne3A_245 = arith.cmpi ne, %rem3A_243, %ne3A_244 : i32
      %and3A_246 = arith.andi %ne3A_242, %ne3A_245 : i1
      %sub3A_247 = arith.constant 1 : i32
      %sub3A_248 = arith.subi %div3A_227, %sub3A_247 : i32
      %select_n3A_249 = arith.select %and3A_246, %sub3A_248, %div3A_227 : i32
      %jit3A_250 = arith.constant 32 : i32
      %eq3A_251 = arith.constant 0 : i32
      %eq3A_252 = arith.cmpi eq, %jit3A_250, %eq3A_251 : i32
      %jit3A_253 = arith.constant 1 : i32
      %select_n3A_254 = arith.select %eq3A_252, %jit3A_253, %jit3A_250 : i32
      %rem3A_255 = arith.remsi %scan3A_223, %select_n3A_254 : i32
      %ne3A_256 = arith.constant 0 : i32
      %ne3A_257 = arith.cmpi ne, %rem3A_255, %ne3A_256 : i32
      %lt3A_258 = arith.constant 0 : i32
      %lt3A_259 = arith.cmpi slt, %rem3A_255, %lt3A_258 : i32
      %lt3A_260 = arith.constant 0 : i32
      %lt3A_261 = arith.cmpi slt, %select_n3A_254, %lt3A_260 : i32
      %ne3A_262 = arith.xori %lt3A_259, %lt3A_261 : i1
      %and3A_263 = arith.andi %ne3A_262, %ne3A_257 : i1
      %add3A_264 = arith.addi %rem3A_255, %select_n3A_254 : i32
      %select_n3A_265 = arith.select %and3A_263, %add3A_264, %rem3A_255 : i32
      %mul3A_266 = arith.constant 16 : i32
      %mul3A_267 = arith.muli %select_n3A_265, %mul3A_266 : i32
      %get3A = arith.index_cast %select_n3A_249 : i32 to index
      %get3A_268 = arith.index_cast %mul3A_267 : i32 to index
      %get3A_269 = tpu.vector_load %arg7[%get3A, %get3A_268] {strides = array<i32>} : memref<8x512xf32, #tpu.memory_space<vmem>>, vector<1x16xf32>,
      %get3A_270 = vector.shape_cast %get3A_269 : vector<1x16xf32> to vector<16xf32>
      %get3A_271 = arith.index_cast %select_n3A_249 : i32 to index
      %get3A_272 = arith.index_cast %mul3A_267 : i32 to index
      %get3A_273 = tpu.vector_load %arg8[%get3A_271, %get3A_272] {strides = array<i32>} : memref<8x512xf32, #tpu.memory_space<vmem>>, vector<1x16xf32>,
      %get3A_274 = vector.shape_cast %get3A_273 : vector<1x16xf32> to vector<16xf32>
      %get3A_275 = arith.index_cast %select_n3A_249 : i32 to index
      %get3A_276 = arith.index_cast %mul3A_267 : i32 to index
      %get3A_277 = tpu.vector_load %arg9[%get3A_275, %get3A_276] {strides = array<i32>} : memref<8x512xf32, #tpu.memory_space<vmem>>, vector<1x16xf32>,
      %get3A_278 = vector.shape_cast %get3A_277 : vector<1x16xf32> to vector<16xf32>
      %get3A_279 = arith.index_cast %select_n3A_249 : i32 to index
      %get3A_280 = arith.index_cast %mul3A_267 : i32 to index
      %get3A_281 = tpu.vector_load %arg10[%get3A_279, %get3A_280] {strides = array<i32>} : memref<8x512xf32, #tpu.memory_space<vmem>>, vector<1x16xf32>,
      %get3A_282 = vector.shape_cast %get3A_281 : vector<1x16xf32> to vector<16xf32>
      %exp3A = math.exp %get3A_270 : vector<16xf32>
      %exp3A_283 = math.exp %get3A_274 : vector<16xf32>
      %add3A_284 = arith.addf %exp3A, %exp3A_283 : vector<16xf32>
      %exp3A_285 = math.exp %get3A_278 : vector<16xf32>
      %exp3A_286 = math.exp %get3A_282 : vector<16xf32>
      %add3A_287 = arith.addf %exp3A_285, %exp3A_286 : vector<16xf32>
      %add3A_288 = arith.addf %add3A_284, %add3A_287 : vector<16xf32>
      %bitcast_convert_type3A = tpu.bitcast %add3A_288 : vector<16xf32> -> vector<16xi32>
      %shift_right_arithmetic3A = arith.constant 23 : i32
      %shift_right_arithmetic3A_289 = vector.broadcast %shift_right_arithmetic3A : i32 to vector<16xi32>
      %shift_right_arithmetic3A_290 = arith.shrsi %bitcast_convert_type3A, %shift_right_arithmetic3A_289 : vector<16xi32>
      %sub3A_291 = arith.constant 127 : i32
      %sub3A_292 = vector.broadcast %sub3A_291 : i32 to vector<16xi32>
      %sub3A_293 = arith.subi %shift_right_arithmetic3A_290, %sub3A_292 : vector<16xi32>
      %and3A_294 = arith.constant 8388607 : i32
      %and3A_295 = vector.broadcast %and3A_294 : i32 to vector<16xi32>
      %and3A_296 = arith.andi %bitcast_convert_type3A, %and3A_295 : vector<16xi32>
      %or3A = arith.constant 1065353216 : i32
      %or3A_297 = vector.broadcast %or3A : i32 to vector<16xi32>
      %or3A_298 = arith.ori %and3A_296, %or3A_297 : vector<16xi32>
      %bitcast_convert_type3A_299 = tpu.bitcast %or3A_298 : vector<16xi32> -> vector<16xf32>
      %broadcast_in_dim3A_300 = arith.constant -0.00615147082 : f32
      %broadcast_in_dim3A_301 = vector.broadcast %broadcast_in_dim3A_300 : f32 to vector<16xf32>
      %mul3A_302 = arith.mulf %broadcast_in_dim3A_301, %bitcast_convert_type3A_299 : vector<16xf32>
      %add3A_303 = arith.constant 0.084061481 : f32
      %add3A_304 = vector.broadcast %add3A_303 : f32 to vector<16xf32>
      %add3A_305 = arith.addf %mul3A_302, %add3A_304 : vector<16xf32>
      %mul3A_306 = arith.mulf %add3A_305, %bitcast_convert_type3A_299 : vector<16xf32>
      %add3A_307 = arith.constant -0.509441197 : f32
      %add3A_308 = vector.broadcast %add3A_307 : f32 to vector<16xf32>
      %add3A_309 = arith.addf %mul3A_306, %add3A_308 : vector<16xf32>
      %mul3A_310 = arith.mulf %add3A_309, %bitcast_convert_type3A_299 : vector<16xf32>
      %add3A_311 = arith.constant 1.80166125 : f32
      %add3A_312 = vector.broadcast %add3A_311 : f32 to vector<16xf32>
      %add3A_313 = arith.addf %mul3A_310, %add3A_312 : vector<16xf32>
      %mul3A_314 = arith.mulf %add3A_313, %bitcast_convert_type3A_299 : vector<16xf32>
      %add3A_315 = arith.constant -4.11806345 : f32
      %add3A_316 = vector.broadcast %add3A_315 : f32 to vector<16xf32>
      %add3A_317 = arith.addf %mul3A_314, %add3A_316 : vector<16xf32>
      %mul3A_318 = arith.mulf %add3A_317, %bitcast_convert_type3A_299 : vector<16xf32>
      %add3A_319 = arith.constant 6.37834406 : f32
      %add3A_320 = vector.broadcast %add3A_319 : f32 to vector<16xf32>
      %add3A_321 = arith.addf %mul3A_318, %add3A_320 : vector<16xf32>
      %mul3A_322 = arith.mulf %add3A_321, %bitcast_convert_type3A_299 : vector<16xf32>
      %add3A_323 = arith.constant -6.89453459 : f32
      %add3A_324 = vector.broadcast %add3A_323 : f32 to vector<16xf32>
      %add3A_325 = arith.addf %mul3A_322, %add3A_324 : vector<16xf32>
      %mul3A_326 = arith.mulf %add3A_325, %bitcast_convert_type3A_299 : vector<16xf32>
      %add3A_327 = arith.constant 5.63540745 : f32
      %add3A_328 = vector.broadcast %add3A_327 : f32 to vector<16xf32>
      %add3A_329 = arith.addf %mul3A_326, %add3A_328 : vector<16xf32>
      %mul3A_330 = arith.mulf %add3A_329, %bitcast_convert_type3A_299 : vector<16xf32>
      %add3A_331 = arith.constant -2.37128353 : f32
      %add3A_332 = vector.broadcast %add3A_331 : f32 to vector<16xf32>
      %add3A_333 = arith.addf %mul3A_330, %add3A_332 : vector<16xf32>
      %convert_element_type3A = arith.sitofp %sub3A_293 : vector<16xi32> to vector<16xf32>
      %mul3A_334 = arith.constant 0.693147182 : f32
      %mul3A_335 = vector.broadcast %mul3A_334 : f32 to vector<16xf32>
      %mul3A_336 = arith.mulf %convert_element_type3A, %mul3A_335 : vector<16xf32>
      %add3A_337 = arith.addf %mul3A_336, %add3A_333 : vector<16xf32>
      %get3A_338 = arith.index_cast %select_n3A_249 : i32 to index
      %get3A_339 = arith.index_cast %mul3A_267 : i32 to index
      %get3A_340 = tpu.vector_load %arg11[%get3A_338, %get3A_339] {strides = array<i32>} : memref<8x512xi32, #tpu.memory_space<vmem>>, vector<1x16xi32>,
      %get3A_341 = vector.shape_cast %get3A_340 : vector<1x16xi32> to vector<16xi32>
      %eq3A_342 = arith.constant 0 : i32
      %eq3A_343 = vector.broadcast %eq3A_342 : i32 to vector<16xi32>
      %eq3A_344 = arith.cmpi eq, %get3A_341, %eq3A_343 : vector<16xi32>
      %eq3A_345 = arith.constant 1 : i32
      %eq3A_346 = vector.broadcast %eq3A_345 : i32 to vector<16xi32>
      %eq3A_347 = arith.cmpi eq, %get3A_341, %eq3A_346 : vector<16xi32>
      %eq3A_348 = arith.constant 2 : i32
      %eq3A_349 = vector.broadcast %eq3A_348 : i32 to vector<16xi32>
      %eq3A_350 = arith.cmpi eq, %get3A_341, %eq3A_349 : vector<16xi32>
      %select_n3A_351 = arith.select %eq3A_350, %get3A_278, %get3A_282 : vector<16xi1>, vector<16xf32>
      %select_n3A_352 = arith.select %eq3A_347, %get3A_274, %select_n3A_351 : vector<16xi1>, vector<16xf32>
      %select_n3A_353 = arith.select %eq3A_344, %get3A_270, %select_n3A_352 : vector<16xi1>, vector<16xf32>
      %sub3A_354 = arith.subf %add3A_337, %select_n3A_353 : vector<16xf32>
      %jit3A_355 = arith.constant 1.000050e-04 : f32
      %jit3A_356 = arith.constant 9.21034049 : f32
      %max3A = vector.broadcast %jit3A_355 : f32 to vector<16xf32>
      %max3A_357 = arith.maximumf %max3A, %sub3A_354 : vector<16xf32>
      %min3A = vector.broadcast %jit3A_356 : f32 to vector<16xf32>
      %min3A_358 = arith.minimumf %min3A, %max3A_357 : vector<16xf32>
      %get3A_359 = arith.index_cast %select_n3A_249 : i32 to index
      %get3A_360 = arith.index_cast %mul3A_267 : i32 to index
      %get3A_361 = tpu.vector_load %arg12[%get3A_359, %get3A_360] {strides = array<i32>} : memref<8x512xi32, #tpu.memory_space<vmem>>, vector<1x16xi32>,
      %get3A_362 = vector.shape_cast %get3A_361 : vector<1x16xi32> to vector<16xi32>
      %ne3A_363 = arith.constant 0 : i32
      %ne3A_364 = vector.broadcast %ne3A_363 : i32 to vector<16xi32>
      %ne3A_365 = arith.cmpi ne, %get3A_362, %ne3A_364 : vector<16xi32>
      %jit3A_366 = arith.constant 0.000000e+00 : f32
      %broadcast_in_dim3A_367 = vector.broadcast %jit3A_366 : f32 to vector<16xf32>
      %select_n3A_368 = arith.select %ne3A_365, %min3A_358, %broadcast_in_dim3A_367 : vector<16xi1>, vector<16xf32>
      %add3A_369 = arith.addf %scan3A_224, %select_n3A_368 : vector<16xf32>
      %jit3A_370 = arith.constant 1.000000e+00 : f32
      %jit3A_371 = arith.constant 0.000000e+00 : f32
      %broadcast_in_dim3A_372 = vector.broadcast %jit3A_370 : f32 to vector<16xf32>
      %broadcast_in_dim3A_373 = vector.broadcast %jit3A_371 : f32 to vector<16xf32>
      %select_n3A_374 = arith.select %ne3A_365, %broadcast_in_dim3A_372, %broadcast_in_dim3A_373 : vector<16xi1>, vector<16xf32>
      %add3A_375 = arith.addf %scan3A_225, %select_n3A_374 : vector<16xf32>
      scf.yield %add3A_369, %add3A_375 : vector<16xf32>, vector<16xf32>
    }
    %scan3A_103 = arith.constant 256 : i32
    %mul3A_104 = arith.constant 4 : i32
    %mul3A_105 = arith.muli %add3A, %mul3A_104 : i32
    %add3A_106 = arith.constant 2 : i32
    %add3A_107 = arith.addi %mul3A_105, %add3A_106 : i32
    %jit3A_108 = arith.constant 64 : i32
    %div3A_109 = arith.divsi %add3A_107, %jit3A_108 : i32
    %sign3A_110 = arith.constant 0 : i32
    %sign3A_111 = arith.cmpi sgt, %add3A_107, %sign3A_110 : i32
    %sign3A_112 = arith.extui %sign3A_111 : i1 to i32
    %sign3A_113 = arith.constant 0 : i32
    %sign3A_114 = arith.cmpi slt, %add3A_107, %sign3A_113 : i32
    %sign3A_115 = arith.extui %sign3A_114 : i1 to i32
    %sign3A_116 = arith.subi %sign3A_112, %sign3A_115 : i32
    %sign3A_117 = arith.constant 0 : i32
    %sign3A_118 = arith.cmpi sgt, %jit3A_108, %sign3A_117 : i32
    %sign3A_119 = arith.extui %sign3A_118 : i1 to i32
    %sign3A_120 = arith.constant 0 : i32
    %sign3A_121 = arith.cmpi slt, %jit3A_108, %sign3A_120 : i32
    %sign3A_122 = arith.extui %sign3A_121 : i1 to i32
    %sign3A_123 = arith.subi %sign3A_119, %sign3A_122 : i32
    %ne3A_124 = arith.cmpi ne, %sign3A_116, %sign3A_123 : i32
    %rem3A_125 = arith.remsi %add3A_107, %jit3A_108 : i32
    %ne3A_126 = arith.constant 0 : i32
    %ne3A_127 = arith.cmpi ne, %rem3A_125, %ne3A_126 : i32
    %and3A_128 = arith.andi %ne3A_124, %ne3A_127 : i1
    %sub3A_129 = arith.constant 1 : i32
    %sub3A_130 = arith.subi %div3A_109, %sub3A_129 : i32
    %select_n3A_131 = arith.select %and3A_128, %sub3A_130, %div3A_109 : i32
    %jit3A_132 = arith.constant 64 : i32
    %eq3A_133 = arith.constant 0 : i32
    %eq3A_134 = arith.cmpi eq, %jit3A_132, %eq3A_133 : i32
    %jit3A_135 = arith.constant 1 : i32
    %select_n3A_136 = arith.select %eq3A_134, %jit3A_135, %jit3A_132 : i32
    %rem3A_137 = arith.remsi %add3A_107, %select_n3A_136 : i32
    %ne3A_138 = arith.constant 0 : i32
    %ne3A_139 = arith.cmpi ne, %rem3A_137, %ne3A_138 : i32
    %lt3A_140 = arith.constant 0 : i32
    %lt3A_141 = arith.cmpi slt, %rem3A_137, %lt3A_140 : i32
    %lt3A_142 = arith.constant 0 : i32
    %lt3A_143 = arith.cmpi slt, %select_n3A_136, %lt3A_142 : i32
    %ne3A_144 = arith.xori %lt3A_141, %lt3A_143 : i1
    %and3A_145 = arith.andi %ne3A_144, %ne3A_139 : i1
    %add3A_146 = arith.addi %rem3A_137, %select_n3A_136 : i32
    %select_n3A_147 = arith.select %and3A_145, %add3A_146, %rem3A_137 : i32
    %mul3A_148 = arith.constant 8 : i32
    %mul3A_149 = arith.muli %select_n3A_147, %mul3A_148 : i32
    %run_scoped3A_150 = arith.constant 0 : i32
    "tpu.region"() ({
      %run_scoped3A_223 = tpu.sem_alloc : memref<!tpu.dma_semaphore, #tpu.memory_space<semaphore_mem>>
      %dma_start3A = arith.constant 0 : i32
      %dma_start3A_224 = tpu.memref_slice %arg2[%select_n3A_131, %run_scoped3A_150, %mul3A_149, %dma_start3A] : memref<16x4x512x512xf32, #tpu.memory_space<hbm>> -> memref<1x1x8x512xf32, #tpu.memory_space<hbm>>
      %dma_start3A_225 = tpu.memref_squeeze %dma_start3A_224 : memref<1x1x8x512xf32, #tpu.memory_space<hbm>> -> memref<8x512xf32, #tpu.memory_space<hbm>>
      %dma_start3A_226 = arith.constant 0 : i32
      %dma_start3A_227 = tpu.memref_slice %arg2[%select_n3A_131, %run_scoped3A_150, %mul3A_149, %dma_start3A_226] : memref<16x4x512x512xf32, #tpu.memory_space<hbm>> -> memref<1x1x8x512xf32, #tpu.memory_space<hbm>>
      %dma_start3A_228 = tpu.memref_squeeze %dma_start3A_227 : memref<1x1x8x512xf32, #tpu.memory_space<hbm>> -> memref<8x512xf32, #tpu.memory_space<hbm>>
      tpu.enqueue_dma source(%dma_start3A_228 : memref<8x512xf32, #tpu.memory_space<hbm>>) target(%arg7 : memref<8x512xf32, #tpu.memory_space<vmem>>) target_semaphore(%run_scoped3A_223 : memref<!tpu.dma_semaphore, #tpu.memory_space<semaphore_mem>>)
      %dma_wait3A = arith.constant 0 : i32
      %dma_wait3A_229 = tpu.memref_slice %arg2[%select_n3A_131, %run_scoped3A_150, %mul3A_149, %dma_wait3A] : memref<16x4x512x512xf32, #tpu.memory_space<hbm>> -> memref<1x1x8x512xf32, #tpu.memory_space<hbm>>
      %dma_wait3A_230 = tpu.memref_squeeze %dma_wait3A_229 : memref<1x1x8x512xf32, #tpu.memory_space<hbm>> -> memref<8x512xf32, #tpu.memory_space<hbm>>
      %dma_wait3A_231 = arith.constant 0 : i32
      %dma_wait3A_232 = tpu.memref_slice %arg2[%select_n3A_131, %run_scoped3A_150, %mul3A_149, %dma_wait3A_231] : memref<16x4x512x512xf32, #tpu.memory_space<hbm>> -> memref<1x1x8x512xf32, #tpu.memory_space<hbm>>
      %dma_wait3A_233 = tpu.memref_squeeze %dma_wait3A_232 : memref<1x1x8x512xf32, #tpu.memory_space<hbm>> -> memref<8x512xf32, #tpu.memory_space<hbm>>
      tpu.wait_dma2 semaphore(%run_scoped3A_223 : memref<!tpu.dma_semaphore, #tpu.memory_space<semaphore_mem>>) src(%dma_wait3A_233 : memref<8x512xf32, #tpu.memory_space<hbm>>) dst(%arg7 : memref<8x512xf32, #tpu.memory_space<vmem>>)
      tpu.yield
    }) : () -> ()
    %run_scoped3A_151 = arith.constant 1 : i32
    "tpu.region"() ({
      %run_scoped3A_223 = tpu.sem_alloc : memref<!tpu.dma_semaphore, #tpu.memory_space<semaphore_mem>>
      %dma_start3A = arith.constant 0 : i32
      %dma_start3A_224 = tpu.memref_slice %arg2[%select_n3A_131, %run_scoped3A_151, %mul3A_149, %dma_start3A] : memref<16x4x512x512xf32, #tpu.memory_space<hbm>> -> memref<1x1x8x512xf32, #tpu.memory_space<hbm>>
      %dma_start3A_225 = tpu.memref_squeeze %dma_start3A_224 : memref<1x1x8x512xf32, #tpu.memory_space<hbm>> -> memref<8x512xf32, #tpu.memory_space<hbm>>
      %dma_start3A_226 = arith.constant 0 : i32
      %dma_start3A_227 = tpu.memref_slice %arg2[%select_n3A_131, %run_scoped3A_151, %mul3A_149, %dma_start3A_226] : memref<16x4x512x512xf32, #tpu.memory_space<hbm>> -> memref<1x1x8x512xf32, #tpu.memory_space<hbm>>
      %dma_start3A_228 = tpu.memref_squeeze %dma_start3A_227 : memref<1x1x8x512xf32, #tpu.memory_space<hbm>> -> memref<8x512xf32, #tpu.memory_space<hbm>>
      tpu.enqueue_dma source(%dma_start3A_228 : memref<8x512xf32, #tpu.memory_space<hbm>>) target(%arg8 : memref<8x512xf32, #tpu.memory_space<vmem>>) target_semaphore(%run_scoped3A_223 : memref<!tpu.dma_semaphore, #tpu.memory_space<semaphore_mem>>)
      %dma_wait3A = arith.constant 0 : i32
      %dma_wait3A_229 = tpu.memref_slice %arg2[%select_n3A_131, %run_scoped3A_151, %mul3A_149, %dma_wait3A] : memref<16x4x512x512xf32, #tpu.memory_space<hbm>> -> memref<1x1x8x512xf32, #tpu.memory_space<hbm>>
      %dma_wait3A_230 = tpu.memref_squeeze %dma_wait3A_229 : memref<1x1x8x512xf32, #tpu.memory_space<hbm>> -> memref<8x512xf32, #tpu.memory_space<hbm>>
      %dma_wait3A_231 = arith.constant 0 : i32
      %dma_wait3A_232 = tpu.memref_slice %arg2[%select_n3A_131, %run_scoped3A_151, %mul3A_149, %dma_wait3A_231] : memref<16x4x512x512xf32, #tpu.memory_space<hbm>> -> memref<1x1x8x512xf32, #tpu.memory_space<hbm>>
      %dma_wait3A_233 = tpu.memref_squeeze %dma_wait3A_232 : memref<1x1x8x512xf32, #tpu.memory_space<hbm>> -> memref<8x512xf32, #tpu.memory_space<hbm>>
      tpu.wait_dma2 semaphore(%run_scoped3A_223 : memref<!tpu.dma_semaphore, #tpu.memory_space<semaphore_mem>>) src(%dma_wait3A_233 : memref<8x512xf32, #tpu.memory_space<hbm>>) dst(%arg8 : memref<8x512xf32, #tpu.memory_space<vmem>>)
      tpu.yield
    }) : () -> ()
    %run_scoped3A_152 = arith.constant 2 : i32
    "tpu.region"() ({
      %run_scoped3A_223 = tpu.sem_alloc : memref<!tpu.dma_semaphore, #tpu.memory_space<semaphore_mem>>
      %dma_start3A = arith.constant 0 : i32
      %dma_start3A_224 = tpu.memref_slice %arg2[%select_n3A_131, %run_scoped3A_152, %mul3A_149, %dma_start3A] : memref<16x4x512x512xf32, #tpu.memory_space<hbm>> -> memref<1x1x8x512xf32, #tpu.memory_space<hbm>>
      %dma_start3A_225 = tpu.memref_squeeze %dma_start3A_224 : memref<1x1x8x512xf32, #tpu.memory_space<hbm>> -> memref<8x512xf32, #tpu.memory_space<hbm>>
      %dma_start3A_226 = arith.constant 0 : i32
      %dma_start3A_227 = tpu.memref_slice %arg2[%select_n3A_131, %run_scoped3A_152, %mul3A_149, %dma_start3A_226] : memref<16x4x512x512xf32, #tpu.memory_space<hbm>> -> memref<1x1x8x512xf32, #tpu.memory_space<hbm>>
      %dma_start3A_228 = tpu.memref_squeeze %dma_start3A_227 : memref<1x1x8x512xf32, #tpu.memory_space<hbm>> -> memref<8x512xf32, #tpu.memory_space<hbm>>
      tpu.enqueue_dma source(%dma_start3A_228 : memref<8x512xf32, #tpu.memory_space<hbm>>) target(%arg9 : memref<8x512xf32, #tpu.memory_space<vmem>>) target_semaphore(%run_scoped3A_223 : memref<!tpu.dma_semaphore, #tpu.memory_space<semaphore_mem>>)
      %dma_wait3A = arith.constant 0 : i32
      %dma_wait3A_229 = tpu.memref_slice %arg2[%select_n3A_131, %run_scoped3A_152, %mul3A_149, %dma_wait3A] : memref<16x4x512x512xf32, #tpu.memory_space<hbm>> -> memref<1x1x8x512xf32, #tpu.memory_space<hbm>>
      %dma_wait3A_230 = tpu.memref_squeeze %dma_wait3A_229 : memref<1x1x8x512xf32, #tpu.memory_space<hbm>> -> memref<8x512xf32, #tpu.memory_space<hbm>>
      %dma_wait3A_231 = arith.constant 0 : i32
      %dma_wait3A_232 = tpu.memref_slice %arg2[%select_n3A_131, %run_scoped3A_152, %mul3A_149, %dma_wait3A_231] : memref<16x4x512x512xf32, #tpu.memory_space<hbm>> -> memref<1x1x8x512xf32, #tpu.memory_space<hbm>>
      %dma_wait3A_233 = tpu.memref_squeeze %dma_wait3A_232 : memref<1x1x8x512xf32, #tpu.memory_space<hbm>> -> memref<8x512xf32, #tpu.memory_space<hbm>>
      tpu.wait_dma2 semaphore(%run_scoped3A_223 : memref<!tpu.dma_semaphore, #tpu.memory_space<semaphore_mem>>) src(%dma_wait3A_233 : memref<8x512xf32, #tpu.memory_space<hbm>>) dst(%arg9 : memref<8x512xf32, #tpu.memory_space<vmem>>)
      tpu.yield
    }) : () -> ()
    %run_scoped3A_153 = arith.constant 3 : i32
    "tpu.region"() ({
      %run_scoped3A_223 = tpu.sem_alloc : memref<!tpu.dma_semaphore, #tpu.memory_space<semaphore_mem>>
      %dma_start3A = arith.constant 0 : i32
      %dma_start3A_224 = tpu.memref_slice %arg2[%select_n3A_131, %run_scoped3A_153, %mul3A_149, %dma_start3A] : memref<16x4x512x512xf32, #tpu.memory_space<hbm>> -> memref<1x1x8x512xf32, #tpu.memory_space<hbm>>
      %dma_start3A_225 = tpu.memref_squeeze %dma_start3A_224 : memref<1x1x8x512xf32, #tpu.memory_space<hbm>> -> memref<8x512xf32, #tpu.memory_space<hbm>>
      %dma_start3A_226 = arith.constant 0 : i32
      %dma_start3A_227 = tpu.memref_slice %arg2[%select_n3A_131, %run_scoped3A_153, %mul3A_149, %dma_start3A_226] : memref<16x4x512x512xf32, #tpu.memory_space<hbm>> -> memref<1x1x8x512xf32, #tpu.memory_space<hbm>>
      %dma_start3A_228 = tpu.memref_squeeze %dma_start3A_227 : memref<1x1x8x512xf32, #tpu.memory_space<hbm>> -> memref<8x512xf32, #tpu.memory_space<hbm>>
      tpu.enqueue_dma source(%dma_start3A_228 : memref<8x512xf32, #tpu.memory_space<hbm>>) target(%arg10 : memref<8x512xf32, #tpu.memory_space<vmem>>) target_semaphore(%run_scoped3A_223 : memref<!tpu.dma_semaphore, #tpu.memory_space<semaphore_mem>>)
      %dma_wait3A = arith.constant 0 : i32
      %dma_wait3A_229 = tpu.memref_slice %arg2[%select_n3A_131, %run_scoped3A_153, %mul3A_149, %dma_wait3A] : memref<16x4x512x512xf32, #tpu.memory_space<hbm>> -> memref<1x1x8x512xf32, #tpu.memory_space<hbm>>
      %dma_wait3A_230 = tpu.memref_squeeze %dma_wait3A_229 : memref<1x1x8x512xf32, #tpu.memory_space<hbm>> -> memref<8x512xf32, #tpu.memory_space<hbm>>
      %dma_wait3A_231 = arith.constant 0 : i32
      %dma_wait3A_232 = tpu.memref_slice %arg2[%select_n3A_131, %run_scoped3A_153, %mul3A_149, %dma_wait3A_231] : memref<16x4x512x512xf32, #tpu.memory_space<hbm>> -> memref<1x1x8x512xf32, #tpu.memory_space<hbm>>
      %dma_wait3A_233 = tpu.memref_squeeze %dma_wait3A_232 : memref<1x1x8x512xf32, #tpu.memory_space<hbm>> -> memref<8x512xf32, #tpu.memory_space<hbm>>
      tpu.wait_dma2 semaphore(%run_scoped3A_223 : memref<!tpu.dma_semaphore, #tpu.memory_space<semaphore_mem>>) src(%dma_wait3A_233 : memref<8x512xf32, #tpu.memory_space<hbm>>) dst(%arg10 : memref<8x512xf32, #tpu.memory_space<vmem>>)
      tpu.yield
    }) : () -> ()
    "tpu.region"() ({
      %run_scoped3A_223 = tpu.sem_alloc : memref<!tpu.dma_semaphore, #tpu.memory_space<semaphore_mem>>
      %dma_start3A = arith.constant 0 : i32
      %dma_start3A_224 = tpu.memref_slice %arg3[%select_n3A_131, %mul3A_149, %dma_start3A] : memref<16x512x512xi32, #tpu.memory_space<hbm>> -> memref<1x8x512xi32, #tpu.memory_space<hbm>>
      %dma_start3A_225 = tpu.memref_squeeze %dma_start3A_224 : memref<1x8x512xi32, #tpu.memory_space<hbm>> -> memref<8x512xi32, #tpu.memory_space<hbm>>
      %dma_start3A_226 = arith.constant 0 : i32
      %dma_start3A_227 = tpu.memref_slice %arg3[%select_n3A_131, %mul3A_149, %dma_start3A_226] : memref<16x512x512xi32, #tpu.memory_space<hbm>> -> memref<1x8x512xi32, #tpu.memory_space<hbm>>
      %dma_start3A_228 = tpu.memref_squeeze %dma_start3A_227 : memref<1x8x512xi32, #tpu.memory_space<hbm>> -> memref<8x512xi32, #tpu.memory_space<hbm>>
      tpu.enqueue_dma source(%dma_start3A_228 : memref<8x512xi32, #tpu.memory_space<hbm>>) target(%arg11 : memref<8x512xi32, #tpu.memory_space<vmem>>) target_semaphore(%run_scoped3A_223 : memref<!tpu.dma_semaphore, #tpu.memory_space<semaphore_mem>>)
      %dma_wait3A = arith.constant 0 : i32
      %dma_wait3A_229 = tpu.memref_slice %arg3[%select_n3A_131, %mul3A_149, %dma_wait3A] : memref<16x512x512xi32, #tpu.memory_space<hbm>> -> memref<1x8x512xi32, #tpu.memory_space<hbm>>
      %dma_wait3A_230 = tpu.memref_squeeze %dma_wait3A_229 : memref<1x8x512xi32, #tpu.memory_space<hbm>> -> memref<8x512xi32, #tpu.memory_space<hbm>>
      %dma_wait3A_231 = arith.constant 0 : i32
      %dma_wait3A_232 = tpu.memref_slice %arg3[%select_n3A_131, %mul3A_149, %dma_wait3A_231] : memref<16x512x512xi32, #tpu.memory_space<hbm>> -> memref<1x8x512xi32, #tpu.memory_space<hbm>>
      %dma_wait3A_233 = tpu.memref_squeeze %dma_wait3A_232 : memref<1x8x512xi32, #tpu.memory_space<hbm>> -> memref<8x512xi32, #tpu.memory_space<hbm>>
      tpu.wait_dma2 semaphore(%run_scoped3A_223 : memref<!tpu.dma_semaphore, #tpu.memory_space<semaphore_mem>>) src(%dma_wait3A_233 : memref<8x512xi32, #tpu.memory_space<hbm>>) dst(%arg11 : memref<8x512xi32, #tpu.memory_space<vmem>>)
      tpu.yield
    }) : () -> ()
    "tpu.region"() ({
      %run_scoped3A_223 = tpu.sem_alloc : memref<!tpu.dma_semaphore, #tpu.memory_space<semaphore_mem>>
      %dma_start3A = arith.constant 0 : i32
      %dma_start3A_224 = tpu.memref_slice %arg4[%select_n3A_131, %mul3A_149, %dma_start3A] : memref<16x512x512xi32, #tpu.memory_space<hbm>> -> memref<1x8x512xi32, #tpu.memory_space<hbm>>
      %dma_start3A_225 = tpu.memref_squeeze %dma_start3A_224 : memref<1x8x512xi32, #tpu.memory_space<hbm>> -> memref<8x512xi32, #tpu.memory_space<hbm>>
      %dma_start3A_226 = arith.constant 0 : i32
      %dma_start3A_227 = tpu.memref_slice %arg4[%select_n3A_131, %mul3A_149, %dma_start3A_226] : memref<16x512x512xi32, #tpu.memory_space<hbm>> -> memref<1x8x512xi32, #tpu.memory_space<hbm>>
      %dma_start3A_228 = tpu.memref_squeeze %dma_start3A_227 : memref<1x8x512xi32, #tpu.memory_space<hbm>> -> memref<8x512xi32, #tpu.memory_space<hbm>>
      tpu.enqueue_dma source(%dma_start3A_228 : memref<8x512xi32, #tpu.memory_space<hbm>>) target(%arg12 : memref<8x512xi32, #tpu.memory_space<vmem>>) target_semaphore(%run_scoped3A_223 : memref<!tpu.dma_semaphore, #tpu.memory_space<semaphore_mem>>)
      %dma_wait3A = arith.constant 0 : i32
      %dma_wait3A_229 = tpu.memref_slice %arg4[%select_n3A_131, %mul3A_149, %dma_wait3A] : memref<16x512x512xi32, #tpu.memory_space<hbm>> -> memref<1x8x512xi32, #tpu.memory_space<hbm>>
      %dma_wait3A_230 = tpu.memref_squeeze %dma_wait3A_229 : memref<1x8x512xi32, #tpu.memory_space<hbm>> -> memref<8x512xi32, #tpu.memory_space<hbm>>
      %dma_wait3A_231 = arith.constant 0 : i32
      %dma_wait3A_232 = tpu.memref_slice %arg4[%select_n3A_131, %mul3A_149, %dma_wait3A_231] : memref<16x512x512xi32, #tpu.memory_space<hbm>> -> memref<1x8x512xi32, #tpu.memory_space<hbm>>
      %dma_wait3A_233 = tpu.memref_squeeze %dma_wait3A_232 : memref<1x8x512xi32, #tpu.memory_space<hbm>> -> memref<8x512xi32, #tpu.memory_space<hbm>>
      tpu.wait_dma2 semaphore(%run_scoped3A_223 : memref<!tpu.dma_semaphore, #tpu.memory_space<semaphore_mem>>) src(%dma_wait3A_233 : memref<8x512xi32, #tpu.memory_space<hbm>>) dst(%arg12 : memref<8x512xi32, #tpu.memory_space<vmem>>)
      tpu.yield
    }) : () -> ()
    %scan3A_154 = arith.constant 0 : i32
    %scan3A_155 = arith.constant 256 : i32
    %scan3A_156 = arith.addi %scan3A_154, %scan3A_155 : i32
    %scan3A_157 = arith.constant 1 : i32
    %scan3A_158:2 = scf.for %scan3A_223 = %scan3A_154 to %scan3A_156 step %scan3A_157 iter_args(%scan3A_224 = %scan3A_102#0, %scan3A_225 = %scan3A_102#1) -> (vector<16xf32>, vector<16xf32>)  : i32 {
      %jit3A_226 = arith.constant 32 : i32
      %div3A_227 = arith.divsi %scan3A_223, %jit3A_226 : i32
      %sign3A_228 = arith.constant 0 : i32
      %sign3A_229 = arith.cmpi sgt, %scan3A_223, %sign3A_228 : i32
      %sign3A_230 = arith.extui %sign3A_229 : i1 to i32
      %sign3A_231 = arith.constant 0 : i32
      %sign3A_232 = arith.cmpi slt, %scan3A_223, %sign3A_231 : i32
      %sign3A_233 = arith.extui %sign3A_232 : i1 to i32
      %sign3A_234 = arith.subi %sign3A_230, %sign3A_233 : i32
      %sign3A_235 = arith.constant 0 : i32
      %sign3A_236 = arith.cmpi sgt, %jit3A_226, %sign3A_235 : i32
      %sign3A_237 = arith.extui %sign3A_236 : i1 to i32
      %sign3A_238 = arith.constant 0 : i32
      %sign3A_239 = arith.cmpi slt, %jit3A_226, %sign3A_238 : i32
      %sign3A_240 = arith.extui %sign3A_239 : i1 to i32
      %sign3A_241 = arith.subi %sign3A_237, %sign3A_240 : i32
      %ne3A_242 = arith.cmpi ne, %sign3A_234, %sign3A_241 : i32
      %rem3A_243 = arith.remsi %scan3A_223, %jit3A_226 : i32
      %ne3A_244 = arith.constant 0 : i32
      %ne3A_245 = arith.cmpi ne, %rem3A_243, %ne3A_244 : i32
      %and3A_246 = arith.andi %ne3A_242, %ne3A_245 : i1
      %sub3A_247 = arith.constant 1 : i32
      %sub3A_248 = arith.subi %div3A_227, %sub3A_247 : i32
      %select_n3A_249 = arith.select %and3A_246, %sub3A_248, %div3A_227 : i32
      %jit3A_250 = arith.constant 32 : i32
      %eq3A_251 = arith.constant 0 : i32
      %eq3A_252 = arith.cmpi eq, %jit3A_250, %eq3A_251 : i32
      %jit3A_253 = arith.constant 1 : i32
      %select_n3A_254 = arith.select %eq3A_252, %jit3A_253, %jit3A_250 : i32
      %rem3A_255 = arith.remsi %scan3A_223, %select_n3A_254 : i32
      %ne3A_256 = arith.constant 0 : i32
      %ne3A_257 = arith.cmpi ne, %rem3A_255, %ne3A_256 : i32
      %lt3A_258 = arith.constant 0 : i32
      %lt3A_259 = arith.cmpi slt, %rem3A_255, %lt3A_258 : i32
      %lt3A_260 = arith.constant 0 : i32
      %lt3A_261 = arith.cmpi slt, %select_n3A_254, %lt3A_260 : i32
      %ne3A_262 = arith.xori %lt3A_259, %lt3A_261 : i1
      %and3A_263 = arith.andi %ne3A_262, %ne3A_257 : i1
      %add3A_264 = arith.addi %rem3A_255, %select_n3A_254 : i32
      %select_n3A_265 = arith.select %and3A_263, %add3A_264, %rem3A_255 : i32
      %mul3A_266 = arith.constant 16 : i32
      %mul3A_267 = arith.muli %select_n3A_265, %mul3A_266 : i32
      %get3A = arith.index_cast %select_n3A_249 : i32 to index
      %get3A_268 = arith.index_cast %mul3A_267 : i32 to index
      %get3A_269 = tpu.vector_load %arg7[%get3A, %get3A_268] {strides = array<i32>} : memref<8x512xf32, #tpu.memory_space<vmem>>, vector<1x16xf32>,
      %get3A_270 = vector.shape_cast %get3A_269 : vector<1x16xf32> to vector<16xf32>
      %get3A_271 = arith.index_cast %select_n3A_249 : i32 to index
      %get3A_272 = arith.index_cast %mul3A_267 : i32 to index
      %get3A_273 = tpu.vector_load %arg8[%get3A_271, %get3A_272] {strides = array<i32>} : memref<8x512xf32, #tpu.memory_space<vmem>>, vector<1x16xf32>,
      %get3A_274 = vector.shape_cast %get3A_273 : vector<1x16xf32> to vector<16xf32>
      %get3A_275 = arith.index_cast %select_n3A_249 : i32 to index
      %get3A_276 = arith.index_cast %mul3A_267 : i32 to index
      %get3A_277 = tpu.vector_load %arg9[%get3A_275, %get3A_276] {strides = array<i32>} : memref<8x512xf32, #tpu.memory_space<vmem>>, vector<1x16xf32>,
      %get3A_278 = vector.shape_cast %get3A_277 : vector<1x16xf32> to vector<16xf32>
      %get3A_279 = arith.index_cast %select_n3A_249 : i32 to index
      %get3A_280 = arith.index_cast %mul3A_267 : i32 to index
      %get3A_281 = tpu.vector_load %arg10[%get3A_279, %get3A_280] {strides = array<i32>} : memref<8x512xf32, #tpu.memory_space<vmem>>, vector<1x16xf32>,
      %get3A_282 = vector.shape_cast %get3A_281 : vector<1x16xf32> to vector<16xf32>
      %exp3A = math.exp %get3A_270 : vector<16xf32>
      %exp3A_283 = math.exp %get3A_274 : vector<16xf32>
      %add3A_284 = arith.addf %exp3A, %exp3A_283 : vector<16xf32>
      %exp3A_285 = math.exp %get3A_278 : vector<16xf32>
      %exp3A_286 = math.exp %get3A_282 : vector<16xf32>
      %add3A_287 = arith.addf %exp3A_285, %exp3A_286 : vector<16xf32>
      %add3A_288 = arith.addf %add3A_284, %add3A_287 : vector<16xf32>
      %bitcast_convert_type3A = tpu.bitcast %add3A_288 : vector<16xf32> -> vector<16xi32>
      %shift_right_arithmetic3A = arith.constant 23 : i32
      %shift_right_arithmetic3A_289 = vector.broadcast %shift_right_arithmetic3A : i32 to vector<16xi32>
      %shift_right_arithmetic3A_290 = arith.shrsi %bitcast_convert_type3A, %shift_right_arithmetic3A_289 : vector<16xi32>
      %sub3A_291 = arith.constant 127 : i32
      %sub3A_292 = vector.broadcast %sub3A_291 : i32 to vector<16xi32>
      %sub3A_293 = arith.subi %shift_right_arithmetic3A_290, %sub3A_292 : vector<16xi32>
      %and3A_294 = arith.constant 8388607 : i32
      %and3A_295 = vector.broadcast %and3A_294 : i32 to vector<16xi32>
      %and3A_296 = arith.andi %bitcast_convert_type3A, %and3A_295 : vector<16xi32>
      %or3A = arith.constant 1065353216 : i32
      %or3A_297 = vector.broadcast %or3A : i32 to vector<16xi32>
      %or3A_298 = arith.ori %and3A_296, %or3A_297 : vector<16xi32>
      %bitcast_convert_type3A_299 = tpu.bitcast %or3A_298 : vector<16xi32> -> vector<16xf32>
      %broadcast_in_dim3A_300 = arith.constant -0.00615147082 : f32
      %broadcast_in_dim3A_301 = vector.broadcast %broadcast_in_dim3A_300 : f32 to vector<16xf32>
      %mul3A_302 = arith.mulf %broadcast_in_dim3A_301, %bitcast_convert_type3A_299 : vector<16xf32>
      %add3A_303 = arith.constant 0.084061481 : f32
      %add3A_304 = vector.broadcast %add3A_303 : f32 to vector<16xf32>
      %add3A_305 = arith.addf %mul3A_302, %add3A_304 : vector<16xf32>
      %mul3A_306 = arith.mulf %add3A_305, %bitcast_convert_type3A_299 : vector<16xf32>
      %add3A_307 = arith.constant -0.509441197 : f32
      %add3A_308 = vector.broadcast %add3A_307 : f32 to vector<16xf32>
      %add3A_309 = arith.addf %mul3A_306, %add3A_308 : vector<16xf32>
      %mul3A_310 = arith.mulf %add3A_309, %bitcast_convert_type3A_299 : vector<16xf32>
      %add3A_311 = arith.constant 1.80166125 : f32
      %add3A_312 = vector.broadcast %add3A_311 : f32 to vector<16xf32>
      %add3A_313 = arith.addf %mul3A_310, %add3A_312 : vector<16xf32>
      %mul3A_314 = arith.mulf %add3A_313, %bitcast_convert_type3A_299 : vector<16xf32>
      %add3A_315 = arith.constant -4.11806345 : f32
      %add3A_316 = vector.broadcast %add3A_315 : f32 to vector<16xf32>
      %add3A_317 = arith.addf %mul3A_314, %add3A_316 : vector<16xf32>
      %mul3A_318 = arith.mulf %add3A_317, %bitcast_convert_type3A_299 : vector<16xf32>
      %add3A_319 = arith.constant 6.37834406 : f32
      %add3A_320 = vector.broadcast %add3A_319 : f32 to vector<16xf32>
      %add3A_321 = arith.addf %mul3A_318, %add3A_320 : vector<16xf32>
      %mul3A_322 = arith.mulf %add3A_321, %bitcast_convert_type3A_299 : vector<16xf32>
      %add3A_323 = arith.constant -6.89453459 : f32
      %add3A_324 = vector.broadcast %add3A_323 : f32 to vector<16xf32>
      %add3A_325 = arith.addf %mul3A_322, %add3A_324 : vector<16xf32>
      %mul3A_326 = arith.mulf %add3A_325, %bitcast_convert_type3A_299 : vector<16xf32>
      %add3A_327 = arith.constant 5.63540745 : f32
      %add3A_328 = vector.broadcast %add3A_327 : f32 to vector<16xf32>
      %add3A_329 = arith.addf %mul3A_326, %add3A_328 : vector<16xf32>
      %mul3A_330 = arith.mulf %add3A_329, %bitcast_convert_type3A_299 : vector<16xf32>
      %add3A_331 = arith.constant -2.37128353 : f32
      %add3A_332 = vector.broadcast %add3A_331 : f32 to vector<16xf32>
      %add3A_333 = arith.addf %mul3A_330, %add3A_332 : vector<16xf32>
      %convert_element_type3A = arith.sitofp %sub3A_293 : vector<16xi32> to vector<16xf32>
      %mul3A_334 = arith.constant 0.693147182 : f32
      %mul3A_335 = vector.broadcast %mul3A_334 : f32 to vector<16xf32>
      %mul3A_336 = arith.mulf %convert_element_type3A, %mul3A_335 : vector<16xf32>
      %add3A_337 = arith.addf %mul3A_336, %add3A_333 : vector<16xf32>
      %get3A_338 = arith.index_cast %select_n3A_249 : i32 to index
      %get3A_339 = arith.index_cast %mul3A_267 : i32 to index
      %get3A_340 = tpu.vector_load %arg11[%get3A_338, %get3A_339] {strides = array<i32>} : memref<8x512xi32, #tpu.memory_space<vmem>>, vector<1x16xi32>,
      %get3A_341 = vector.shape_cast %get3A_340 : vector<1x16xi32> to vector<16xi32>
      %eq3A_342 = arith.constant 0 : i32
      %eq3A_343 = vector.broadcast %eq3A_342 : i32 to vector<16xi32>
      %eq3A_344 = arith.cmpi eq, %get3A_341, %eq3A_343 : vector<16xi32>
      %eq3A_345 = arith.constant 1 : i32
      %eq3A_346 = vector.broadcast %eq3A_345 : i32 to vector<16xi32>
      %eq3A_347 = arith.cmpi eq, %get3A_341, %eq3A_346 : vector<16xi32>
      %eq3A_348 = arith.constant 2 : i32
      %eq3A_349 = vector.broadcast %eq3A_348 : i32 to vector<16xi32>
      %eq3A_350 = arith.cmpi eq, %get3A_341, %eq3A_349 : vector<16xi32>
      %select_n3A_351 = arith.select %eq3A_350, %get3A_278, %get3A_282 : vector<16xi1>, vector<16xf32>
      %select_n3A_352 = arith.select %eq3A_347, %get3A_274, %select_n3A_351 : vector<16xi1>, vector<16xf32>
      %select_n3A_353 = arith.select %eq3A_344, %get3A_270, %select_n3A_352 : vector<16xi1>, vector<16xf32>
      %sub3A_354 = arith.subf %add3A_337, %select_n3A_353 : vector<16xf32>
      %jit3A_355 = arith.constant 1.000050e-04 : f32
      %jit3A_356 = arith.constant 9.21034049 : f32
      %max3A = vector.broadcast %jit3A_355 : f32 to vector<16xf32>
      %max3A_357 = arith.maximumf %max3A, %sub3A_354 : vector<16xf32>
      %min3A = vector.broadcast %jit3A_356 : f32 to vector<16xf32>
      %min3A_358 = arith.minimumf %min3A, %max3A_357 : vector<16xf32>
      %get3A_359 = arith.index_cast %select_n3A_249 : i32 to index
      %get3A_360 = arith.index_cast %mul3A_267 : i32 to index
      %get3A_361 = tpu.vector_load %arg12[%get3A_359, %get3A_360] {strides = array<i32>} : memref<8x512xi32, #tpu.memory_space<vmem>>, vector<1x16xi32>,
      %get3A_362 = vector.shape_cast %get3A_361 : vector<1x16xi32> to vector<16xi32>
      %ne3A_363 = arith.constant 0 : i32
      %ne3A_364 = vector.broadcast %ne3A_363 : i32 to vector<16xi32>
      %ne3A_365 = arith.cmpi ne, %get3A_362, %ne3A_364 : vector<16xi32>
      %jit3A_366 = arith.constant 0.000000e+00 : f32
      %broadcast_in_dim3A_367 = vector.broadcast %jit3A_366 : f32 to vector<16xf32>
      %select_n3A_368 = arith.select %ne3A_365, %min3A_358, %broadcast_in_dim3A_367 : vector<16xi1>, vector<16xf32>
      %add3A_369 = arith.addf %scan3A_224, %select_n3A_368 : vector<16xf32>
      %jit3A_370 = arith.constant 1.000000e+00 : f32
      %jit3A_371 = arith.constant 0.000000e+00 : f32
      %broadcast_in_dim3A_372 = vector.broadcast %jit3A_370 : f32 to vector<16xf32>
      %broadcast_in_dim3A_373 = vector.broadcast %jit3A_371 : f32 to vector<16xf32>
      %select_n3A_374 = arith.select %ne3A_365, %broadcast_in_dim3A_372, %broadcast_in_dim3A_373 : vector<16xi1>, vector<16xf32>
      %add3A_375 = arith.addf %scan3A_225, %select_n3A_374 : vector<16xf32>
      scf.yield %add3A_369, %add3A_375 : vector<16xf32>, vector<16xf32>
    }
    %scan3A_159 = arith.constant 256 : i32
    %mul3A_160 = arith.constant 4 : i32
    %mul3A_161 = arith.muli %add3A, %mul3A_160 : i32
    %add3A_162 = arith.constant 3 : i32
    %add3A_163 = arith.addi %mul3A_161, %add3A_162 : i32
    %jit3A_164 = arith.constant 64 : i32
    %div3A_165 = arith.divsi %add3A_163, %jit3A_164 : i32
    %sign3A_166 = arith.constant 0 : i32
    %sign3A_167 = arith.cmpi sgt, %add3A_163, %sign3A_166 : i32
    %sign3A_168 = arith.extui %sign3A_167 : i1 to i32
    %sign3A_169 = arith.constant 0 : i32
    %sign3A_170 = arith.cmpi slt, %add3A_163, %sign3A_169 : i32
    %sign3A_171 = arith.extui %sign3A_170 : i1 to i32
    %sign3A_172 = arith.subi %sign3A_168, %sign3A_171 : i32
    %sign3A_173 = arith.constant 0 : i32
    %sign3A_174 = arith.cmpi sgt, %jit3A_164, %sign3A_173 : i32
    %sign3A_175 = arith.extui %sign3A_174 : i1 to i32
    %sign3A_176 = arith.constant 0 : i32
    %sign3A_177 = arith.cmpi slt, %jit3A_164, %sign3A_176 : i32
    %sign3A_178 = arith.extui %sign3A_177 : i1 to i32
    %sign3A_179 = arith.subi %sign3A_175, %sign3A_178 : i32
    %ne3A_180 = arith.cmpi ne, %sign3A_172, %sign3A_179 : i32
    %rem3A_181 = arith.remsi %add3A_163, %jit3A_164 : i32
    %ne3A_182 = arith.constant 0 : i32
    %ne3A_183 = arith.cmpi ne, %rem3A_181, %ne3A_182 : i32
    %and3A_184 = arith.andi %ne3A_180, %ne3A_183 : i1
    %sub3A_185 = arith.constant 1 : i32
    %sub3A_186 = arith.subi %div3A_165, %sub3A_185 : i32
    %select_n3A_187 = arith.select %and3A_184, %sub3A_186, %div3A_165 : i32
    %jit3A_188 = arith.constant 64 : i32
    %eq3A_189 = arith.constant 0 : i32
    %eq3A_190 = arith.cmpi eq, %jit3A_188, %eq3A_189 : i32
    %jit3A_191 = arith.constant 1 : i32
    %select_n3A_192 = arith.select %eq3A_190, %jit3A_191, %jit3A_188 : i32
    %rem3A_193 = arith.remsi %add3A_163, %select_n3A_192 : i32
    %ne3A_194 = arith.constant 0 : i32
    %ne3A_195 = arith.cmpi ne, %rem3A_193, %ne3A_194 : i32
    %lt3A_196 = arith.constant 0 : i32
    %lt3A_197 = arith.cmpi slt, %rem3A_193, %lt3A_196 : i32
    %lt3A_198 = arith.constant 0 : i32
    %lt3A_199 = arith.cmpi slt, %select_n3A_192, %lt3A_198 : i32
    %ne3A_200 = arith.xori %lt3A_197, %lt3A_199 : i1
    %and3A_201 = arith.andi %ne3A_200, %ne3A_195 : i1
    %add3A_202 = arith.addi %rem3A_193, %select_n3A_192 : i32
    %select_n3A_203 = arith.select %and3A_201, %add3A_202, %rem3A_193 : i32
    %mul3A_204 = arith.constant 8 : i32
    %mul3A_205 = arith.muli %select_n3A_203, %mul3A_204 : i32
    %run_scoped3A_206 = arith.constant 0 : i32
    "tpu.region"() ({
      %run_scoped3A_223 = tpu.sem_alloc : memref<!tpu.dma_semaphore, #tpu.memory_space<semaphore_mem>>
      %dma_start3A = arith.constant 0 : i32
      %dma_start3A_224 = tpu.memref_slice %arg2[%select_n3A_187, %run_scoped3A_206, %mul3A_205, %dma_start3A] : memref<16x4x512x512xf32, #tpu.memory_space<hbm>> -> memref<1x1x8x512xf32, #tpu.memory_space<hbm>>
      %dma_start3A_225 = tpu.memref_squeeze %dma_start3A_224 : memref<1x1x8x512xf32, #tpu.memory_space<hbm>> -> memref<8x512xf32, #tpu.memory_space<hbm>>
      %dma_start3A_226 = arith.constant 0 : i32
      %dma_start3A_227 = tpu.memref_slice %arg2[%select_n3A_187, %run_scoped3A_206, %mul3A_205, %dma_start3A_226] : memref<16x4x512x512xf32, #tpu.memory_space<hbm>> -> memref<1x1x8x512xf32, #tpu.memory_space<hbm>>
      %dma_start3A_228 = tpu.memref_squeeze %dma_start3A_227 : memref<1x1x8x512xf32, #tpu.memory_space<hbm>> -> memref<8x512xf32, #tpu.memory_space<hbm>>
      tpu.enqueue_dma source(%dma_start3A_228 : memref<8x512xf32, #tpu.memory_space<hbm>>) target(%arg7 : memref<8x512xf32, #tpu.memory_space<vmem>>) target_semaphore(%run_scoped3A_223 : memref<!tpu.dma_semaphore, #tpu.memory_space<semaphore_mem>>)
      %dma_wait3A = arith.constant 0 : i32
      %dma_wait3A_229 = tpu.memref_slice %arg2[%select_n3A_187, %run_scoped3A_206, %mul3A_205, %dma_wait3A] : memref<16x4x512x512xf32, #tpu.memory_space<hbm>> -> memref<1x1x8x512xf32, #tpu.memory_space<hbm>>
      %dma_wait3A_230 = tpu.memref_squeeze %dma_wait3A_229 : memref<1x1x8x512xf32, #tpu.memory_space<hbm>> -> memref<8x512xf32, #tpu.memory_space<hbm>>
      %dma_wait3A_231 = arith.constant 0 : i32
      %dma_wait3A_232 = tpu.memref_slice %arg2[%select_n3A_187, %run_scoped3A_206, %mul3A_205, %dma_wait3A_231] : memref<16x4x512x512xf32, #tpu.memory_space<hbm>> -> memref<1x1x8x512xf32, #tpu.memory_space<hbm>>
      %dma_wait3A_233 = tpu.memref_squeeze %dma_wait3A_232 : memref<1x1x8x512xf32, #tpu.memory_space<hbm>> -> memref<8x512xf32, #tpu.memory_space<hbm>>
      tpu.wait_dma2 semaphore(%run_scoped3A_223 : memref<!tpu.dma_semaphore, #tpu.memory_space<semaphore_mem>>) src(%dma_wait3A_233 : memref<8x512xf32, #tpu.memory_space<hbm>>) dst(%arg7 : memref<8x512xf32, #tpu.memory_space<vmem>>)
      tpu.yield
    }) : () -> ()
    %run_scoped3A_207 = arith.constant 1 : i32
    "tpu.region"() ({
      %run_scoped3A_223 = tpu.sem_alloc : memref<!tpu.dma_semaphore, #tpu.memory_space<semaphore_mem>>
      %dma_start3A = arith.constant 0 : i32
      %dma_start3A_224 = tpu.memref_slice %arg2[%select_n3A_187, %run_scoped3A_207, %mul3A_205, %dma_start3A] : memref<16x4x512x512xf32, #tpu.memory_space<hbm>> -> memref<1x1x8x512xf32, #tpu.memory_space<hbm>>
      %dma_start3A_225 = tpu.memref_squeeze %dma_start3A_224 : memref<1x1x8x512xf32, #tpu.memory_space<hbm>> -> memref<8x512xf32, #tpu.memory_space<hbm>>
      %dma_start3A_226 = arith.constant 0 : i32
      %dma_start3A_227 = tpu.memref_slice %arg2[%select_n3A_187, %run_scoped3A_207, %mul3A_205, %dma_start3A_226] : memref<16x4x512x512xf32, #tpu.memory_space<hbm>> -> memref<1x1x8x512xf32, #tpu.memory_space<hbm>>
      %dma_start3A_228 = tpu.memref_squeeze %dma_start3A_227 : memref<1x1x8x512xf32, #tpu.memory_space<hbm>> -> memref<8x512xf32, #tpu.memory_space<hbm>>
      tpu.enqueue_dma source(%dma_start3A_228 : memref<8x512xf32, #tpu.memory_space<hbm>>) target(%arg8 : memref<8x512xf32, #tpu.memory_space<vmem>>) target_semaphore(%run_scoped3A_223 : memref<!tpu.dma_semaphore, #tpu.memory_space<semaphore_mem>>)
      %dma_wait3A = arith.constant 0 : i32
      %dma_wait3A_229 = tpu.memref_slice %arg2[%select_n3A_187, %run_scoped3A_207, %mul3A_205, %dma_wait3A] : memref<16x4x512x512xf32, #tpu.memory_space<hbm>> -> memref<1x1x8x512xf32, #tpu.memory_space<hbm>>
      %dma_wait3A_230 = tpu.memref_squeeze %dma_wait3A_229 : memref<1x1x8x512xf32, #tpu.memory_space<hbm>> -> memref<8x512xf32, #tpu.memory_space<hbm>>
      %dma_wait3A_231 = arith.constant 0 : i32
      %dma_wait3A_232 = tpu.memref_slice %arg2[%select_n3A_187, %run_scoped3A_207, %mul3A_205, %dma_wait3A_231] : memref<16x4x512x512xf32, #tpu.memory_space<hbm>> -> memref<1x1x8x512xf32, #tpu.memory_space<hbm>>
      %dma_wait3A_233 = tpu.memref_squeeze %dma_wait3A_232 : memref<1x1x8x512xf32, #tpu.memory_space<hbm>> -> memref<8x512xf32, #tpu.memory_space<hbm>>
      tpu.wait_dma2 semaphore(%run_scoped3A_223 : memref<!tpu.dma_semaphore, #tpu.memory_space<semaphore_mem>>) src(%dma_wait3A_233 : memref<8x512xf32, #tpu.memory_space<hbm>>) dst(%arg8 : memref<8x512xf32, #tpu.memory_space<vmem>>)
      tpu.yield
    }) : () -> ()
    %run_scoped3A_208 = arith.constant 2 : i32
    "tpu.region"() ({
      %run_scoped3A_223 = tpu.sem_alloc : memref<!tpu.dma_semaphore, #tpu.memory_space<semaphore_mem>>
      %dma_start3A = arith.constant 0 : i32
      %dma_start3A_224 = tpu.memref_slice %arg2[%select_n3A_187, %run_scoped3A_208, %mul3A_205, %dma_start3A] : memref<16x4x512x512xf32, #tpu.memory_space<hbm>> -> memref<1x1x8x512xf32, #tpu.memory_space<hbm>>
      %dma_start3A_225 = tpu.memref_squeeze %dma_start3A_224 : memref<1x1x8x512xf32, #tpu.memory_space<hbm>> -> memref<8x512xf32, #tpu.memory_space<hbm>>
      %dma_start3A_226 = arith.constant 0 : i32
      %dma_start3A_227 = tpu.memref_slice %arg2[%select_n3A_187, %run_scoped3A_208, %mul3A_205, %dma_start3A_226] : memref<16x4x512x512xf32, #tpu.memory_space<hbm>> -> memref<1x1x8x512xf32, #tpu.memory_space<hbm>>
      %dma_start3A_228 = tpu.memref_squeeze %dma_start3A_227 : memref<1x1x8x512xf32, #tpu.memory_space<hbm>> -> memref<8x512xf32, #tpu.memory_space<hbm>>
      tpu.enqueue_dma source(%dma_start3A_228 : memref<8x512xf32, #tpu.memory_space<hbm>>) target(%arg9 : memref<8x512xf32, #tpu.memory_space<vmem>>) target_semaphore(%run_scoped3A_223 : memref<!tpu.dma_semaphore, #tpu.memory_space<semaphore_mem>>)
      %dma_wait3A = arith.constant 0 : i32
      %dma_wait3A_229 = tpu.memref_slice %arg2[%select_n3A_187, %run_scoped3A_208, %mul3A_205, %dma_wait3A] : memref<16x4x512x512xf32, #tpu.memory_space<hbm>> -> memref<1x1x8x512xf32, #tpu.memory_space<hbm>>
      %dma_wait3A_230 = tpu.memref_squeeze %dma_wait3A_229 : memref<1x1x8x512xf32, #tpu.memory_space<hbm>> -> memref<8x512xf32, #tpu.memory_space<hbm>>
      %dma_wait3A_231 = arith.constant 0 : i32
      %dma_wait3A_232 = tpu.memref_slice %arg2[%select_n3A_187, %run_scoped3A_208, %mul3A_205, %dma_wait3A_231] : memref<16x4x512x512xf32, #tpu.memory_space<hbm>> -> memref<1x1x8x512xf32, #tpu.memory_space<hbm>>
      %dma_wait3A_233 = tpu.memref_squeeze %dma_wait3A_232 : memref<1x1x8x512xf32, #tpu.memory_space<hbm>> -> memref<8x512xf32, #tpu.memory_space<hbm>>
      tpu.wait_dma2 semaphore(%run_scoped3A_223 : memref<!tpu.dma_semaphore, #tpu.memory_space<semaphore_mem>>) src(%dma_wait3A_233 : memref<8x512xf32, #tpu.memory_space<hbm>>) dst(%arg9 : memref<8x512xf32, #tpu.memory_space<vmem>>)
      tpu.yield
    }) : () -> ()
    %run_scoped3A_209 = arith.constant 3 : i32
    "tpu.region"() ({
      %run_scoped3A_223 = tpu.sem_alloc : memref<!tpu.dma_semaphore, #tpu.memory_space<semaphore_mem>>
      %dma_start3A = arith.constant 0 : i32
      %dma_start3A_224 = tpu.memref_slice %arg2[%select_n3A_187, %run_scoped3A_209, %mul3A_205, %dma_start3A] : memref<16x4x512x512xf32, #tpu.memory_space<hbm>> -> memref<1x1x8x512xf32, #tpu.memory_space<hbm>>
      %dma_start3A_225 = tpu.memref_squeeze %dma_start3A_224 : memref<1x1x8x512xf32, #tpu.memory_space<hbm>> -> memref<8x512xf32, #tpu.memory_space<hbm>>
      %dma_start3A_226 = arith.constant 0 : i32
      %dma_start3A_227 = tpu.memref_slice %arg2[%select_n3A_187, %run_scoped3A_209, %mul3A_205, %dma_start3A_226] : memref<16x4x512x512xf32, #tpu.memory_space<hbm>> -> memref<1x1x8x512xf32, #tpu.memory_space<hbm>>
      %dma_start3A_228 = tpu.memref_squeeze %dma_start3A_227 : memref<1x1x8x512xf32, #tpu.memory_space<hbm>> -> memref<8x512xf32, #tpu.memory_space<hbm>>
      tpu.enqueue_dma source(%dma_start3A_228 : memref<8x512xf32, #tpu.memory_space<hbm>>) target(%arg10 : memref<8x512xf32, #tpu.memory_space<vmem>>) target_semaphore(%run_scoped3A_223 : memref<!tpu.dma_semaphore, #tpu.memory_space<semaphore_mem>>)
      %dma_wait3A = arith.constant 0 : i32
      %dma_wait3A_229 = tpu.memref_slice %arg2[%select_n3A_187, %run_scoped3A_209, %mul3A_205, %dma_wait3A] : memref<16x4x512x512xf32, #tpu.memory_space<hbm>> -> memref<1x1x8x512xf32, #tpu.memory_space<hbm>>
      %dma_wait3A_230 = tpu.memref_squeeze %dma_wait3A_229 : memref<1x1x8x512xf32, #tpu.memory_space<hbm>> -> memref<8x512xf32, #tpu.memory_space<hbm>>
      %dma_wait3A_231 = arith.constant 0 : i32
      %dma_wait3A_232 = tpu.memref_slice %arg2[%select_n3A_187, %run_scoped3A_209, %mul3A_205, %dma_wait3A_231] : memref<16x4x512x512xf32, #tpu.memory_space<hbm>> -> memref<1x1x8x512xf32, #tpu.memory_space<hbm>>
      %dma_wait3A_233 = tpu.memref_squeeze %dma_wait3A_232 : memref<1x1x8x512xf32, #tpu.memory_space<hbm>> -> memref<8x512xf32, #tpu.memory_space<hbm>>
      tpu.wait_dma2 semaphore(%run_scoped3A_223 : memref<!tpu.dma_semaphore, #tpu.memory_space<semaphore_mem>>) src(%dma_wait3A_233 : memref<8x512xf32, #tpu.memory_space<hbm>>) dst(%arg10 : memref<8x512xf32, #tpu.memory_space<vmem>>)
      tpu.yield
    }) : () -> ()
    "tpu.region"() ({
      %run_scoped3A_223 = tpu.sem_alloc : memref<!tpu.dma_semaphore, #tpu.memory_space<semaphore_mem>>
      %dma_start3A = arith.constant 0 : i32
      %dma_start3A_224 = tpu.memref_slice %arg3[%select_n3A_187, %mul3A_205, %dma_start3A] : memref<16x512x512xi32, #tpu.memory_space<hbm>> -> memref<1x8x512xi32, #tpu.memory_space<hbm>>
      %dma_start3A_225 = tpu.memref_squeeze %dma_start3A_224 : memref<1x8x512xi32, #tpu.memory_space<hbm>> -> memref<8x512xi32, #tpu.memory_space<hbm>>
      %dma_start3A_226 = arith.constant 0 : i32
      %dma_start3A_227 = tpu.memref_slice %arg3[%select_n3A_187, %mul3A_205, %dma_start3A_226] : memref<16x512x512xi32, #tpu.memory_space<hbm>> -> memref<1x8x512xi32, #tpu.memory_space<hbm>>
      %dma_start3A_228 = tpu.memref_squeeze %dma_start3A_227 : memref<1x8x512xi32, #tpu.memory_space<hbm>> -> memref<8x512xi32, #tpu.memory_space<hbm>>
      tpu.enqueue_dma source(%dma_start3A_228 : memref<8x512xi32, #tpu.memory_space<hbm>>) target(%arg11 : memref<8x512xi32, #tpu.memory_space<vmem>>) target_semaphore(%run_scoped3A_223 : memref<!tpu.dma_semaphore, #tpu.memory_space<semaphore_mem>>)
      %dma_wait3A = arith.constant 0 : i32
      %dma_wait3A_229 = tpu.memref_slice %arg3[%select_n3A_187, %mul3A_205, %dma_wait3A] : memref<16x512x512xi32, #tpu.memory_space<hbm>> -> memref<1x8x512xi32, #tpu.memory_space<hbm>>
      %dma_wait3A_230 = tpu.memref_squeeze %dma_wait3A_229 : memref<1x8x512xi32, #tpu.memory_space<hbm>> -> memref<8x512xi32, #tpu.memory_space<hbm>>
      %dma_wait3A_231 = arith.constant 0 : i32
      %dma_wait3A_232 = tpu.memref_slice %arg3[%select_n3A_187, %mul3A_205, %dma_wait3A_231] : memref<16x512x512xi32, #tpu.memory_space<hbm>> -> memref<1x8x512xi32, #tpu.memory_space<hbm>>
      %dma_wait3A_233 = tpu.memref_squeeze %dma_wait3A_232 : memref<1x8x512xi32, #tpu.memory_space<hbm>> -> memref<8x512xi32, #tpu.memory_space<hbm>>
      tpu.wait_dma2 semaphore(%run_scoped3A_223 : memref<!tpu.dma_semaphore, #tpu.memory_space<semaphore_mem>>) src(%dma_wait3A_233 : memref<8x512xi32, #tpu.memory_space<hbm>>) dst(%arg11 : memref<8x512xi32, #tpu.memory_space<vmem>>)
      tpu.yield
    }) : () -> ()
    "tpu.region"() ({
      %run_scoped3A_223 = tpu.sem_alloc : memref<!tpu.dma_semaphore, #tpu.memory_space<semaphore_mem>>
      %dma_start3A = arith.constant 0 : i32
      %dma_start3A_224 = tpu.memref_slice %arg4[%select_n3A_187, %mul3A_205, %dma_start3A] : memref<16x512x512xi32, #tpu.memory_space<hbm>> -> memref<1x8x512xi32, #tpu.memory_space<hbm>>
      %dma_start3A_225 = tpu.memref_squeeze %dma_start3A_224 : memref<1x8x512xi32, #tpu.memory_space<hbm>> -> memref<8x512xi32, #tpu.memory_space<hbm>>
      %dma_start3A_226 = arith.constant 0 : i32
      %dma_start3A_227 = tpu.memref_slice %arg4[%select_n3A_187, %mul3A_205, %dma_start3A_226] : memref<16x512x512xi32, #tpu.memory_space<hbm>> -> memref<1x8x512xi32, #tpu.memory_space<hbm>>
      %dma_start3A_228 = tpu.memref_squeeze %dma_start3A_227 : memref<1x8x512xi32, #tpu.memory_space<hbm>> -> memref<8x512xi32, #tpu.memory_space<hbm>>
      tpu.enqueue_dma source(%dma_start3A_228 : memref<8x512xi32, #tpu.memory_space<hbm>>) target(%arg12 : memref<8x512xi32, #tpu.memory_space<vmem>>) target_semaphore(%run_scoped3A_223 : memref<!tpu.dma_semaphore, #tpu.memory_space<semaphore_mem>>)
      %dma_wait3A = arith.constant 0 : i32
      %dma_wait3A_229 = tpu.memref_slice %arg4[%select_n3A_187, %mul3A_205, %dma_wait3A] : memref<16x512x512xi32, #tpu.memory_space<hbm>> -> memref<1x8x512xi32, #tpu.memory_space<hbm>>
      %dma_wait3A_230 = tpu.memref_squeeze %dma_wait3A_229 : memref<1x8x512xi32, #tpu.memory_space<hbm>> -> memref<8x512xi32, #tpu.memory_space<hbm>>
      %dma_wait3A_231 = arith.constant 0 : i32
      %dma_wait3A_232 = tpu.memref_slice %arg4[%select_n3A_187, %mul3A_205, %dma_wait3A_231] : memref<16x512x512xi32, #tpu.memory_space<hbm>> -> memref<1x8x512xi32, #tpu.memory_space<hbm>>
      %dma_wait3A_233 = tpu.memref_squeeze %dma_wait3A_232 : memref<1x8x512xi32, #tpu.memory_space<hbm>> -> memref<8x512xi32, #tpu.memory_space<hbm>>
      tpu.wait_dma2 semaphore(%run_scoped3A_223 : memref<!tpu.dma_semaphore, #tpu.memory_space<semaphore_mem>>) src(%dma_wait3A_233 : memref<8x512xi32, #tpu.memory_space<hbm>>) dst(%arg12 : memref<8x512xi32, #tpu.memory_space<vmem>>)
      tpu.yield
    }) : () -> ()
    %scan3A_210 = arith.constant 0 : i32
    %scan3A_211 = arith.constant 256 : i32
    %scan3A_212 = arith.addi %scan3A_210, %scan3A_211 : i32
    %scan3A_213 = arith.constant 1 : i32
    %scan3A_214:2 = scf.for %scan3A_223 = %scan3A_210 to %scan3A_212 step %scan3A_213 iter_args(%scan3A_224 = %scan3A_158#0, %scan3A_225 = %scan3A_158#1) -> (vector<16xf32>, vector<16xf32>)  : i32 {
      %jit3A_226 = arith.constant 32 : i32
      %div3A_227 = arith.divsi %scan3A_223, %jit3A_226 : i32
      %sign3A_228 = arith.constant 0 : i32
      %sign3A_229 = arith.cmpi sgt, %scan3A_223, %sign3A_228 : i32
      %sign3A_230 = arith.extui %sign3A_229 : i1 to i32
      %sign3A_231 = arith.constant 0 : i32
      %sign3A_232 = arith.cmpi slt, %scan3A_223, %sign3A_231 : i32
      %sign3A_233 = arith.extui %sign3A_232 : i1 to i32
      %sign3A_234 = arith.subi %sign3A_230, %sign3A_233 : i32
      %sign3A_235 = arith.constant 0 : i32
      %sign3A_236 = arith.cmpi sgt, %jit3A_226, %sign3A_235 : i32
      %sign3A_237 = arith.extui %sign3A_236 : i1 to i32
      %sign3A_238 = arith.constant 0 : i32
      %sign3A_239 = arith.cmpi slt, %jit3A_226, %sign3A_238 : i32
      %sign3A_240 = arith.extui %sign3A_239 : i1 to i32
      %sign3A_241 = arith.subi %sign3A_237, %sign3A_240 : i32
      %ne3A_242 = arith.cmpi ne, %sign3A_234, %sign3A_241 : i32
      %rem3A_243 = arith.remsi %scan3A_223, %jit3A_226 : i32
      %ne3A_244 = arith.constant 0 : i32
      %ne3A_245 = arith.cmpi ne, %rem3A_243, %ne3A_244 : i32
      %and3A_246 = arith.andi %ne3A_242, %ne3A_245 : i1
      %sub3A_247 = arith.constant 1 : i32
      %sub3A_248 = arith.subi %div3A_227, %sub3A_247 : i32
      %select_n3A_249 = arith.select %and3A_246, %sub3A_248, %div3A_227 : i32
      %jit3A_250 = arith.constant 32 : i32
      %eq3A_251 = arith.constant 0 : i32
      %eq3A_252 = arith.cmpi eq, %jit3A_250, %eq3A_251 : i32
      %jit3A_253 = arith.constant 1 : i32
      %select_n3A_254 = arith.select %eq3A_252, %jit3A_253, %jit3A_250 : i32
      %rem3A_255 = arith.remsi %scan3A_223, %select_n3A_254 : i32
      %ne3A_256 = arith.constant 0 : i32
      %ne3A_257 = arith.cmpi ne, %rem3A_255, %ne3A_256 : i32
      %lt3A_258 = arith.constant 0 : i32
      %lt3A_259 = arith.cmpi slt, %rem3A_255, %lt3A_258 : i32
      %lt3A_260 = arith.constant 0 : i32
      %lt3A_261 = arith.cmpi slt, %select_n3A_254, %lt3A_260 : i32
      %ne3A_262 = arith.xori %lt3A_259, %lt3A_261 : i1
      %and3A_263 = arith.andi %ne3A_262, %ne3A_257 : i1
      %add3A_264 = arith.addi %rem3A_255, %select_n3A_254 : i32
      %select_n3A_265 = arith.select %and3A_263, %add3A_264, %rem3A_255 : i32
      %mul3A_266 = arith.constant 16 : i32
      %mul3A_267 = arith.muli %select_n3A_265, %mul3A_266 : i32
      %get3A = arith.index_cast %select_n3A_249 : i32 to index
      %get3A_268 = arith.index_cast %mul3A_267 : i32 to index
      %get3A_269 = tpu.vector_load %arg7[%get3A, %get3A_268] {strides = array<i32>} : memref<8x512xf32, #tpu.memory_space<vmem>>, vector<1x16xf32>,
      %get3A_270 = vector.shape_cast %get3A_269 : vector<1x16xf32> to vector<16xf32>
      %get3A_271 = arith.index_cast %select_n3A_249 : i32 to index
      %get3A_272 = arith.index_cast %mul3A_267 : i32 to index
      %get3A_273 = tpu.vector_load %arg8[%get3A_271, %get3A_272] {strides = array<i32>} : memref<8x512xf32, #tpu.memory_space<vmem>>, vector<1x16xf32>,
      %get3A_274 = vector.shape_cast %get3A_273 : vector<1x16xf32> to vector<16xf32>
      %get3A_275 = arith.index_cast %select_n3A_249 : i32 to index
      %get3A_276 = arith.index_cast %mul3A_267 : i32 to index
      %get3A_277 = tpu.vector_load %arg9[%get3A_275, %get3A_276] {strides = array<i32>} : memref<8x512xf32, #tpu.memory_space<vmem>>, vector<1x16xf32>,
      %get3A_278 = vector.shape_cast %get3A_277 : vector<1x16xf32> to vector<16xf32>
      %get3A_279 = arith.index_cast %select_n3A_249 : i32 to index
      %get3A_280 = arith.index_cast %mul3A_267 : i32 to index
      %get3A_281 = tpu.vector_load %arg10[%get3A_279, %get3A_280] {strides = array<i32>} : memref<8x512xf32, #tpu.memory_space<vmem>>, vector<1x16xf32>,
      %get3A_282 = vector.shape_cast %get3A_281 : vector<1x16xf32> to vector<16xf32>
      %exp3A = math.exp %get3A_270 : vector<16xf32>
      %exp3A_283 = math.exp %get3A_274 : vector<16xf32>
      %add3A_284 = arith.addf %exp3A, %exp3A_283 : vector<16xf32>
      %exp3A_285 = math.exp %get3A_278 : vector<16xf32>
      %exp3A_286 = math.exp %get3A_282 : vector<16xf32>
      %add3A_287 = arith.addf %exp3A_285, %exp3A_286 : vector<16xf32>
      %add3A_288 = arith.addf %add3A_284, %add3A_287 : vector<16xf32>
      %bitcast_convert_type3A = tpu.bitcast %add3A_288 : vector<16xf32> -> vector<16xi32>
      %shift_right_arithmetic3A = arith.constant 23 : i32
      %shift_right_arithmetic3A_289 = vector.broadcast %shift_right_arithmetic3A : i32 to vector<16xi32>
      %shift_right_arithmetic3A_290 = arith.shrsi %bitcast_convert_type3A, %shift_right_arithmetic3A_289 : vector<16xi32>
      %sub3A_291 = arith.constant 127 : i32
      %sub3A_292 = vector.broadcast %sub3A_291 : i32 to vector<16xi32>
      %sub3A_293 = arith.subi %shift_right_arithmetic3A_290, %sub3A_292 : vector<16xi32>
      %and3A_294 = arith.constant 8388607 : i32
      %and3A_295 = vector.broadcast %and3A_294 : i32 to vector<16xi32>
      %and3A_296 = arith.andi %bitcast_convert_type3A, %and3A_295 : vector<16xi32>
      %or3A = arith.constant 1065353216 : i32
      %or3A_297 = vector.broadcast %or3A : i32 to vector<16xi32>
      %or3A_298 = arith.ori %and3A_296, %or3A_297 : vector<16xi32>
      %bitcast_convert_type3A_299 = tpu.bitcast %or3A_298 : vector<16xi32> -> vector<16xf32>
      %broadcast_in_dim3A_300 = arith.constant -0.00615147082 : f32
      %broadcast_in_dim3A_301 = vector.broadcast %broadcast_in_dim3A_300 : f32 to vector<16xf32>
      %mul3A_302 = arith.mulf %broadcast_in_dim3A_301, %bitcast_convert_type3A_299 : vector<16xf32>
      %add3A_303 = arith.constant 0.084061481 : f32
      %add3A_304 = vector.broadcast %add3A_303 : f32 to vector<16xf32>
      %add3A_305 = arith.addf %mul3A_302, %add3A_304 : vector<16xf32>
      %mul3A_306 = arith.mulf %add3A_305, %bitcast_convert_type3A_299 : vector<16xf32>
      %add3A_307 = arith.constant -0.509441197 : f32
      %add3A_308 = vector.broadcast %add3A_307 : f32 to vector<16xf32>
      %add3A_309 = arith.addf %mul3A_306, %add3A_308 : vector<16xf32>
      %mul3A_310 = arith.mulf %add3A_309, %bitcast_convert_type3A_299 : vector<16xf32>
      %add3A_311 = arith.constant 1.80166125 : f32
      %add3A_312 = vector.broadcast %add3A_311 : f32 to vector<16xf32>
      %add3A_313 = arith.addf %mul3A_310, %add3A_312 : vector<16xf32>
      %mul3A_314 = arith.mulf %add3A_313, %bitcast_convert_type3A_299 : vector<16xf32>
      %add3A_315 = arith.constant -4.11806345 : f32
      %add3A_316 = vector.broadcast %add3A_315 : f32 to vector<16xf32>
      %add3A_317 = arith.addf %mul3A_314, %add3A_316 : vector<16xf32>
      %mul3A_318 = arith.mulf %add3A_317, %bitcast_convert_type3A_299 : vector<16xf32>
      %add3A_319 = arith.constant 6.37834406 : f32
      %add3A_320 = vector.broadcast %add3A_319 : f32 to vector<16xf32>
      %add3A_321 = arith.addf %mul3A_318, %add3A_320 : vector<16xf32>
      %mul3A_322 = arith.mulf %add3A_321, %bitcast_convert_type3A_299 : vector<16xf32>
      %add3A_323 = arith.constant -6.89453459 : f32
      %add3A_324 = vector.broadcast %add3A_323 : f32 to vector<16xf32>
      %add3A_325 = arith.addf %mul3A_322, %add3A_324 : vector<16xf32>
      %mul3A_326 = arith.mulf %add3A_325, %bitcast_convert_type3A_299 : vector<16xf32>
      %add3A_327 = arith.constant 5.63540745 : f32
      %add3A_328 = vector.broadcast %add3A_327 : f32 to vector<16xf32>
      %add3A_329 = arith.addf %mul3A_326, %add3A_328 : vector<16xf32>
      %mul3A_330 = arith.mulf %add3A_329, %bitcast_convert_type3A_299 : vector<16xf32>
      %add3A_331 = arith.constant -2.37128353 : f32
      %add3A_332 = vector.broadcast %add3A_331 : f32 to vector<16xf32>
      %add3A_333 = arith.addf %mul3A_330, %add3A_332 : vector<16xf32>
      %convert_element_type3A = arith.sitofp %sub3A_293 : vector<16xi32> to vector<16xf32>
      %mul3A_334 = arith.constant 0.693147182 : f32
      %mul3A_335 = vector.broadcast %mul3A_334 : f32 to vector<16xf32>
      %mul3A_336 = arith.mulf %convert_element_type3A, %mul3A_335 : vector<16xf32>
      %add3A_337 = arith.addf %mul3A_336, %add3A_333 : vector<16xf32>
      %get3A_338 = arith.index_cast %select_n3A_249 : i32 to index
      %get3A_339 = arith.index_cast %mul3A_267 : i32 to index
      %get3A_340 = tpu.vector_load %arg11[%get3A_338, %get3A_339] {strides = array<i32>} : memref<8x512xi32, #tpu.memory_space<vmem>>, vector<1x16xi32>,
      %get3A_341 = vector.shape_cast %get3A_340 : vector<1x16xi32> to vector<16xi32>
      %eq3A_342 = arith.constant 0 : i32
      %eq3A_343 = vector.broadcast %eq3A_342 : i32 to vector<16xi32>
      %eq3A_344 = arith.cmpi eq, %get3A_341, %eq3A_343 : vector<16xi32>
      %eq3A_345 = arith.constant 1 : i32
      %eq3A_346 = vector.broadcast %eq3A_345 : i32 to vector<16xi32>
      %eq3A_347 = arith.cmpi eq, %get3A_341, %eq3A_346 : vector<16xi32>
      %eq3A_348 = arith.constant 2 : i32
      %eq3A_349 = vector.broadcast %eq3A_348 : i32 to vector<16xi32>
      %eq3A_350 = arith.cmpi eq, %get3A_341, %eq3A_349 : vector<16xi32>
      %select_n3A_351 = arith.select %eq3A_350, %get3A_278, %get3A_282 : vector<16xi1>, vector<16xf32>
      %select_n3A_352 = arith.select %eq3A_347, %get3A_274, %select_n3A_351 : vector<16xi1>, vector<16xf32>
      %select_n3A_353 = arith.select %eq3A_344, %get3A_270, %select_n3A_352 : vector<16xi1>, vector<16xf32>
      %sub3A_354 = arith.subf %add3A_337, %select_n3A_353 : vector<16xf32>
      %jit3A_355 = arith.constant 1.000050e-04 : f32
      %jit3A_356 = arith.constant 9.21034049 : f32
      %max3A = vector.broadcast %jit3A_355 : f32 to vector<16xf32>
      %max3A_357 = arith.maximumf %max3A, %sub3A_354 : vector<16xf32>
      %min3A = vector.broadcast %jit3A_356 : f32 to vector<16xf32>
      %min3A_358 = arith.minimumf %min3A, %max3A_357 : vector<16xf32>
      %get3A_359 = arith.index_cast %select_n3A_249 : i32 to index
      %get3A_360 = arith.index_cast %mul3A_267 : i32 to index
      %get3A_361 = tpu.vector_load %arg12[%get3A_359, %get3A_360] {strides = array<i32>} : memref<8x512xi32, #tpu.memory_space<vmem>>, vector<1x16xi32>,
      %get3A_362 = vector.shape_cast %get3A_361 : vector<1x16xi32> to vector<16xi32>
      %ne3A_363 = arith.constant 0 : i32
      %ne3A_364 = vector.broadcast %ne3A_363 : i32 to vector<16xi32>
      %ne3A_365 = arith.cmpi ne, %get3A_362, %ne3A_364 : vector<16xi32>
      %jit3A_366 = arith.constant 0.000000e+00 : f32
      %broadcast_in_dim3A_367 = vector.broadcast %jit3A_366 : f32 to vector<16xf32>
      %select_n3A_368 = arith.select %ne3A_365, %min3A_358, %broadcast_in_dim3A_367 : vector<16xi1>, vector<16xf32>
      %add3A_369 = arith.addf %scan3A_224, %select_n3A_368 : vector<16xf32>
      %jit3A_370 = arith.constant 1.000000e+00 : f32
      %jit3A_371 = arith.constant 0.000000e+00 : f32
      %broadcast_in_dim3A_372 = vector.broadcast %jit3A_370 : f32 to vector<16xf32>
      %broadcast_in_dim3A_373 = vector.broadcast %jit3A_371 : f32 to vector<16xf32>
      %select_n3A_374 = arith.select %ne3A_365, %broadcast_in_dim3A_372, %broadcast_in_dim3A_373 : vector<16xi1>, vector<16xf32>
      %add3A_375 = arith.addf %scan3A_225, %select_n3A_374 : vector<16xf32>
      scf.yield %add3A_369, %add3A_375 : vector<16xf32>, vector<16xf32>
    }
    %scan3A_215 = arith.constant 256 : i32
    %swap3A = arith.constant 0 : index
    %swap3A_216 = tpu.vector_load %arg13[%swap3A] {strides = array<i32>} : memref<16xf32, #tpu.memory_space<vmem>>, vector<16xf32>,
    %swap3A_217 = vector.shape_cast %swap3A_216 : vector<16xf32> to vector<16xf32>
    %swap3A_218 = vector.shape_cast %scan3A_214#0 : vector<16xf32> to vector<16xf32>
    tpu.vector_store %arg13[%swap3A], %swap3A_218 {strides = array<i32>} : memref<16xf32, #tpu.memory_space<vmem>>, vector<16xf32>,
    %swap3A_219 = arith.constant 0 : index
    %swap3A_220 = tpu.vector_load %arg14[%swap3A_219] {strides = array<i32>} : memref<16xf32, #tpu.memory_space<vmem>>, vector<16xf32>,
    %swap3A_221 = vector.shape_cast %swap3A_220 : vector<16xf32> to vector<16xf32>
    %swap3A_222 = vector.shape_cast %scan3A_214#1 : vector<16xf32> to vector<16xf32>
    tpu.vector_store %arg14[%swap3A_219], %swap3A_222 {strides = array<i32>} : memref<16xf32, #tpu.memory_space<vmem>>, vector<16xf32>,
    "tpu.region"() ({
      %run_scoped3A_223 = tpu.sem_alloc : memref<!tpu.dma_semaphore, #tpu.memory_space<semaphore_mem>>
      %dma_start3A = arith.constant 0 : i32
      %dma_start3A_224 = tpu.memref_slice %arg5[%add3A, %dma_start3A] : memref<32x16xf32, #tpu.memory_space<hbm>> -> memref<1x16xf32, #tpu.memory_space<hbm>>
      %dma_start3A_225 = tpu.memref_squeeze %dma_start3A_224 : memref<1x16xf32, #tpu.memory_space<hbm>> -> memref<16xf32, #tpu.memory_space<hbm>>
      %dma_start3A_226 = arith.constant 0 : i32
      %dma_start3A_227 = tpu.memref_slice %arg5[%add3A, %dma_start3A_226] : memref<32x16xf32, #tpu.memory_space<hbm>> -> memref<1x16xf32, #tpu.memory_space<hbm>>
      %dma_start3A_228 = tpu.memref_squeeze %dma_start3A_227 : memref<1x16xf32, #tpu.memory_space<hbm>> -> memref<16xf32, #tpu.memory_space<hbm>>
      tpu.enqueue_dma source(%arg13 : memref<16xf32, #tpu.memory_space<vmem>>) target(%dma_start3A_228 : memref<16xf32, #tpu.memory_space<hbm>>) target_semaphore(%run_scoped3A_223 : memref<!tpu.dma_semaphore, #tpu.memory_space<semaphore_mem>>)
      %dma_wait3A = arith.constant 0 : i32
      %dma_wait3A_229 = tpu.memref_slice %arg5[%add3A, %dma_wait3A] : memref<32x16xf32, #tpu.memory_space<hbm>> -> memref<1x16xf32, #tpu.memory_space<hbm>>
      %dma_wait3A_230 = tpu.memref_squeeze %dma_wait3A_229 : memref<1x16xf32, #tpu.memory_space<hbm>> -> memref<16xf32, #tpu.memory_space<hbm>>
      %dma_wait3A_231 = arith.constant 0 : i32
      %dma_wait3A_232 = tpu.memref_slice %arg5[%add3A, %dma_wait3A_231] : memref<32x16xf32, #tpu.memory_space<hbm>> -> memref<1x16xf32, #tpu.memory_space<hbm>>
      %dma_wait3A_233 = tpu.memref_squeeze %dma_wait3A_232 : memref<1x16xf32, #tpu.memory_space<hbm>> -> memref<16xf32, #tpu.memory_space<hbm>>
      tpu.wait_dma2 semaphore(%run_scoped3A_223 : memref<!tpu.dma_semaphore, #tpu.memory_space<semaphore_mem>>) src(%arg13 : memref<16xf32, #tpu.memory_space<vmem>>) dst(%dma_wait3A_233 : memref<16xf32, #tpu.memory_space<hbm>>)
      tpu.yield
    }) : () -> ()
    "tpu.region"() ({
      %run_scoped3A_223 = tpu.sem_alloc : memref<!tpu.dma_semaphore, #tpu.memory_space<semaphore_mem>>
      %dma_start3A = arith.constant 0 : i32
      %dma_start3A_224 = tpu.memref_slice %arg6[%add3A, %dma_start3A] : memref<32x16xf32, #tpu.memory_space<hbm>> -> memref<1x16xf32, #tpu.memory_space<hbm>>
      %dma_start3A_225 = tpu.memref_squeeze %dma_start3A_224 : memref<1x16xf32, #tpu.memory_space<hbm>> -> memref<16xf32, #tpu.memory_space<hbm>>
      %dma_start3A_226 = arith.constant 0 : i32
      %dma_start3A_227 = tpu.memref_slice %arg6[%add3A, %dma_start3A_226] : memref<32x16xf32, #tpu.memory_space<hbm>> -> memref<1x16xf32, #tpu.memory_space<hbm>>
      %dma_start3A_228 = tpu.memref_squeeze %dma_start3A_227 : memref<1x16xf32, #tpu.memory_space<hbm>> -> memref<16xf32, #tpu.memory_space<hbm>>
      tpu.enqueue_dma source(%arg14 : memref<16xf32, #tpu.memory_space<vmem>>) target(%dma_start3A_228 : memref<16xf32, #tpu.memory_space<hbm>>) target_semaphore(%run_scoped3A_223 : memref<!tpu.dma_semaphore, #tpu.memory_space<semaphore_mem>>)
      %dma_wait3A = arith.constant 0 : i32
      %dma_wait3A_229 = tpu.memref_slice %arg6[%add3A, %dma_wait3A] : memref<32x16xf32, #tpu.memory_space<hbm>> -> memref<1x16xf32, #tpu.memory_space<hbm>>
      %dma_wait3A_230 = tpu.memref_squeeze %dma_wait3A_229 : memref<1x16xf32, #tpu.memory_space<hbm>> -> memref<16xf32, #tpu.memory_space<hbm>>
      %dma_wait3A_231 = arith.constant 0 : i32
      %dma_wait3A_232 = tpu.memref_slice %arg6[%add3A, %dma_wait3A_231] : memref<32x16xf32, #tpu.memory_space<hbm>> -> memref<1x16xf32, #tpu.memory_space<hbm>>
      %dma_wait3A_233 = tpu.memref_squeeze %dma_wait3A_232 : memref<1x16xf32, #tpu.memory_space<hbm>> -> memref<16xf32, #tpu.memory_space<hbm>>
      tpu.wait_dma2 semaphore(%run_scoped3A_223 : memref<!tpu.dma_semaphore, #tpu.memory_space<semaphore_mem>>) src(%arg14 : memref<16xf32, #tpu.memory_space<vmem>>) dst(%dma_wait3A_233 : memref<16xf32, #tpu.memory_space<hbm>>)
      tpu.yield
    }) : () -> ()
    return
  }
}

module attributes {stable_mosaic.version = 14 : i64} {
  func.func @_tc_body(%arg0: i32, %arg1: memref<2x4x512x512xf32, #tpu.memory_space<vmem>>, %arg2: memref<2x512x512xi32, #tpu.memory_space<vmem>>, %arg3: memref<2x512x512xi32, #tpu.memory_space<vmem>>, %arg4: memref<1x2xf32, #tpu.memory_space<smem>>, %arg5: memref<2xf32, #tpu.memory_space<smem>>) attributes {dimension_semantics = [#tpu.dimension_semantics<arbitrary>], iteration_bounds = array<i64: 7>, scalar_prefetch = 0 : i64, scratch_operands = 1 : i64, tpu.core_type = #tpu.core_type<tc>, window_params = [{transform_indices = @transform_0, window_bounds = array<i64: 2, 4, 512, 512>}, {transform_indices = @transform_1, window_bounds = array<i64: 2, 512, 512>}, {transform_indices = @transform_2, window_bounds = array<i64: 2, 512, 512>}, {transform_indices = @transform_3, window_bounds = array<i64: 1, 2>}]} {
    %eq3A = arith.constant 0 : i32
    %eq3A_0 = arith.cmpi eq, %arg0, %eq3A : i32
    %convert_element_type3A = arith.extui %eq3A_0 : i1 to i32
    %cond3A = arith.constant 0 : i32
    %cond3A_1 = arith.cmpi ne, %convert_element_type3A, %cond3A : i32
    scf.if %cond3A_1 {
      %swap3A_71 = arith.constant 0.000000e+00 : f32
      %swap3A_72 = arith.constant 0 : index
      %swap3A_73 = memref.load %arg5[%swap3A_72] : memref<2xf32, #tpu.memory_space<smem>>
      memref.store %swap3A_71, %arg5[%swap3A_72] : memref<2xf32, #tpu.memory_space<smem>>
      %swap3A_74 = arith.constant 0.000000e+00 : f32
      %swap3A_75 = arith.constant 1 : index
      %swap3A_76 = memref.load %arg5[%swap3A_75] : memref<2xf32, #tpu.memory_space<smem>>
      memref.store %swap3A_74, %arg5[%swap3A_75] : memref<2xf32, #tpu.memory_space<smem>>
    } else {
    }
    %get3A = arith.constant 0 : index
    %get3A_2 = arith.constant 0 : index
    %get3A_3 = arith.constant 0 : index
    %get3A_4 = arith.constant 0 : index
    %get3A_5 = vector.load %arg1[%get3A, %get3A_2, %get3A_3, %get3A_4] : memref<2x4x512x512xf32, #tpu.memory_space<vmem>>, vector<2x4x512x512xf32>
    %slice3A = vector.extract_strided_slice %get3A_5 {offsets = [0, 0, 0, 0], sizes = [2, 1, 512, 512], strides = [1, 1, 1, 1]} : vector<2x4x512x512xf32> to vector<2x1x512x512xf32>
    %squeeze3A = vector.shape_cast %slice3A : vector<2x1x512x512xf32> to vector<2x512x512xf32>
    %slice3A_6 = vector.extract_strided_slice %get3A_5 {offsets = [0, 1, 0, 0], sizes = [2, 1, 512, 512], strides = [1, 1, 1, 1]} : vector<2x4x512x512xf32> to vector<2x1x512x512xf32>
    %squeeze3A_7 = vector.shape_cast %slice3A_6 : vector<2x1x512x512xf32> to vector<2x512x512xf32>
    %slice3A_8 = vector.extract_strided_slice %get3A_5 {offsets = [0, 2, 0, 0], sizes = [2, 1, 512, 512], strides = [1, 1, 1, 1]} : vector<2x4x512x512xf32> to vector<2x1x512x512xf32>
    %squeeze3A_9 = vector.shape_cast %slice3A_8 : vector<2x1x512x512xf32> to vector<2x512x512xf32>
    %slice3A_10 = vector.extract_strided_slice %get3A_5 {offsets = [0, 3, 0, 0], sizes = [2, 1, 512, 512], strides = [1, 1, 1, 1]} : vector<2x4x512x512xf32> to vector<2x1x512x512xf32>
    %squeeze3A_11 = vector.shape_cast %slice3A_10 : vector<2x1x512x512xf32> to vector<2x512x512xf32>
    %exp3A = math.exp %squeeze3A : vector<2x512x512xf32>
    %exp3A_12 = math.exp %squeeze3A_7 : vector<2x512x512xf32>
    %add3A = arith.addf %exp3A, %exp3A_12 : vector<2x512x512xf32>
    %exp3A_13 = math.exp %squeeze3A_9 : vector<2x512x512xf32>
    %exp3A_14 = math.exp %squeeze3A_11 : vector<2x512x512xf32>
    %add3A_15 = arith.addf %exp3A_13, %exp3A_14 : vector<2x512x512xf32>
    %add3A_16 = arith.addf %add3A, %add3A_15 : vector<2x512x512xf32>
    %get3A_17 = arith.constant 0 : index
    %get3A_18 = arith.constant 0 : index
    %get3A_19 = arith.constant 0 : index
    %get3A_20 = vector.load %arg2[%get3A_17, %get3A_18, %get3A_19] : memref<2x512x512xi32, #tpu.memory_space<vmem>>, vector<2x512x512xi32>
    %eq3A_21 = arith.constant 0 : i32
    %eq3A_22 = vector.broadcast %eq3A_21 : i32 to vector<2x512x512xi32>
    %eq3A_23 = arith.cmpi eq, %get3A_20, %eq3A_22 : vector<2x512x512xi32>
    %eq3A_24 = arith.constant 1 : i32
    %eq3A_25 = vector.broadcast %eq3A_24 : i32 to vector<2x512x512xi32>
    %eq3A_26 = arith.cmpi eq, %get3A_20, %eq3A_25 : vector<2x512x512xi32>
    %eq3A_27 = arith.constant 2 : i32
    %eq3A_28 = vector.broadcast %eq3A_27 : i32 to vector<2x512x512xi32>
    %eq3A_29 = arith.cmpi eq, %get3A_20, %eq3A_28 : vector<2x512x512xi32>
    %select_n3A = arith.select %eq3A_29, %squeeze3A_9, %squeeze3A_11 : vector<2x512x512xi1>, vector<2x512x512xf32>
    %select_n3A_30 = arith.select %eq3A_26, %squeeze3A_7, %select_n3A : vector<2x512x512xi1>, vector<2x512x512xf32>
    %select_n3A_31 = arith.select %eq3A_23, %squeeze3A, %select_n3A_30 : vector<2x512x512xi1>, vector<2x512x512xf32>
    %log3A = math.log %add3A_16 : vector<2x512x512xf32>
    %sub3A = arith.subf %log3A, %select_n3A_31 : vector<2x512x512xf32>
    %jit3A = arith.constant 1.000050e-04 : f32
    %jit3A_32 = arith.constant 9.21034049 : f32
    %max3A = vector.broadcast %jit3A : f32 to vector<2x512x512xf32>
    %max3A_33 = arith.maximumf %max3A, %sub3A : vector<2x512x512xf32>
    %min3A = vector.broadcast %jit3A_32 : f32 to vector<2x512x512xf32>
    %min3A_34 = arith.minimumf %min3A, %max3A_33 : vector<2x512x512xf32>
    %get3A_35 = arith.constant 0 : index
    %get3A_36 = arith.constant 0 : index
    %get3A_37 = arith.constant 0 : index
    %get3A_38 = vector.load %arg3[%get3A_35, %get3A_36, %get3A_37] : memref<2x512x512xi32, #tpu.memory_space<vmem>>, vector<2x512x512xi32>
    %ne3A = arith.constant 0 : i32
    %ne3A_39 = vector.broadcast %ne3A : i32 to vector<2x512x512xi32>
    %ne3A_40 = arith.cmpi ne, %get3A_38, %ne3A_39 : vector<2x512x512xi32>
    %get3A_41 = arith.constant 0 : index
    %get3A_42 = memref.load %arg5[%get3A_41] : memref<2xf32, #tpu.memory_space<smem>>
    %jit3A_43 = arith.constant 0.000000e+00 : f32
    %broadcast_in_dim3A = vector.broadcast %jit3A_43 : f32 to vector<2x512x512xf32>
    %select_n3A_44 = arith.select %ne3A_40, %min3A_34, %broadcast_in_dim3A : vector<2x512x512xi1>, vector<2x512x512xf32>
    %reduce_sum3A = vector.shape_cast %select_n3A_44 : vector<2x512x512xf32> to vector<1x2x512x512xf32>
    %reduce_sum3A_45 = arith.constant dense<0.000000e+00> : vector<1xf32>
    %reduce_sum3A_46 = vector.multi_reduction <add>, %reduce_sum3A, %reduce_sum3A_45 [1, 2, 3] : vector<1x2x512x512xf32> to vector<1xf32>
    %reduce_sum3A_47 = vector.shape_cast %reduce_sum3A_46 : vector<1xf32> to vector<1x1x1x1xf32>
    %reduce_sum3A_48 = vector.extract %reduce_sum3A_47[0, 0, 0, 0] : f32 from vector<1x1x1x1xf32>
    %add3A_49 = arith.addf %get3A_42, %reduce_sum3A_48 : f32
    %swap3A = arith.constant 0 : index
    %swap3A_50 = memref.load %arg5[%swap3A] : memref<2xf32, #tpu.memory_space<smem>>
    memref.store %add3A_49, %arg5[%swap3A] : memref<2xf32, #tpu.memory_space<smem>>
    %get3A_51 = arith.constant 1 : index
    %get3A_52 = memref.load %arg5[%get3A_51] : memref<2xf32, #tpu.memory_space<smem>>
    %jit3A_53 = arith.constant 1.000000e+00 : f32
    %jit3A_54 = arith.constant 0.000000e+00 : f32
    %broadcast_in_dim3A_55 = vector.broadcast %jit3A_53 : f32 to vector<2x512x512xf32>
    %broadcast_in_dim3A_56 = vector.broadcast %jit3A_54 : f32 to vector<2x512x512xf32>
    %select_n3A_57 = arith.select %ne3A_40, %broadcast_in_dim3A_55, %broadcast_in_dim3A_56 : vector<2x512x512xi1>, vector<2x512x512xf32>
    %reduce_sum3A_58 = vector.shape_cast %select_n3A_57 : vector<2x512x512xf32> to vector<1x2x512x512xf32>
    %reduce_sum3A_59 = arith.constant dense<0.000000e+00> : vector<1xf32>
    %reduce_sum3A_60 = vector.multi_reduction <add>, %reduce_sum3A_58, %reduce_sum3A_59 [1, 2, 3] : vector<1x2x512x512xf32> to vector<1xf32>
    %reduce_sum3A_61 = vector.shape_cast %reduce_sum3A_60 : vector<1xf32> to vector<1x1x1x1xf32>
    %reduce_sum3A_62 = vector.extract %reduce_sum3A_61[0, 0, 0, 0] : f32 from vector<1x1x1x1xf32>
    %add3A_63 = arith.addf %get3A_52, %reduce_sum3A_62 : f32
    %swap3A_64 = arith.constant 1 : index
    %swap3A_65 = memref.load %arg5[%swap3A_64] : memref<2xf32, #tpu.memory_space<smem>>
    memref.store %add3A_63, %arg5[%swap3A_64] : memref<2xf32, #tpu.memory_space<smem>>
    %eq3A_66 = arith.constant 6 : i32
    %eq3A_67 = arith.cmpi eq, %arg0, %eq3A_66 : i32
    %convert_element_type3A_68 = arith.extui %eq3A_67 : i1 to i32
    %cond3A_69 = arith.constant 0 : i32
    %cond3A_70 = arith.cmpi ne, %convert_element_type3A_68, %cond3A_69 : i32
    scf.if %cond3A_70 {
      %get3A_71 = arith.constant 0 : index
      %get3A_72 = memref.load %arg5[%get3A_71] : memref<2xf32, #tpu.memory_space<smem>>
      %swap3A_73 = arith.constant 0 : index
      %swap3A_74 = arith.constant 0 : index
      %swap3A_75 = memref.load %arg4[%swap3A_73, %swap3A_74] : memref<1x2xf32, #tpu.memory_space<smem>>
      memref.store %get3A_72, %arg4[%swap3A_73, %swap3A_74] : memref<1x2xf32, #tpu.memory_space<smem>>
      %get3A_76 = arith.constant 1 : index
      %get3A_77 = memref.load %arg5[%get3A_76] : memref<2xf32, #tpu.memory_space<smem>>
      %swap3A_78 = arith.constant 0 : index
      %swap3A_79 = arith.constant 1 : index
      %swap3A_80 = memref.load %arg4[%swap3A_78, %swap3A_79] : memref<1x2xf32, #tpu.memory_space<smem>>
      memref.store %get3A_77, %arg4[%swap3A_78, %swap3A_79] : memref<1x2xf32, #tpu.memory_space<smem>>
    } else {
    }
    return
  }
  func.func @transform_0(%arg0: i32) -> (i32, i32, i32, i32) {
    %add3A = arith.constant 1 : i32
    %add3A_0 = arith.addi %arg0, %add3A : i32
    %c0_i32 = arith.constant 0 : i32
    %c0_i32_1 = arith.constant 0 : i32
    %c0_i32_2 = arith.constant 0 : i32
    %c0_i32_3 = arith.constant 0 : i32
    return %add3A_0, %c0_i32, %c0_i32_1, %c0_i32_2 : i32, i32, i32, i32
  }
  func.func @transform_1(%arg0: i32) -> (i32, i32, i32) {
    %add3A = arith.constant 1 : i32
    %add3A_0 = arith.addi %arg0, %add3A : i32
    %c0_i32 = arith.constant 0 : i32
    %c0_i32_1 = arith.constant 0 : i32
    %c0_i32_2 = arith.constant 0 : i32
    return %add3A_0, %c0_i32, %c0_i32_1 : i32, i32, i32
  }
  func.func @transform_2(%arg0: i32) -> (i32, i32, i32) {
    %add3A = arith.constant 1 : i32
    %add3A_0 = arith.addi %arg0, %add3A : i32
    %c0_i32 = arith.constant 0 : i32
    %c0_i32_1 = arith.constant 0 : i32
    %c0_i32_2 = arith.constant 0 : i32
    return %add3A_0, %c0_i32, %c0_i32_1 : i32, i32, i32
  }
  func.func @transform_3(%arg0: i32) -> (i32, i32) {
    %c0_i32 = arith.constant 0 : i32
    %c0_i32_0 = arith.constant 0 : i32
    %c0_i32_1 = arith.constant 0 : i32
    return %c0_i32, %c0_i32_0 : i32, i32
  }
}

</mosaic_0001>

<sc_bundles>
// kernel: kernel.4.cloned.1.call-start
scs
__scs_entry_jumppad:
0x0: {  	(pc) =	sbr.rel $0x88, $3  }
0x1: {  	(tag) =	ssettag $0x0;
	lr =	simm.s32 $0x1  }
0x2: {  	[smem:$0x3F9E] =	sst lr;
	_ =	strace $0xD0000000  }
0x3: {  	_ = 	snop  }
0x4: {  	_ = 	snop  }
0x5: {  	_ = 	snop  }
0x6: {  	_ = 	snop  }
0x7: {  	_ = 	snop  }
__scs_overlays_trampoline_lowered:
0x8: {  	[smem:$0x3FAD] =	sst s0  }
0x9: {  	[smem:$0x3FAE] =	sst s1  }
0xa: {  	[smem:$0x3FAF] =	sst s2  }
0xb: {  	[smem:$0x3FB0] =	sst s3  }
0xc: {  	[smem:$0x3FB1] =	sst s4  }
0xd: {  	[smem:$0x3FB2] =	sst s5  }
0xe: {  	[smem:$0x3FB3] =	sst s6  }
0xf: {  	[smem:$0x3FB4] =	sst s7  }
0x10: {  	[smem:$0x3FB5] =	sst s8  }
0x11: {  	[smem:$0x3FB6] =	sst s9;
	s0 =	simm.s32 @!p0 $0x0  }
0x12: {  	s1 =	sld [smem:$0x3F9C];
	s0 =	simm.s32 @p0 $0x1  }
0x13: {  	[smem:$0x3FB7] =	sst s0;
	s0 =	simm.s32 @!p1 $0x0  }
0x14: {  	s2 =	sld [smem:$0x3F9B];
	s0 =	simm.s32 @p1 $0x1  }
0x15: {  	[smem:$0x3FB8] =	sst s0;
	s0 =	simm.s32 @!p2 $0x0  }
0x16: {  	s3 =	sld [smem:$0x3FDB];
	s0 =	simm.s32 @p2 $0x1  }
0x17: {  	s4 =	simm.s32 $0x1BF5;
	[smem:$0x3FBA] =	sst s0  }
0x18: {  	s0 =	sld [smem:$0x3F9D];
	_ =	swait.ge [sflag:s4], $0x0  }
0x19: {  	s7 =	sld [smem:$0x3F9E]  }
0x1a: {  	s8 =	sadd.s32 $0xFFFFE003, lr  }
0x1b: {  	s9 =	sadd.s32 $0xFFFFFEF7, lr;
	s5 =	simm.s32 $0xFFFFFFFF;
	p2 =	slt.u32 s8, $0xFFFFF086  }
0x1c: {  	p1 =	slt.u32 s9, $0xF7A;
	s5 =	simm.s32 @!p2 $0x0  }
0x1d: {  	s5 =	simm.s32 @p1 $0x1;
	p0 =	seq.s32 s7, s2  }
0x1e: {  	s7 =	smul.u32 @!p0 $0xF7A, s2;
	p2 =	seq.s32 @!p0 s5, $0x0  }
0x1f: {  	s9 =	smul.u32 $0xF7A, s1;
	s8 =	simm.s32 @!p0 $0x1BF5;
	p2 =	por !p2, p0  }
0x20: {  	[sflag:s8] =	ssyncset.s32 @!p0 $0xFFFFF086;
	s6 =	sadd.s32 @!p0 s3, s7;
	s7 =	simm.s32 @!p0 $0x108  }
0x21: {  	s3 =	sadd.s32 s3, s9;
	s6 =	sadd.s32 @!p0 $0x88, s6;
	s7 =	simm.s32 @p2 $0x1082  }
0x22: {  	[simem:s7], [sflag:s8] =	dma.local @!p0 [hbm:s6], $0xF7A  }
0x23: {  	s9 =	sor.u32 $0xD0000000, s2;
	s6 =	simm.s32 $0x108;
	_ =	swait.ge @!p0 [sflag:s8], $0x0  }
0x24: {  	s3 =	sadd.s32 $0x88, s3;
	s6 =	simm.s32 @!p1 $0x1082;
	[sflag:s4] =	ssyncset.s32 $0xFFFFF086  }
0x25: {  	[simem:s6], [sflag:s4] =	dma.local [hbm:s3], $0xF7A  }
0x26: {  	[smem:$0x3F9E] =	sst s1;
	(tag) =	ssettag s2;
	_ =	strace s9  }
0x27: {  	s1 =	sld [smem:$0x3FAE]  }
0x28: {  	s2 =	sld [smem:$0x3FAF]  }
0x29: {  	s4 =	sld [smem:$0x3FB1]  }
0x2a: {  	p0 =	seq.s32 s5, $0x0;
	s5 =	sld [smem:$0x3FB2]  }
0x2b: {  	s6 =	sld [smem:$0x3FB3]  }
0x2c: {  	s7 =	sld [smem:$0x3FB4]  }
0x2d: {  	s3 =	simm.s32 $0x108;
	s8 =	sld [smem:$0x3FB5]  }
0x2e: {  	s3 =	simm.s32 @!p0 $0x1082;
	s9 =	sld [smem:$0x3FB6]  }
0x2f: {  	lr =	sadd.s32 s0, s3;
	s0 =	sld [smem:$0x3FAD]  }
0x30: {  	s3 =	sld [smem:$0x3FB0]  }
0x31: {  	[smem:$0x3FB9] =	sst s10  }
0x32: {  	s10 =	sld [smem:$0x3FB7];
	_ =	sdelay $0x3  }
0x33: {  	p0 =	seq.s32 s10, $0x1;
	s10 =	sld [smem:$0x3FB9];
	_ =	sdelay $0x3  }
0x34: {  	[smem:$0x3FB9] =	sst s10  }
0x35: {  	s10 =	sld [smem:$0x3FB8];
	_ =	sdelay $0x3  }
0x36: {  	p1 =	seq.s32 s10, $0x1;
	s10 =	sld [smem:$0x3FB9];
	_ =	sdelay $0x3  }
0x37: {  	[smem:$0x3FB9] =	sst s10  }
0x38: {  	s10 =	sld [smem:$0x3FBA]  }
0x39: {  	_ = 	snop;
	(pc) =	sbr.ind lr, $3  }
0x3a: {  	_ = 	snop  }
0x3b: {  	_ = 	snop  }
0x3c: {  	p2 =	seq.s32 s10, $0x1;
	s10 =	sld [smem:$0x3FB9]  }
0x3d: {  	_ =	shalt  }
0x3e: {  	_ =	shalt  }
0x3f: {  	_ =	shalt  }
0x40: {  	_ =	shalt  }
0x41: {  	_ =	shalt  }
0x42: {  	_ =	shalt  }
0x43: {  	_ =	shalt  }
0x44: {  	_ =	shalt  }
0x45: {  	_ =	shalt  }
0x46: {  	_ =	shalt  }
0x47: {  	_ =	shalt  }
0x48: {  	_ =	shalt  }
0x49: {  	_ =	shalt  }
0x4a: {  	_ =	shalt  }
0x4b: {  	_ =	shalt  }
0x4c: {  	_ =	shalt  }
0x4d: {  	_ =	shalt  }
0x4e: {  	_ =	shalt  }
0x4f: {  	_ =	shalt  }
0x50: {  	_ =	shalt  }
0x51: {  	_ =	shalt  }
0x52: {  	_ =	shalt  }
0x53: {  	_ =	shalt  }
0x54: {  	_ =	shalt  }
0x55: {  	_ =	shalt  }
0x56: {  	_ =	shalt  }
0x57: {  	_ =	shalt  }
0x58: {  	_ =	shalt  }
0x59: {  	_ =	shalt  }
0x5a: {  	_ =	shalt  }
0x5b: {  	_ =	shalt  }
0x5c: {  	_ =	shalt  }
0x5d: {  	_ =	shalt  }
0x5e: {  	_ =	shalt  }
0x5f: {  	_ =	shalt  }
0x60: {  	_ =	shalt  }
0x61: {  	_ =	shalt  }
0x62: {  	_ =	shalt  }
0x63: {  	_ =	shalt  }
0x64: {  	_ =	shalt  }
0x65: {  	_ =	shalt  }
0x66: {  	_ =	shalt  }
0x67: {  	_ =	shalt  }
0x68: {  	_ =	shalt  }
0x69: {  	_ =	shalt  }
0x6a: {  	_ =	shalt  }
0x6b: {  	_ =	shalt  }
0x6c: {  	_ =	shalt  }
0x6d: {  	_ =	shalt  }
0x6e: {  	_ =	shalt  }
0x6f: {  	_ =	shalt  }
0x70: {  	_ =	shalt  }
0x71: {  	_ =	shalt  }
0x72: {  	_ =	shalt  }
0x73: {  	_ =	shalt  }
0x74: {  	_ =	shalt  }
0x75: {  	_ =	shalt  }
0x76: {  	_ =	shalt  }
0x77: {  	_ =	shalt  }
0x78: {  	_ =	shalt  }
0x79: {  	_ =	shalt  }
0x7a: {  	_ =	shalt  }
0x7b: {  	_ =	shalt  }
0x7c: {  	_ =	shalt  }
0x7d: {  	_ =	shalt  }
0x7e: {  	_ =	shalt  }
0x7f: {  	_ =	shalt  }
0x80: {  	_ =	shalt  }
0x81: {  	_ =	shalt  }
0x82: {  	_ =	shalt  }
0x83: {  	_ =	shalt  }
0x84: {  	_ =	shalt  }
0x85: {  	_ =	shalt  }
0x86: {  	_ =	shalt  }
0x87: {  	_ =	shalt  }
.Lfunc_end0:
.L_simem_size_0:
called_computation_lowered:
.L_overlay_start_0:
0x88: {  	s2 =	sld [smem:$0x3FD9]  }
0x89: {  	s3 =	sld [smem:$0x3FFE];
	_ =	sdelay $0x1  }
0x8a: {  	s1 =	srdreg.scid  }
0x8b: {  	s0 =	sand.u32 $0x1, s1  }
0x8c: {  	s17 =	sshll.u32 s0, $0xA;
	s2 =	sadd.s32 s3, s2  }
0x8d: {  	s2 =	sadd.s32 s2, s17  }
0x8e: {  	[smem:$0x3FC5] =	sst s2  }
0x8f: {  	_ = 	snop  }
0x90: {  	s2 =	sld [smem:$0x3FC9]  }
0x91: {  	s18 =	sld [smem:$0x3FC8]  }
0x92: {  	s4 =	sld [smem:$0x3FC7];
	(tm) =	ssettm $0x1  }
0x93: {  	s5 =	sld [smem:$0x3FFB];
	_ =	sdelay $0x3  }
0x94: {  	_ =	strace s5  }
0x95: {  	s5 =	sld [smem:$0x3FFC];
	_ =	sdelay $0x3  }
0x96: {  	_ =	strace s5  }
0x97: {  	s5 =	sld [smem:$0x3FFD];
	_ =	sdelay $0x3  }
0x98: {  	_ =	strace s5  }
0x99: {  	_ =	strace $0x8FFFFFFF  }
0x9a: {  	s19 =	sld [smem:$0x3FDB];
	_ =	sdelay $0x1  }
0x9b: {  	s6 =	simm.s32 $_scs_section_size  }
0x9c: {  	s7 =	simm.s32 $_size__tile_overlayer_lowered;
	s8 =	simm.s32 $_tile_overlayer_lowered  }
0x9d: {  	s22 =	simm.s32 $0x1BFF;
	s21 =	sshll.u32 s8, $0x1;
	s5 =	sadd.s32 s6, s19  }
0x9e: {  	s9 =	simm.s32 $0x0;
	s20 =	sshll.u32 s7, $0x1;
	s7 =	sadd.s32 s21, s5  }
0x9f: {  	[timem:s9], [sflag:s22] =	dma.local [hbm:s7], s20  }
0xa0: {  	_ =	swait.ge [sflag:s22], s20  }
0xa1: {  	s6 =	ssub.s32 $0x0, s20;
	[sflag:s22] =	ssyncset.done $0x0  }
0xa2: {  	[sflag:s22] =	ssyncadd.s32 s6;
	_ =	sdelay $0x1  }
0xa3: {  	s23 =	simm.s32 $0x1B8B  }
0xa4: {  	_ =	swait.ge [sflag:s23], $0x1  }
0xa5: {  	[sflag:s23] =	ssyncset.done $0x0  }
0xa6: {  	s25 =	simm.s32 $0x1B8E;
	s24 =	sld [smem:$0x3FFE];
	[sflag:s23] =	ssyncadd.s32 $0xFFFFFFFF  }
0xa7: {  	s26 =	simm.s32 $execute0_lowered;
	[smem:$0x3FD2] =	sst s25  }
0xa8: {  	s7 =	sshll.u32 s26, $0x1;
	_ =	strace $0x80000046;
	[dreg:$0x1] =	wrdreg $0xFFFFFFFF  }
0xa9: {  	s28 =	simm.s32 $_size_execute0_lowered;
	s5 =	sadd.s32 s5, s7;
	[dreg:$0x0] =	wrdreg $0x0  }
0xaa: {  	s7 =	sshll.u32 s28, $0x1;
	[dreg:$0x2] =	wrdreg s5  }
0xab: {  	[dreg:$0x3] =	wrdreg s7  }
0xac: {  	[dreg:$0x4] =	wrdreg $0xC0  }
0xad: {  	_ =	task [dreg:s9], $0x5FFFF  }
0xae: {  	[dreg:$0x1] =	wrdreg $0xFFFFFFFF  }
0xaf: {  	[dreg:$0x0] =	wrdreg $0x60  }
0xb0: {  	[dreg:$0x2] =	wrdreg s2  }
0xb1: {  	[dreg:$0x3] =	wrdreg s18  }
0xb2: {  	[dreg:$0x4] =	wrdreg s4  }
0xb3: {  	[dreg:$0x5] =	wrdreg s24  }
0xb4: {  	[dreg:$0x6] =	wrdreg $0x9  }
0xb5: {  	_ =	task.clear_ibuf [dreg:s9], $0x7FFFF;
	_ =	strace $0x90000046  }
0xb6: {  	s29 =	simm.s32 $0x9;
	_ =	strace $0x80000048  }
0xb7: {  	_ =	swait.ge [sflag:s29], $0x1  }
0xb8: {  	[sflag:s29] =	ssyncadd.s32 $0xFFFFFFFF  }
0xb9: {  	_ =	strace $0x90000048  }
0xba: {  	_ =	sfence  }
0xbb: {  	s30 =	sld [smem:$0x0];
	_ =	sdelay $0x2  }
0xbc: {  	s31 =	sshll.u32 s1, $0xD;
	s1 =	sshrl.u32 s1, $0x2  }
0xbd: {  	s3 =	sand.u32 $0x4000, s31;
	s1 =	sadd.s32 s1, s30  }
0xbe: {  	s0 =	sor.u32 s3, s0;
	s1 =	sshll.u32 s1, $0x11  }
0xbf: {  	s0 =	sor.u32 s1, s0  }
0xc0: {  	s0 =	sadd.s32 $0x8F2B, s0  }
0xc1: {  	[sflag:s0] =	ssyncadd.remote.s32 $0x1  }
0xc2: {  	_ =	sfence.sel $0xFFFF  }
0xc3: {  	[dreg:$0x0] =	wrdreg $0xFFFFFFFF;
	(pc) =	sbr.abs _section_cstart, $3  }
0xc4: {  	[dreg:$0x1] =	wrdreg $0xFFFFFFFF  }
0xc5: {  	_ =	task.clear_ibuf [dreg:s9], $0x2FFFF;
	_ =	strace $0x9FFFFFFF  }
0xc6: {  	(tm) =	ssettm $0x7FFFFFFF  }
0xc7: {  	_ =	shalt  }
tec
execute0_lowered:
.L_overlay_start_1:
0x0: {  	(tag) =	ssettag $0x1  }
0x1: {  	s2 =	rddreg [dreg:$0x0]  }
0x2: {  	s0 =	srdreg.scid;
	s3 =	rddreg [dreg:$0x1]  }
0x3: {  	s5 =	stileid.u32;
	s6 =	rddreg [dreg:$0x3]  }
0x4: {  	s31 =	simm.s32 $0x1;
	s0 =	sand.u32 $0x1, s0;
	s1 =	sshll.u32 s5, $0x1  }
0x5: {  	s5 =	sshrl.u32 s5, $0x3;
	s21 =	sadd.s32 $0x8000, s2;
	s22 =	sadd.s32 $0x10000, s2  }
0x6: {  	s23 =	sadd.s32 $0x18000, s2;
	s1 =	sor.u32 s0, s1;
	s7 =	sshll.u32 s5, $0x14  }
0x7: {  	s0 =	ssub.s32 $0x2, s0;
	s5 =	sshll.u32 s5, $0x12;
	s4 =	sshll.u32 s1, $0xE  }
0x8: {  	s1 =	sshll.u32 s1, $0x4;
	s19 =	sshrl.u32 s0, $0x1;
	s4 =	sand.u32 $0x3C000, s4  }
0x9: {  	s1 =	sadd.s32 s1, s6;
	s0 =	ssub.s32 s0, s19;
	s8 =	sor.u32 s7, s4  }
0xa: {  	s10 =	sor.u32 $0x1000, s4;
	s17 =	sor.u32 s5, s4;
	s18 =	sor.u32 $0x2000, s4  }
0xb: {  	s4 =	sor.u32 $0x3000, s4;
	s28 =	sadd.s32 $0x200, s1;
	s8 =	sshrl.u32 s8, $0x3  }
0xc: {  	s29 =	sadd.s32 $0x400, s1;
	s30 =	smax.u32 s0, $0x1;
	s20 =	sadd.s32 s2, s8  }
0xd: {  	s0 =	simm.s32 $0x2000;
	s9 =	sadd.s32 s8, s21;
	[dreg:$0x5] =	wrdreg s20  }
0xe: {  	s1 =	simm.s32 $0x3000;
	s11 =	sadd.s32 s8, s22;
	[dreg:$0x6] =	wrdreg s9  }
0xf: {  	s12 =	sor.u32 s7, s10;
	s8 =	sadd.s32 s8, s23;
	[dreg:$0x7] =	wrdreg s11  }
0x10: {  	s13 =	sor.u32 s7, s18;
	s24 =	sshrl.u32 s12, $0x3;
	[dreg:$0x8] =	wrdreg s8  }
0x11: {  	s7 =	sor.u32 s7, s4;
	s12 =	sadd.s32 s2, s24;
	s20 =	rddreg [dreg:$0x2]  }
0x12: {  	s4 =	sor.u32 s5, s4;
	s25 =	sadd.s32 s24, s21;
	[dreg:$0x9] =	wrdreg s12  }
0x13: {  	s14 =	sshrl.u32 s13, $0x3;
	s26 =	sadd.s32 s24, s22;
	[dreg:$0xa] =	wrdreg s25  }
0x14: {  	s7 =	sshrl.u32 s7, $0x3;
	s8 =	sadd.s32 s24, s23;
	[dreg:$0xb] =	wrdreg s26  }
0x15: {  	s4 =	sshrl.u32 s4, $0x3;
	s15 =	sadd.s32 s14, s21;
	[dreg:$0xc] =	wrdreg s8  }
0x16: {  	s16 =	sadd.s32 s14, s22;
	s19 =	sadd.s32 s7, s21;
	[dreg:$0xe] =	wrdreg s15  }
0x17: {  	s24 =	sor.u32 s5, s18;
	s12 =	sadd.s32 s2, s14;
	[dreg:$0xf] =	wrdreg s16  }
0x18: {  	s8 =	sadd.s32 s14, s23;
	s2 =	sadd.s32 s2, s7;
	[dreg:$0x12] =	wrdreg s19  }
0x19: {  	s15 =	sadd.s32 s7, s22;
	s16 =	sadd.s32 s7, s23;
	[dreg:$0xd] =	wrdreg s12  }
0x1a: {  	s22 =	sshrl.u32 s17, $0x3;
	s23 =	sor.u32 s5, s10;
	[dreg:$0x10] =	wrdreg s8  }
0x1b: {  	s17 =	simm.s32 $0x0;
	s26 =	sshrl.u32 s24, $0x3;
	[dreg:$0x11] =	wrdreg s2  }
0x1c: {  	[smem:$0x7FF] =	sst s17;
	s18 =	sadd.s32 s3, s22;
	s19 =	sadd.s32 s20, s22  }
0x1d: {  	s25 =	sshrl.u32 s23, $0x3;
	s23 =	sadd.s32 s3, s26;
	s24 =	sadd.s32 s20, s26  }
0x1e: {  	s26 =	sadd.s32 s20, s4;
	s2 =	simm.s32 $0x4000;
	s21 =	sadd.s32 s3, s25  }
0x1f: {  	s22 =	sadd.s32 s20, s25;
	s25 =	sadd.s32 s3, s4;
	_ =	strace $0x80000047  }
0x20: {  	v0 =	vimm.f32 $1.000000000e+00;
	s20 =	simm.s32 $0x1000;
	s3 =	simm.s32 $0x5000;
	s4 =	simm.s32 $0x0  }
.LBB2_1:
0x21: {  	s5 =	rddreg [dreg:$0x5]  }
0x22: {  	[tilespmem:s17], [sflag:$0x1] =	stream.linear.gather [hbm4b:s5+s17], $0x1000, $0x38;
	[tilespmem:$0x6100] =	vst v63  }
0x23: {  	_ =	swait.ge [sflag:s31], $0x1000  }
0x24: {  	[sflag:s31] =	ssyncset.done $0x0  }
0x25: {  	s10 =	rddreg [dreg:$0x6];
	[sflag:s31] =	ssyncadd.s32 $0xFFFFF000  }
0x26: {  	[tilespmem:s20], [sflag:$0x1] =	stream.linear.gather [hbm4b:s10+s17], $0x1000, $0x38;
	[tilespmem:$0x6100] =	vst v63  }
0x27: {  	_ =	swait.ge [sflag:s31], $0x1000  }
0x28: {  	[sflag:s31] =	ssyncset.done $0x0  }
0x29: {  	s11 =	rddreg [dreg:$0x7];
	[sflag:s31] =	ssyncadd.s32 $0xFFFFF000  }
0x2a: {  	[tilespmem:s0], [sflag:$0x1] =	stream.linear.gather [hbm4b:s11+s17], $0x1000, $0x38;
	[tilespmem:$0x6100] =	vst v63  }
0x2b: {  	_ =	swait.ge [sflag:s31], $0x1000  }
0x2c: {  	[sflag:s31] =	ssyncset.done $0x0  }
0x2d: {  	s12 =	rddreg [dreg:$0x8];
	[sflag:s31] =	ssyncadd.s32 $0xFFFFF000  }
0x2e: {  	[tilespmem:s1], [sflag:$0x1] =	stream.linear.gather [hbm4b:s12+s17], $0x1000, $0x38;
	[tilespmem:$0x6100] =	vst v63  }
0x2f: {  	_ =	swait.ge [sflag:s31], $0x1000  }
0x30: {  	[sflag:s31] =	ssyncset.done $0x0  }
0x31: {  	[sflag:s31] =	ssyncadd.s32 $0xFFFFF000  }
0x32: {  	[tilespmem:s2], [sflag:$0x1] =	stream.linear.gather [hbm4b:s18+s17], $0x1000, $0x38;
	[tilespmem:$0x6100] =	vst v63  }
0x33: {  	_ =	swait.ge [sflag:s31], $0x1000  }
0x34: {  	[sflag:s31] =	ssyncset.done $0x0  }
0x35: {  	[sflag:s31] =	ssyncadd.s32 $0xFFFFF000  }
0x36: {  	[tilespmem:s3], [sflag:$0x1] =	stream.linear.gather [hbm4b:s19+s17], $0x1000, $0x38;
	[tilespmem:$0x6100] =	vst v63  }
0x37: {  	s13 =	sand.u32 $0xC00, s17;
	s6 =	sand.u32 $0x380, s17;
	_ =	swait.ge [sflag:s31], $0x1000  }
0x38: {  	s7 =	sand.u32 $0x70, s17;
	s5 =	sor.u32 s6, s13;
	[sflag:s31] =	ssyncset.done $0x0  }
0x39: {  	s11 =	sor.u32 s7, s5;
	[sflag:s31] =	ssyncadd.s32 $0xFFFFF000  }
0x3a: {  	v19 =	vld [tilespmem:s11+$0x0]  }
0x3b: {  	v21 =	vld [tilespmem:s11+$0x1000]  }
0x3c: {  	v11 =	vld [tilespmem:s11+$0x2000]  }
0x3d: {  	v24 =	vld [tilespmem:s11+$0x3000];
	_ =	sdelay $0x1  }
0x3e: {  	v1 =	vmul.f32 $1.442695020e+00, v19  }
0x3f: {  	v2 =	vmul.f32 $1.442695020e+00, v21  }
0x40: {  	v3 =	vmul.f32 $1.442695020e+00, v11;
	(erf) = vpow2.f32 v1  }
0x41: {  	v1 =	vmul.f32 $1.442695020e+00, v24;
	(erf) = vpow2.f32 v2  }
0x42: {  	(erf) = vpow2.f32 v3  }
0x43: {  	(erf) = vpow2.f32 v1;
	_ =	sdelay $0x1  }
0x44: {  	s14 =	simm.s32 $0x4;
	s7 =	simm.s32 $0x80  }
0x45: {  	s8 =	simm.s32 $0x10;
	s5 =	sand.u32 $0x380, s14;
	s6 =	sand.u32 $0xC00, s7  }
0x46: {  	s7 =	sand.u32 $0x70, s8;
	s5 =	sor.u32 s5, s6  }
0x47: {  	s5 =	sor.u32 s7, s5  }
0x48: {  	v9 =	vld [tilespmem:s5+$0x0];
	v1 =	vpop (erf)  }
0x49: {  	v16 =	vld [tilespmem:s5+$0x1000];
	v2 =	vpop (erf)  }
0x4a: {  	v14 =	vld [tilespmem:s5+$0x2000];
	v3 =	vpop (erf)  }
0x4b: {  	v15 =	vld [tilespmem:s5+$0x3000];
	v4 =	vpop (erf)  }
0x4c: {  	v1 =	vadd.f32 v2, v1;
	v2 =	vadd.f32 v4, v3  }
0x4d: {  	v3 =	vmul.f32 $1.442695020e+00, v9  }
0x4e: {  	v4 =	vmul.f32 $1.442695020e+00, v16;
	v1 =	vadd.f32 v2, v1  }
0x4f: {  	v2 =	vmul.f32 $1.442695020e+00, v14;
	(erf) = vpow2.f32 v3  }
0x50: {  	s9 =	simm.s32 $0x8;
	s10 =	simm.s32 $0x100;
	v3 =	vmul.f32 $1.442695020e+00, v15;
	(erf) = vpow2.f32 v4;
	v4 =	vand.u32 $0x7FFFFF, v1  }
0x51: {  	s8 =	simm.s32 $0x20;
	s6 =	sand.u32 $0x380, s9;
	s7 =	sand.u32 $0xC00, s10;
	(erf) = vpow2.f32 v2;
	v8 =	vor.u32 $0x3F800000, v4  }
0x52: {  	s8 =	sand.u32 $0x70, s8;
	s6 =	sor.u32 s6, s7;
	(erf) = vpow2.f32 v3;
	v3 =	vmul.f32 $-6.151470820e-03, v8  }
0x53: {  	s6 =	sor.u32 s8, s6  }
0x54: {  	v6 =	vld [tilespmem:s6+$0x1000];
	v3 =	vadd.f32 $8.406148100e-02, v3  }
0x55: {  	v2 =	vld [tilespmem:s6+$0x0]  }
0x56: {  	v10 =	vld [tilespmem:s6+$0x2000];
	v3 =	vmul.f32 v8, v3;
	_ =	sdelay $0x1  }
0x57: {  	v13 =	vld [tilespmem:s6+$0x3000];
	v4 =	vpop (erf);
	v3 =	vadd.f32 $-5.094411970e-01, v3  }
0x58: {  	v5 =	vpop (erf)  }
0x59: {  	v7 =	vmul.f32 $1.442695020e+00, v2;
	v12 =	vpop (erf);
	v3 =	vmul.f32 v8, v3  }
0x5a: {  	v17 =	vmul.f32 $1.442695020e+00, v6;
	v20 =	vmul.f32 $1.442695020e+00, v10;
	v4 =	vadd.f32 v5, v4;
	v5 =	vpop (erf)  }
0x5b: {  	(erf) = vpow2.f32 v7;
	v5 =	vadd.f32 v5, v12;
	v3 =	vadd.f32 $1.801661250e+00, v3  }
0x5c: {  	v7 =	vmul.f32 $1.442695020e+00, v13;
	(erf) = vpow2.f32 v17  }
0x5d: {  	s13 =	simm.s32 $0x180;
	s12 =	simm.s32 $0xC;
	(erf) = vpow2.f32 v20;
	v18 =	vadd.f32 v5, v4;
	v5 =	vmul.f32 v8, v3  }
0x5e: {  	s9 =	simm.s32 $0x30;
	s8 =	sand.u32 $0xC00, s13;
	s7 =	sand.u32 $0x380, s12;
	(erf) = vpow2.f32 v7  }
0x5f: {  	s9 =	sand.u32 $0x70, s9;
	s7 =	sor.u32 s7, s8;
	v7 =	vand.u32 $0x7FFFFF, v18;
	v17 =	vadd.f32 $-4.118063450e+00, v5  }
0x60: {  	s7 =	sor.u32 s9, s7;
	v31 =	vld [tilespmem:s11+$0x4000];
	v20 =	vor.u32 $0x3F800000, v7  }
0x61: {  	v4 =	vld [tilespmem:s7+$0x0];
	v7 =	vmul.f32 $-6.151470820e-03, v20;
	v17 =	vmul.f32 v8, v17  }
0x62: {  	v12 =	vld [tilespmem:s7+$0x3000]  }
0x63: {  	v3 =	vld [tilespmem:s7+$0x1000];
	v7 =	vadd.f32 $8.406148100e-02, v7;
	v17 =	vadd.f32 $6.378344060e+00, v17  }
0x64: {  	v22 =	vpop (erf)  }
0x65: {  	vm1 =	veq.s32 v31, $0x2;
	v5 =	vld [tilespmem:s7+$0x2000];
	v26 =	vpop (erf);
	v7 =	vmul.f32 v20, v7;
	v17 =	vmul.f32 v8, v17  }
0x66: {  	s8 =	simm.s32 $0x200;
	vm2 =	veq.s32 v31, $0x1;
	v23 =	vmul.f32 $1.442695020e+00, v4;
	v28 =	vpop (erf);
	v26 =	vadd.f32 v26, v22  }
0x67: {  	s14 =	simm.s32 $0x10;
	v29 =	vmul.f32 $1.442695020e+00, v12;
	v30 =	vpop (erf);
	v7 =	vadd.f32 $-5.094411970e-01, v7;
	v17 =	vadd.f32 $-6.894534590e+00, v17  }
0x68: {  	s10 =	simm.s32 $0x40;
	s12 =	sand.u32 $0xC00, s8;
	s9 =	sand.u32 $0x380, s14;
	v25 =	vmul.f32 $1.442695020e+00, v3;
	(erf) = vpow2.f32 v23;
	v23 =	vadd.f32 v30, v28  }
0x69: {  	s13 =	sand.u32 $0x70, s10;
	s9 =	sor.u32 s9, s12;
	v1 =	vshra.s32 v1, $0x17;
	v7 =	vmul.f32 v20, v7;
	v28 =	vmul.f32 v8, v17  }
0x6a: {  	s9 =	sor.u32 s13, s9;
	v27 =	vmul.f32 $1.442695020e+00, v5;
	(erf) = vpow2.f32 v25;
	v17 =	vadd.f32 v23, v26  }
0x6b: {  	v23 =	vadd.f32 $1.801661250e+00, v7;
	v7 =	vadd.s32 $0xFFFFFF81, v1;
	v1 =	vld [tilespmem:s9+$0x0];
	v25 =	vadd.f32 $5.635407450e+00, v28  }
0x6c: {  	v24 =	vsel vm1, v11, v24;
	(erf) = vpow2.f32 v27;
	v28 =	vld [tilespmem:s11+$0x5000];
	v26 =	vcvt.s32.f32 v7  }
0x6d: {  	v7 =	vld [tilespmem:s9+$0x1000];
	v27 =	vand.u32 $0x7FFFFF, v17;
	v30 =	vmul.f32 v20, v23;
	v25 =	vmul.f32 v8, v25  }
0x6e: {  	(erf) = vpow2.f32 v29;
	v23 =	vor.u32 $0x3F800000, v27;
	v8 =	vld [tilespmem:s9+$0x2000];
	v26 =	vmul.f32 $6.931471820e-01, v26  }
0x6f: {  	v29 =	vmul.f32 $-6.151470820e-03, v23;
	v27 =	vadd.f32 $-4.118063450e+00, v30;
	v25 =	vadd.f32 $-2.371283530e+00, v25  }
0x70: {  	vm0 =	veq.s32 v31, $0x0;
	v21 =	vsel vm2, v21, v24  }
0x71: {  	v24 =	vadd.f32 $8.406148100e-02, v29;
	v27 =	vmul.f32 v20, v27;
	v25 =	vadd.f32 v25, v26  }
0x72: {  	v11 =	vld [tilespmem:s9+$0x3000];
	v19 =	vsel vm0, v19, v21;
	v22 =	vimm.f32 $0.0e+00;
	v26 =	vmul.f32 $1.442695020e+00, v1  }
0x73: {  	v29 =	vpop (erf);
	v24 =	vmul.f32 v23, v24;
	v21 =	vadd.f32 $6.378344060e+00, v27;
	v27 =	vsub.f32 v25, v19  }
0x74: {  	vm0 =	veq.s32 v28, $0x0;
	v28 =	vpop (erf);
	v25 =	vmul.f32 $1.442695020e+00, v7;
	v19 =	vmul.f32 $1.442695020e+00, v8  }
0x75: {  	v29 =	vadd.f32 v28, v29;
	v30 =	vmul.f32 v20, v21;
	v27 =	vmax.f32 v27, $1.000050030e-04  }
0x76: {  	s11 =	simm.s32 $0x14;
	v31 =	vpop (erf);
	v33 =	vadd.f32 $-5.094411970e-01, v24;
	v24 =	vimm.f32 $0.0e+00;
	v28 =	vmin.f32 v27, $9.210340490e+00  }
0x77: {  	v21 =	vmul.f32 $1.442695020e+00, v11;
	v34 =	vpop (erf);
	v32 =	vadd.f32 $-6.894534590e+00, v30;
	v27 =	vld [tilespmem:s5+$0x4000];
	v30 =	vsel vm0, $0x0, v28  }
.LBB2_2:
0x78: {  	p0 =	sne.s32 s11, $0x3FC;
	s8 =	sadd.s32 $0x80, s8;
	(erf) = vpow2.f32 v26;
	v26 =	vadd.f32 v34, v31;
	v22 =	vadd.f32 v30, v22;
	v28 =	vmovc v3;
	v3 =	vmovc v7  }
0x79: {  	s13 =	sand.u32 $0x380, s11;
	s10 =	sadd.s32 $0x10, s10;
	v31 =	vsel vm0, $0x0, v0;
	s12 =	sand.u32 $0xC00, s8;
	v7 =	vmul.f32 v23, v33;
	v30 =	vmul.f32 v20, v32;
	v32 =	vmovc v5;
	v5 =	vmovc v8  }
0x7a: {  	s14 =	sand.u32 $0x70, s10;
	v8 =	vshra.s32 v18, $0x17;
	v18 =	vmovc v17;
	s12 =	sor.u32 s13, s12;
	(erf) = vpow2.f32 v25;
	v17 =	vadd.f32 v26, v29;
	v25 =	vmovc v15  }
0x7b: {  	v15 =	vmovc v13;
	v13 =	vmovc v12;
	s12 =	sor.u32 s14, s12;
	v26 =	vadd.f32 $1.801661250e+00, v7;
	v7 =	vadd.s32 $0xFFFFFF81, v8;
	v8 =	vadd.f32 $5.635407450e+00, v30;
	v29 =	vld [tilespmem:s5+$0x5000];
	s5 =	smov.u32 s6;
	s6 =	smov.u32 s7  }
0x7c: {  	v12 =	vmovc v11;
	s7 =	smov.u32 s9;
	v30 =	vld [tilespmem:s12+$0x0];
	(erf) = vpow2.f32 v19;
	v19 =	vcvt.s32.f32 v7;
	vm0 =	veq.s32 v27, $0x0;
	s9 =	smov.u32 s12  }
0x7d: {  	v11 =	vand.u32 $0x7FFFFF, v17;
	v7 =	vld [tilespmem:s9+$0x1000];
	v26 =	vmul.f32 v23, v26;
	v33 =	vmul.f32 v20, v8;
	v20 =	vmovc v23  }
0x7e: {  	vm1 =	veq.s32 v27, $0x2;
	v23 =	vor.u32 $0x3F800000, v11;
	v8 =	vld [tilespmem:s9+$0x2000];
	(erf) = vpow2.f32 v21  }
0x7f: {  	v19 =	vmul.f32 $6.931471820e-01, v19;
	v21 =	vadd.f32 $-4.118063450e+00, v26;
	v26 =	vadd.f32 $-2.371283530e+00, v33  }
0x80: {  	vm2 =	veq.s32 v27, $0x1;
	v25 =	vsel vm1, v14, v25;
	v14 =	vmovc v10;
	v10 =	vmovc v32;
	v34 =	vmul.f32 $-6.151470820e-03, v23  }
0x81: {  	v16 =	vsel vm2, v16, v25;
	v11 =	vld [tilespmem:s9+$0x3000];
	v27 =	vpop (erf);
	v21 =	vmul.f32 v20, v21;
	v19 =	vadd.f32 v26, v19  }
0x82: {  	v24 =	vadd.f32 v31, v24;
	v16 =	vsel vm0, v9, v16;
	v9 =	vmovc v2;
	v2 =	vmovc v4;
	v32 =	vadd.f32 $8.406148100e-02, v34  }
.Ltmp0:
0x83: {  	v26 =	vmul.f32 $1.442695020e+00, v30;
	v33 =	vpop (erf);
	v21 =	vadd.f32 $6.378344060e+00, v21;
	v36 =	vsub.f32 v19, v16;
	(pc) =	sbr.rel @p0 .LBB2_2-.Ltmp0, $4  }
0x84: {  	v4 =	vmovc v1;
	vm0 =	veq.s32 v29, $0x0;
	v1 =	vmovc v30;
	v25 =	vmul.f32 $1.442695020e+00, v7;
	v19 =	vmul.f32 $1.442695020e+00, v8  }
0x85: {  	v30 =	vmul.f32 v23, v32;
	v31 =	vpop (erf);
	v32 =	vmul.f32 v20, v21;
	v36 =	vmax.f32 v36, $1.000050030e-04  }
0x86: {  	v16 =	vmovc v6;
	v6 =	vmovc v28;
	v29 =	vadd.f32 v33, v27;
	v21 =	vmul.f32 $1.442695020e+00, v11;
	v35 =	vmin.f32 v36, $9.210340490e+00  }
0x87: {  	s11 =	sadd.s32 $0x4, s11;
	v33 =	vadd.f32 $-5.094411970e-01, v30;
	v34 =	vpop (erf);
	v32 =	vadd.f32 $-6.894534590e+00, v32;
	v27 =	vld [tilespmem:s5+$0x4000];
	v30 =	vsel vm0, $0x0, v35  }
0x88: {  	(erf) = vpow2.f32 v26  }
0x89: {  	(erf) = vpow2.f32 v25  }
0x8a: {  	(erf) = vpow2.f32 v19  }
0x8b: {  	(erf) = vpow2.f32 v21;
	_ =	sdelay $0x2  }
0x8c: {  	v35 =	vld [tilespmem:s5+$0x5000]  }
0x8d: {  	v36 =	vld [tilespmem:s6+$0x4000]  }
0x8e: {  	v28 =	vld [tilespmem:s6+$0x5000]  }
0x8f: {  	v26 =	vld [tilespmem:s7+$0x4000];
	v37 =	vpop (erf)  }
0x90: {  	v25 =	vld [tilespmem:s7+$0x5000];
	v38 =	vpop (erf)  }
0x91: {  	s8 =	rddreg [dreg:$0x9];
	s7 =	simm.s32 $0x0;
	v19 =	vld [tilespmem:s9+$0x5000];
	v39 =	vpop (erf)  }
0x92: {  	v21 =	vld [tilespmem:s9+$0x4000];
	[tilespmem:s7], [sflag:$0x1] =	stream.linear.gather [hbm4b:s8+s7], $0x1000, $0x38;
	v40 =	vpop (erf)  }
0x93: {  	_ =	swait.ge [sflag:s31], $0x1000  }
0x94: {  	[sflag:s31] =	ssyncset.done $0x0  }
0x95: {  	s9 =	rddreg [dreg:$0xa];
	[sflag:s31] =	ssyncadd.s32 $0xFFFFF000  }
0x96: {  	[tilespmem:s20], [sflag:$0x1] =	stream.linear.gather [hbm4b:s9+s7], $0x1000, $0x38;
	[tilespmem:$0x6100] =	vst v63  }
0x97: {  	_ =	swait.ge [sflag:s31], $0x1000  }
0x98: {  	[sflag:s31] =	ssyncset.done $0x0  }
0x99: {  	s10 =	rddreg [dreg:$0xb];
	[sflag:s31] =	ssyncadd.s32 $0xFFFFF000  }
0x9a: {  	v31 =	vadd.f32 v34, v31;
	[tilespmem:s0], [sflag:$0x1] =	stream.linear.gather [hbm4b:s10+s7], $0x1000, $0x38;
	[tilespmem:$0x6100] =	vst v63  }
0x9b: {  	v33 =	vmul.f32 v23, v33;
	_ =	swait.ge [sflag:s31], $0x1000  }
0x9c: {  	v29 =	vadd.f32 v31, v29;
	[sflag:s31] =	ssyncset.done $0x0  }
0x9d: {  	v33 =	vadd.f32 $1.801661250e+00, v33;
	s11 =	rddreg [dreg:$0xc];
	[sflag:s31] =	ssyncadd.s32 $0xFFFFF000  }
0x9e: {  	v18 =	vshra.s32 v18, $0x17;
	v31 =	vmul.f32 v20, v32;
	v55 =	vand.u32 $0x7FFFFF, v29;
	[tilespmem:s1], [sflag:$0x1] =	stream.linear.gather [hbm4b:s11+s7], $0x1000, $0x38;
	[tilespmem:$0x6100] =	vst v63  }
0x9f: {  	v17 =	vshra.s32 v17, $0x17;
	v54 =	vmul.f32 v23, v33;
	v33 =	vor.u32 $0x3F800000, v55;
	_ =	swait.ge [sflag:s31], $0x1000  }
0xa0: {  	v18 =	vadd.s32 $0xFFFFFF81, v18;
	v31 =	vadd.f32 $5.635407450e+00, v31;
	v56 =	vmul.f32 $-6.151470820e-03, v33;
	[sflag:s31] =	ssyncset.done $0x0  }
0xa1: {  	v17 =	vadd.s32 $0xFFFFFF81, v17;
	v18 =	vcvt.s32.f32 v18;
	v32 =	vadd.f32 $-4.118063450e+00, v54;
	[sflag:s31] =	ssyncadd.s32 $0xFFFFF000  }
0xa2: {  	v17 =	vcvt.s32.f32 v17;
	v20 =	vmul.f32 v20, v31;
	v31 =	vadd.f32 $8.406148100e-02, v56;
	[tilespmem:s2], [sflag:$0x1] =	stream.linear.gather [hbm4b:s21+s7], $0x1000, $0x38;
	[tilespmem:$0x6100] =	vst v63  }
0xa3: {  	v30 =	vadd.f32 v30, v22;
	v18 =	vmul.f32 $6.931471820e-01, v18;
	v32 =	vmul.f32 v23, v32;
	_ =	swait.ge [sflag:s31], $0x1000  }
0xa4: {  	vm1 =	veq.s32 v27, $0x2;
	v17 =	vmul.f32 $6.931471820e-01, v17;
	v31 =	vmul.f32 v33, v31;
	[sflag:s31] =	ssyncset.done $0x0  }
0xa5: {  	vm2 =	veq.s32 v27, $0x1;
	v20 =	vadd.f32 $-2.371283530e+00, v20;
	v22 =	vadd.f32 $6.378344060e+00, v32;
	[sflag:s31] =	ssyncadd.s32 $0xFFFFF000  }
0xa6: {  	v14 =	vsel vm1, v14, v15;
	vm1 =	veq.s32 v27, $0x0;
	v31 =	vadd.f32 $-5.094411970e-01, v31;
	[tilespmem:s3], [sflag:$0x1] =	stream.linear.gather [hbm4b:s22+s7], $0x1000, $0x38;
	[tilespmem:$0x6100] =	vst v63  }
0xa7: {  	s12 =	sand.u32 $0xC00, s7;
	s13 =	sand.u32 $0x380, s7;
	v57 =	vadd.f32 v38, v37;
	v22 =	vmul.f32 v23, v22;
	v15 =	vadd.f32 v40, v39;
	_ =	swait.ge [sflag:s31], $0x1000  }
0xa8: {  	s5 =	sand.u32 $0x70, s7;
	s6 =	sor.u32 s13, s12;
	v14 =	vsel vm2, v16, v14;
	v18 =	vadd.f32 v20, v18;
	v27 =	vmul.f32 v33, v31;
	[sflag:s31] =	ssyncset.done $0x0  }
0xa9: {  	vm2 =	veq.s32 v36, $0x1;
	v22 =	vadd.f32 $-6.894534590e+00, v22;
	v15 =	vadd.f32 v15, v57;
	s7 =	sor.u32 s5, s6;
	[sflag:s31] =	ssyncadd.s32 $0xFFFFF000  }
0xaa: {  	v9 =	vsel vm1, v9, v14;
	vm1 =	veq.s32 v36, $0x2;
	v14 =	vadd.f32 $1.801661250e+00, v27;
	v20 =	vld [tilespmem:s7+$0x0]  }
0xab: {  	v9 =	vsub.f32 v18, v9;
	v16 =	vmul.f32 v23, v22;
	v27 =	vand.u32 $0x7FFFFF, v15;
	v22 =	vld [tilespmem:s7+$0x1000]  }
0xac: {  	v31 =	vsel vm0, $0x0, v0;
	v27 =	vor.u32 $0x3F800000, v27;
	v18 =	vmul.f32 v33, v14  }
0xad: {  	v24 =	vadd.f32 v31, v24;
	v16 =	vadd.f32 $5.635407450e+00, v16;
	v31 =	vmul.f32 $-6.151470820e-03, v27;
	v14 =	vld [tilespmem:s7+$0x2000]  }
0xae: {  	v10 =	vsel vm1, v10, v13;
	vm1 =	veq.s32 v36, $0x0;
	v18 =	vadd.f32 $-4.118063450e+00, v18  }
0xaf: {  	v16 =	vmul.f32 v23, v16;
	v31 =	vadd.f32 $8.406148100e-02, v31;
	v23 =	vld [tilespmem:s7+$0x3000];
	v58 =	vmul.f32 $1.442695020e+00, v20  }
0xb0: {  	v6 =	vsel vm2, v6, v10;
	v18 =	vmul.f32 v33, v18;
	v13 =	vmul.f32 $1.442695020e+00, v22  }
0xb1: {  	vm2 =	veq.s32 v26, $0x2;
	v31 =	vmul.f32 v27, v31;
	(erf) = vpow2.f32 v58  }
0xb2: {  	v2 =	vsel vm1, v2, v6;
	(erf) = vpow2.f32 v13;
	v13 =	vmul.f32 $1.442695020e+00, v14  }
0xb3: {  	vm1 =	veq.s32 v26, $0x0;
	v5 =	vsel vm2, v5, v12;
	v18 =	vadd.f32 $6.378344060e+00, v18  }
0xb4: {  	v31 =	vadd.f32 $-5.094411970e-01, v31;
	(erf) = vpow2.f32 v13;
	v13 =	vmul.f32 $1.442695020e+00, v23  }
0xb5: {  	vm2 =	veq.s32 v26, $0x1;
	v16 =	vadd.f32 $-2.371283530e+00, v16;
	v18 =	vmul.f32 v33, v18  }
0xb6: {  	v3 =	vsel vm2, v3, v5;
	v31 =	vmul.f32 v27, v31;
	(erf) = vpow2.f32 v13  }
0xb7: {  	v9 =	vmax.f32 v9, $1.000050030e-04;
	v16 =	vadd.f32 v16, v17;
	v13 =	vadd.f32 $-6.894534590e+00, v18  }
0xb8: {  	s14 =	simm.s32 $0x4;
	s8 =	simm.s32 $0x80;
	vm0 =	veq.s32 v35, $0x0;
	v9 =	vmin.f32 v9, $9.210340490e+00;
	v10 =	vadd.f32 $1.801661250e+00, v31  }
0xb9: {  	v9 =	vsel vm0, $0x0, v9;
	v2 =	vsub.f32 v16, v2;
	s6 =	sand.u32 $0xC00, s8;
	s5 =	sand.u32 $0x380, s14;
	s8 =	simm.s32 $0x10;
	v6 =	vmul.f32 v33, v13  }
0xba: {  	v16 =	vsel vm0, $0x0, v0;
	s8 =	sand.u32 $0x70, s8;
	s5 =	sor.u32 s5, s6;
	v13 =	vadd.f32 v9, v30;
	v9 =	vmul.f32 v27, v10  }
0xbb: {  	v2 =	vmax.f32 v2, $1.000050030e-04;
	s5 =	sor.u32 s8, s5;
	v10 =	vshra.s32 v29, $0x17;
	v6 =	vadd.f32 $5.635407450e+00, v6  }
0xbc: {  	v17 =	vmin.f32 v2, $9.210340490e+00;
	v2 =	vld [tilespmem:s5+$0x0];
	v10 =	vadd.s32 $0xFFFFFF81, v10;
	v9 =	vadd.f32 $-4.118063450e+00, v9;
	v18 =	vpop (erf)  }
0xbd: {  	vm0 =	veq.s32 v28, $0x0;
	v28 =	vcvt.s32.f32 v10;
	v10 =	vld [tilespmem:s5+$0x1000];
	v30 =	vpop (erf);
	v6 =	vmul.f32 v33, v6  }
0xbe: {  	v3 =	vsel vm1, v4, v3;
	v29 =	vmul.f32 v27, v9;
	v9 =	vld [tilespmem:s5+$0x2000];
	v31 =	vpop (erf)  }
0xbf: {  	v12 =	vld [tilespmem:s5+$0x3000];
	v28 =	vmul.f32 $6.931471820e-01, v28;
	v18 =	vadd.f32 v30, v18;
	v6 =	vadd.f32 $-2.371283530e+00, v6;
	v59 =	vpop (erf)  }
0xc0: {  	v15 =	vshra.s32 v15, $0x17;
	v29 =	vadd.f32 $6.378344060e+00, v29;
	v26 =	vadd.f32 v59, v31  }
0xc1: {  	v16 =	vadd.f32 v16, v24;
	v5 =	vmul.f32 $1.442695020e+00, v2;
	v6 =	vadd.f32 v6, v28  }
0xc2: {  	v28 =	vmul.f32 v27, v29;
	v29 =	vmul.f32 $1.442695020e+00, v10;
	v26 =	vadd.f32 v26, v18  }
0xc3: {  	v17 =	vsel vm0, $0x0, v17;
	(erf) = vpow2.f32 v5;
	v4 =	vmul.f32 $1.442695020e+00, v9  }
0xc4: {  	v5 =	vmul.f32 $1.442695020e+00, v12;
	(erf) = vpow2.f32 v29;
	v18 =	vand.u32 $0x7FFFFF, v26  }
0xc5: {  	s9 =	simm.s32 $0x8;
	s10 =	simm.s32 $0x100;
	v13 =	vadd.f32 v17, v13;
	(erf) = vpow2.f32 v4;
	v29 =	vor.u32 $0x3F800000, v18  }
0xc6: {  	s11 =	simm.s32 $0x20;
	s6 =	sand.u32 $0x380, s9;
	s8 =	sand.u32 $0xC00, s10;
	v3 =	vsub.f32 v6, v3;
	(erf) = vpow2.f32 v5;
	v5 =	vmul.f32 $-6.151470820e-03, v29  }
0xc7: {  	s9 =	sand.u32 $0x70, s11;
	s6 =	sor.u32 s6, s8;
	v17 =	vsel vm0, $0x0, v0;
	vm0 =	veq.s32 v25, $0x0;
	v4 =	vadd.f32 $-6.894534590e+00, v28  }
0xc8: {  	s6 =	sor.u32 s9, s6;
	v17 =	vadd.f32 v17, v16;
	v6 =	vmax.f32 v3, $1.000050030e-04;
	v5 =	vadd.f32 $8.406148100e-02, v5  }
0xc9: {  	v16 =	vadd.s32 $0xFFFFFF81, v15;
	v3 =	vld [tilespmem:s6+$0x0];
	v4 =	vmul.f32 v27, v4;
	v18 =	vmin.f32 v6, $9.210340490e+00  }
0xca: {  	v6 =	vld [tilespmem:s6+$0x1000];
	v24 =	vsel vm0, $0x0, v18;
	v18 =	vcvt.s32.f32 v16;
	v5 =	vmul.f32 v29, v5  }
0xcb: {  	v15 =	vld [tilespmem:s6+$0x2000];
	v4 =	vadd.f32 $5.635407450e+00, v4  }
0xcc: {  	vm2 =	veq.s32 v21, $0x2;
	v25 =	vpop (erf);
	v16 =	vld [tilespmem:s6+$0x3000];
	v5 =	vadd.f32 $-5.094411970e-01, v5  }
0xcd: {  	vm1 =	veq.s32 v21, $0x0;
	v30 =	vmul.f32 $6.931471820e-01, v18;
	v4 =	vmul.f32 v27, v4;
	v28 =	vpop (erf)  }
0xce: {  	v8 =	vsel vm2, v8, v11;
	v27 =	vmul.f32 $1.442695020e+00, v3;
	v18 =	vpop (erf);
	v5 =	vmul.f32 v29, v5  }
0xcf: {  	vm2 =	veq.s32 v21, $0x1;
	v31 =	vmul.f32 $1.442695020e+00, v6;
	v25 =	vadd.f32 v28, v25;
	v28 =	vpop (erf)  }
0xd0: {  	(erf) = vpow2.f32 v27;
	v18 =	vadd.f32 v28, v18;
	v5 =	vadd.f32 $1.801661250e+00, v5  }
0xd1: {  	s12 =	simm.s32 $0xC;
	s13 =	simm.s32 $0x180;
	v4 =	vadd.f32 $-2.371283530e+00, v4;
	v27 =	vmul.f32 $1.442695020e+00, v15;
	v11 =	vmul.f32 $1.442695020e+00, v16  }
0xd2: {  	s10 =	simm.s32 $0x30;
	s8 =	sand.u32 $0x380, s12;
	s9 =	sand.u32 $0xC00, s13;
	(erf) = vpow2.f32 v31;
	v18 =	vadd.f32 v18, v25;
	v25 =	vmul.f32 v29, v5  }
0xd3: {  	v7 =	vsel vm2, v7, v8;
	s10 =	sand.u32 $0x70, s10;
	s8 =	sor.u32 s8, s9;
	(erf) = vpow2.f32 v27;
	v27 =	vadd.f32 v4, v30  }
0xd4: {  	v1 =	vsel vm1, v1, v7;
	s8 =	sor.u32 s10, s8;
	(erf) = vpow2.f32 v11;
	v25 =	vadd.f32 $-4.118063450e+00, v25  }
0xd5: {  	v4 =	vld [tilespmem:s8+$0x1000];
	v1 =	vsub.f32 v27, v1;
	v8 =	vand.u32 $0x7FFFFF, v18  }
0xd6: {  	v28 =	vsel vm0, $0x0, v0;
	v11 =	vld [tilespmem:s8+$0x3000];
	v21 =	vor.u32 $0x3F800000, v8;
	v25 =	vmul.f32 v29, v25  }
0xd7: {  	vm0 =	veq.s32 v19, $0x0;
	v1 =	vmax.f32 v1, $1.000050030e-04;
	v5 =	vld [tilespmem:s8+$0x0];
	v8 =	vmul.f32 $-6.151470820e-03, v21  }
0xd8: {  	v7 =	vld [tilespmem:s8+$0x2000];
	v27 =	vadd.f32 v28, v17;
	v1 =	vmin.f32 v1, $9.210340490e+00;
	v17 =	vadd.f32 $6.378344060e+00, v25  }
0xd9: {  	v1 =	vsel vm0, $0x0, v1;
	v8 =	vadd.f32 $8.406148100e-02, v8  }
0xda: {  	v13 =	vadd.f32 v24, v13;
	v28 =	vmul.f32 $1.442695020e+00, v4;
	v19 =	vpop (erf);
	v17 =	vmul.f32 v29, v17  }
0xdb: {  	v31 =	vmul.f32 $1.442695020e+00, v11;
	v30 =	vpop (erf);
	v8 =	vmul.f32 v21, v8  }
0xdc: {  	v24 =	vmul.f32 $1.442695020e+00, v5;
	v25 =	vadd.f32 v1, v13;
	v1 =	vpop (erf);
	v17 =	vadd.f32 $-6.894534590e+00, v17  }
0xdd: {  	v61 =	vld [tilespmem:s7+$0x4000];
	v19 =	vadd.f32 v30, v19;
	v13 =	vmul.f32 $1.442695020e+00, v7;
	v60 =	vpop (erf);
	v8 =	vadd.f32 $-5.094411970e-01, v8  }
0xde: {  	s14 =	simm.s32 $0x10;
	s9 =	simm.s32 $0x200;
	(erf) = vpow2.f32 v24;
	v1 =	vadd.f32 v60, v1;
	v24 =	vmul.f32 v29, v17  }
0xdf: {  	s11 =	simm.s32 $0x40;
	s12 =	sand.u32 $0xC00, s9;
	s10 =	sand.u32 $0x380, s14;
	(erf) = vpow2.f32 v28;
	v8 =	vmul.f32 v21, v8  }
0xe0: {  	s13 =	sand.u32 $0x70, s11;
	s10 =	sor.u32 s10, s12;
	v17 =	vadd.f32 v1, v19;
	v1 =	vshra.s32 v26, $0x17;
	v24 =	vadd.f32 $5.635407450e+00, v24  }
0xe1: {  	s10 =	sor.u32 s13, s10;
	v28 =	vld [tilespmem:s7+$0x5000];
	(erf) = vpow2.f32 v13;
	v19 =	vadd.f32 $1.801661250e+00, v8;
	v8 =	vadd.s32 $0xFFFFFF81, v1  }
0xe2: {  	vm1 =	veq.s32 v61, $0x2;
	v13 =	vld [tilespmem:s10+$0x2000];
	v26 =	vcvt.s32.f32 v8;
	v29 =	vmul.f32 v29, v24  }
0xe3: {  	vm2 =	veq.s32 v61, $0x1;
	(erf) = vpow2.f32 v31;
	v8 =	vld [tilespmem:s10+$0x1000];
	v19 =	vmul.f32 v21, v19  }
0xe4: {  	v62 =	vand.u32 $0x7FFFFF, v17;
	v26 =	vmul.f32 $6.931471820e-01, v26;
	v29 =	vadd.f32 $-2.371283530e+00, v29  }
0xe5: {  	v23 =	vsel vm1, v14, v23;
	v1 =	vld [tilespmem:s10+$0x0];
	v24 =	vor.u32 $0x3F800000, v62;
	v19 =	vadd.f32 $-4.118063450e+00, v19  }
0xe6: {  	v22 =	vsel vm2, v22, v23;
	v31 =	vmul.f32 $-6.151470820e-03, v24;
	v29 =	vadd.f32 v29, v26  }
0xe7: {  	v14 =	vld [tilespmem:s10+$0x3000];
	v30 =	vsel vm0, $0x0, v0;
	vm0 =	veq.s32 v61, $0x0;
	v19 =	vmul.f32 v21, v19  }
0xe8: {  	v20 =	vsel vm0, v20, v22;
	v26 =	vadd.f32 v30, v27;
	v30 =	vadd.f32 $8.406148100e-02, v31  }
0xe9: {  	v23 =	vmul.f32 $1.442695020e+00, v8;
	v22 =	vadd.f32 $6.378344060e+00, v19;
	v20 =	vsub.f32 v29, v20  }
0xea: {  	vm0 =	veq.s32 v28, $0x0;
	v27 =	vmul.f32 $1.442695020e+00, v1;
	v19 =	vmul.f32 $1.442695020e+00, v13;
	v29 =	vpop (erf)  }
0xeb: {  	v32 =	vmul.f32 v24, v30;
	v63 =	vmul.f32 v21, v22;
	v20 =	vmax.f32 v20, $1.000050030e-04;
	v28 =	vpop (erf)  }
0xec: {  	s7 =	simm.s32 $0x14;
	v22 =	vmul.f32 $1.442695020e+00, v14;
	v31 =	vpop (erf);
	v30 =	vadd.f32 v28, v29;
	v28 =	vmin.f32 v20, $9.210340490e+00  }
0xed: {  	v34 =	vadd.f32 $-5.094411970e-01, v32;
	v33 =	vadd.f32 $-6.894534590e+00, v63;
	v20 =	vld [tilespmem:s5+$0x4000];
	v35 =	vpop (erf);
	v32 =	vsel vm0, $0x0, v28  }
.LBB2_4:
0xee: {  	p0 =	sne.s32 s7, $0x3FC;
	s9 =	sadd.s32 $0x80, s9;
	(erf) = vpow2.f32 v27;
	v27 =	vadd.f32 v35, v31;
	v25 =	vadd.f32 v32, v25;
	v28 =	vmovc v4;
	v4 =	vmovc v8  }
0xef: {  	s13 =	sand.u32 $0x380, s7;
	s11 =	sadd.s32 $0x10, s11;
	v31 =	vsel vm0, $0x0, v0;
	v32 =	vmovc v7;
	v7 =	vmovc v13;
	s12 =	sand.u32 $0xC00, s9;
	v8 =	vmul.f32 v24, v34;
	v29 =	vmul.f32 v21, v33  }
0xf0: {  	v13 =	vshra.s32 v18, $0x17;
	v18 =	vmovc v17;
	s14 =	sand.u32 $0x70, s11;
	s12 =	sor.u32 s13, s12;
	(erf) = vpow2.f32 v23;
	v17 =	vadd.f32 v27, v30;
	v23 =	vmovc v12  }
0xf1: {  	v12 =	vmovc v16;
	v16 =	vmovc v11;
	s12 =	sor.u32 s14, s12;
	v27 =	vadd.f32 $1.801661250e+00, v8;
	v8 =	vadd.s32 $0xFFFFFF81, v13;
	v13 =	vadd.f32 $5.635407450e+00, v29;
	v29 =	vld [tilespmem:s5+$0x5000];
	s5 =	smov.u32 s6;
	s6 =	smov.u32 s8  }
0xf2: {  	v11 =	vmovc v14;
	s8 =	smov.u32 s10;
	v30 =	vld [tilespmem:s12+$0x0];
	(erf) = vpow2.f32 v19;
	v19 =	vcvt.s32.f32 v8;
	vm0 =	veq.s32 v20, $0x0;
	s10 =	smov.u32 s12  }
0xf3: {  	v14 =	vand.u32 $0x7FFFFF, v17;
	v8 =	vld [tilespmem:s10+$0x1000];
	v27 =	vmul.f32 v24, v27;
	v33 =	vmul.f32 v21, v13;
	v21 =	vmovc v24  }
0xf4: {  	vm1 =	veq.s32 v20, $0x2;
	v24 =	vor.u32 $0x3F800000, v14;
	v13 =	vld [tilespmem:s10+$0x2000];
	(erf) = vpow2.f32 v22  }
0xf5: {  	v19 =	vmul.f32 $6.931471820e-01, v19;
	v22 =	vadd.f32 $-4.118063450e+00, v27;
	v27 =	vadd.f32 $-2.371283530e+00, v33  }
0xf6: {  	vm2 =	veq.s32 v20, $0x1;
	v20 =	vsel vm1, v9, v23;
	v9 =	vmovc v15;
	v15 =	vmovc v32;
	v34 =	vmul.f32 $-6.151470820e-03, v24  }
0xf7: {  	v10 =	vsel vm2, v10, v20;
	v14 =	vld [tilespmem:s10+$0x3000];
	v32 =	vpop (erf);
	v22 =	vmul.f32 v21, v22;
	v19 =	vadd.f32 v27, v19  }
0xf8: {  	v26 =	vadd.f32 v31, v26;
	v10 =	vsel vm0, v2, v10;
	v2 =	vmovc v3;
	v3 =	vmovc v5;
	v20 =	vadd.f32 $8.406148100e-02, v34  }
.Ltmp1:
0xf9: {  	v27 =	vmul.f32 $1.442695020e+00, v30;
	v33 =	vpop (erf);
	v22 =	vadd.f32 $6.378344060e+00, v22;
	v35 =	vsub.f32 v19, v10;
	(pc) =	sbr.rel @p0 .LBB2_4-.Ltmp1, $4  }
0xfa: {  	v5 =	vmovc v1;
	vm0 =	veq.s32 v29, $0x0;
	v1 =	vmovc v30;
	v23 =	vmul.f32 $1.442695020e+00, v8;
	v19 =	vmul.f32 $1.442695020e+00, v13  }
0xfb: {  	v20 =	vmul.f32 v24, v20;
	v31 =	vpop (erf);
	v29 =	vmul.f32 v21, v22;
	v34 =	vmax.f32 v35, $1.000050030e-04  }
0xfc: {  	v10 =	vmovc v6;
	v6 =	vmovc v28;
	v30 =	vadd.f32 v33, v32;
	v22 =	vmul.f32 $1.442695020e+00, v14;
	v32 =	vmin.f32 v34, $9.210340490e+00  }
0xfd: {  	s7 =	sadd.s32 $0x4, s7;
	v34 =	vadd.f32 $-5.094411970e-01, v20;
	v35 =	vpop (erf);
	v33 =	vadd.f32 $-6.894534590e+00, v29;
	v20 =	vld [tilespmem:s5+$0x4000];
	v32 =	vsel vm0, $0x0, v32  }
0xfe: {  	(erf) = vpow2.f32 v27  }
0xff: {  	(erf) = vpow2.f32 v23  }
0x100: {  	(erf) = vpow2.f32 v19  }
0x101: {  	(erf) = vpow2.f32 v22;
	_ =	sdelay $0x2  }
0x102: {  	v36 =	vld [tilespmem:s5+$0x5000]  }
0x103: {  	v37 =	vld [tilespmem:s6+$0x4000]  }
0x104: {  	v29 =	vld [tilespmem:s6+$0x5000]  }
0x105: {  	v28 =	vld [tilespmem:s8+$0x4000];
	v22 =	vpop (erf)  }
0x106: {  	v27 =	vld [tilespmem:s8+$0x5000];
	v38 =	vpop (erf)  }
0x107: {  	s14 =	simm.s32 $0x0;
	s7 =	rddreg [dreg:$0xd];
	v23 =	vld [tilespmem:s10+$0x4000];
	v39 =	vpop (erf)  }
0x108: {  	v19 =	vld [tilespmem:s10+$0x5000];
	[tilespmem:s14], [sflag:$0x1] =	stream.linear.gather [hbm4b:s7+s14], $0x1000, $0x38;
	v40 =	vpop (erf)  }
0x109: {  	_ =	swait.ge [sflag:s31], $0x1000  }
0x10a: {  	[sflag:s31] =	ssyncset.done $0x0  }
0x10b: {  	s8 =	rddreg [dreg:$0xe];
	[sflag:s31] =	ssyncadd.s32 $0xFFFFF000  }
0x10c: {  	[tilespmem:s20], [sflag:$0x1] =	stream.linear.gather [hbm4b:s8+s14], $0x1000, $0x38;
	[tilespmem:$0x6100] =	vst v63  }
0x10d: {  	_ =	swait.ge [sflag:s31], $0x1000  }
0x10e: {  	[sflag:s31] =	ssyncset.done $0x0  }
0x10f: {  	s9 =	rddreg [dreg:$0xf];
	[sflag:s31] =	ssyncadd.s32 $0xFFFFF000  }
0x110: {  	v31 =	vadd.f32 v35, v31;
	v34 =	vmul.f32 v24, v34;
	[tilespmem:s0], [sflag:$0x1] =	stream.linear.gather [hbm4b:s9+s14], $0x1000, $0x38;
	[tilespmem:$0x6100] =	vst v63  }
0x111: {  	_ =	swait.ge [sflag:s31], $0x1000  }
0x112: {  	v30 =	vadd.f32 v31, v30;
	v34 =	vadd.f32 $1.801661250e+00, v34;
	[sflag:s31] =	ssyncset.done $0x0  }
0x113: {  	v18 =	vshra.s32 v18, $0x17;
	v17 =	vshra.s32 v17, $0x17;
	s10 =	rddreg [dreg:$0x10];
	[sflag:s31] =	ssyncadd.s32 $0xFFFFF000  }
0x114: {  	v31 =	vmul.f32 v21, v33;
	v56 =	vand.u32 $0x7FFFFF, v30;
	v55 =	vmul.f32 v24, v34;
	[tilespmem:s1], [sflag:$0x1] =	stream.linear.gather [hbm4b:s10+s14], $0x1000, $0x38;
	[tilespmem:$0x6100] =	vst v63  }
0x115: {  	v18 =	vadd.s32 $0xFFFFFF81, v18;
	v17 =	vadd.s32 $0xFFFFFF81, v17;
	v34 =	vor.u32 $0x3F800000, v56;
	_ =	swait.ge [sflag:s31], $0x1000  }
0x116: {  	v31 =	vadd.f32 $5.635407450e+00, v31;
	v57 =	vmul.f32 $-6.151470820e-03, v34;
	v33 =	vadd.f32 $-4.118063450e+00, v55;
	[sflag:s31] =	ssyncset.done $0x0  }
0x117: {  	v32 =	vadd.f32 v32, v25;
	v18 =	vcvt.s32.f32 v18;
	v17 =	vcvt.s32.f32 v17;
	[sflag:s31] =	ssyncadd.s32 $0xFFFFF000  }
0x118: {  	v21 =	vmul.f32 v21, v31;
	v31 =	vadd.f32 $8.406148100e-02, v57;
	v33 =	vmul.f32 v24, v33;
	[tilespmem:s2], [sflag:$0x1] =	stream.linear.gather [hbm4b:s23+s14], $0x1000, $0x38;
	[tilespmem:$0x6100] =	vst v63  }
0x119: {  	vm1 =	veq.s32 v20, $0x2;
	v18 =	vmul.f32 $6.931471820e-01, v18;
	vm2 =	veq.s32 v20, $0x1;
	_ =	swait.ge [sflag:s31], $0x1000  }
0x11a: {  	v17 =	vmul.f32 $6.931471820e-01, v17;
	v31 =	vmul.f32 v34, v31;
	v25 =	vadd.f32 $6.378344060e+00, v33;
	[sflag:s31] =	ssyncset.done $0x0  }
0x11b: {  	v9 =	vsel vm1, v9, v12;
	vm1 =	veq.s32 v20, $0x0;
	v21 =	vadd.f32 $-2.371283530e+00, v21;
	[sflag:s31] =	ssyncadd.s32 $0xFFFFF000  }
0x11c: {  	v9 =	vsel vm2, v10, v9;
	v31 =	vadd.f32 $-5.094411970e-01, v31;
	v25 =	vmul.f32 v24, v25;
	[tilespmem:s3], [sflag:$0x1] =	stream.linear.gather [hbm4b:s24+s14], $0x1000, $0x38;
	[tilespmem:$0x6100] =	vst v63  }
0x11d: {  	s11 =	sand.u32 $0xC00, s14;
	s7 =	sand.u32 $0x380, s14;
	vm2 =	veq.s32 v37, $0x1;
	v22 =	vadd.f32 v38, v22;
	v12 =	vadd.f32 v40, v39;
	_ =	swait.ge [sflag:s31], $0x1000  }
0x11e: {  	s5 =	sand.u32 $0x70, s14;
	s6 =	sor.u32 s7, s11;
	v18 =	vadd.f32 v21, v18;
	v21 =	vadd.f32 $-6.894534590e+00, v25;
	v25 =	vmul.f32 v34, v31;
	[sflag:s31] =	ssyncset.done $0x0  }
0x11f: {  	s7 =	sor.u32 s5, s6;
	v2 =	vsel vm1, v2, v9;
	vm1 =	veq.s32 v37, $0x2;
	v31 =	vadd.f32 v12, v22;
	[sflag:s31] =	ssyncadd.s32 $0xFFFFF000  }
0x120: {  	v15 =	vsel vm1, v15, v16;
	vm1 =	veq.s32 v37, $0x0;
	v9 =	vadd.f32 $1.801661250e+00, v25;
	v20 =	vld [tilespmem:s7+$0x0]  }
0x121: {  	v6 =	vsel vm2, v6, v15;
	v10 =	vmul.f32 v24, v21;
	v21 =	vand.u32 $0x7FFFFF, v31;
	v22 =	vld [tilespmem:s7+$0x1000]  }
0x122: {  	v12 =	vsel vm0, $0x0, v0;
	v21 =	vor.u32 $0x3F800000, v21;
	v9 =	vmul.f32 v34, v9  }
0x123: {  	v58 =	vadd.f32 v12, v26;
	v10 =	vadd.f32 $5.635407450e+00, v10;
	v12 =	vmul.f32 $-6.151470820e-03, v21;
	v25 =	vld [tilespmem:s7+$0x2000]  }
0x124: {  	v3 =	vsel vm1, v3, v6;
	v2 =	vsub.f32 v18, v2;
	v9 =	vadd.f32 $-4.118063450e+00, v9  }
0x125: {  	v10 =	vmul.f32 v24, v10;
	v12 =	vadd.f32 $8.406148100e-02, v12;
	v26 =	vld [tilespmem:s7+$0x3000];
	v18 =	vmul.f32 $1.442695020e+00, v20  }
0x126: {  	v2 =	vmax.f32 v2, $1.000050030e-04;
	v9 =	vmul.f32 v34, v9;
	v16 =	vmul.f32 $1.442695020e+00, v22  }
0x127: {  	vm0 =	veq.s32 v36, $0x0;
	v12 =	vmul.f32 v21, v12;
	(erf) = vpow2.f32 v18  }
0x128: {  	v10 =	vadd.f32 $-2.371283530e+00, v10;
	(erf) = vpow2.f32 v16;
	v16 =	vmul.f32 $1.442695020e+00, v25  }
0x129: {  	v2 =	vmin.f32 v2, $9.210340490e+00;
	v9 =	vadd.f32 $6.378344060e+00, v9;
	v12 =	vadd.f32 $-5.094411970e-01, v12  }
0x12a: {  	v10 =	vadd.f32 v10, v17;
	(erf) = vpow2.f32 v16;
	v16 =	vmul.f32 $1.442695020e+00, v26  }
0x12b: {  	v2 =	vsel vm0, $0x0, v2;
	v9 =	vmul.f32 v34, v9;
	v12 =	vmul.f32 v21, v12  }
0x12c: {  	v15 =	vadd.f32 v2, v32;
	v2 =	vsub.f32 v10, v3;
	(erf) = vpow2.f32 v16  }
0x12d: {  	s12 =	simm.s32 $0x4;
	s13 =	simm.s32 $0x80;
	v9 =	vadd.f32 $-6.894534590e+00, v9;
	v12 =	vadd.f32 $1.801661250e+00, v12  }
0x12e: {  	s6 =	sand.u32 $0xC00, s13;
	s5 =	sand.u32 $0x380, s12;
	vm2 =	veq.s32 v28, $0x2;
	s14 =	simm.s32 $0x10  }
0x12f: {  	s5 =	sor.u32 s5, s6;
	v2 =	vmax.f32 v2, $1.000050030e-04;
	v6 =	vmul.f32 v34, v9;
	v3 =	vmul.f32 v21, v12;
	s8 =	sand.u32 $0x70, s14  }
0x130: {  	vm1 =	veq.s32 v28, $0x0;
	v10 =	vmin.f32 v2, $9.210340490e+00;
	v9 =	vshra.s32 v30, $0x17;
	s5 =	sor.u32 s8, s5  }
0x131: {  	v9 =	vadd.s32 $0xFFFFFF81, v9;
	v6 =	vadd.f32 $5.635407450e+00, v6;
	v3 =	vadd.f32 $-4.118063450e+00, v3;
	v2 =	vld [tilespmem:s5+$0x0]  }
0x132: {  	v12 =	vcvt.s32.f32 v9;
	v9 =	vld [tilespmem:s5+$0x2000];
	v16 =	vsel vm0, $0x0, v0;
	vm0 =	veq.s32 v29, $0x0;
	v17 =	vpop (erf)  }
0x133: {  	v6 =	vmul.f32 v34, v6;
	v3 =	vmul.f32 v21, v3;
	v18 =	vsel vm0, $0x0, v10;
	v10 =	vld [tilespmem:s5+$0x1000];
	v24 =	vpop (erf)  }
0x134: {  	v7 =	vsel vm2, v7, v11;
	vm2 =	veq.s32 v28, $0x1;
	v30 =	vmul.f32 $6.931471820e-01, v12;
	v29 =	vpop (erf)  }
0x135: {  	v4 =	vsel vm2, v4, v7;
	v12 =	vld [tilespmem:s5+$0x3000];
	v6 =	vadd.f32 $-2.371283530e+00, v6;
	v3 =	vadd.f32 $6.378344060e+00, v3;
	v11 =	vpop (erf)  }
0x136: {  	v4 =	vsel vm1, v5, v4;
	v17 =	vadd.f32 v24, v17;
	v11 =	vadd.f32 v11, v29  }
0x137: {  	v6 =	vadd.f32 v6, v30;
	v3 =	vmul.f32 v21, v3;
	v7 =	vmul.f32 $1.442695020e+00, v2  }
0x138: {  	s9 =	simm.s32 $0x8;
	s10 =	simm.s32 $0x100;
	v5 =	vmul.f32 $1.442695020e+00, v9;
	v24 =	vmul.f32 $1.442695020e+00, v10;
	v28 =	vadd.f32 v11, v17  }
0x139: {  	s6 =	sand.u32 $0x380, s9;
	s9 =	simm.s32 $0x20;
	s8 =	sand.u32 $0xC00, s10;
	v4 =	vsub.f32 v6, v4;
	v3 =	vadd.f32 $-6.894534590e+00, v3;
	(erf) = vpow2.f32 v7  }
0x13a: {  	s9 =	sand.u32 $0x70, s9;
	s6 =	sor.u32 s6, s8;
	v7 =	vmul.f32 $1.442695020e+00, v12;
	(erf) = vpow2.f32 v24;
	v11 =	vand.u32 $0x7FFFFF, v28  }
0x13b: {  	s6 =	sor.u32 s9, s6;
	v6 =	vmul.f32 v21, v3;
	(erf) = vpow2.f32 v5;
	v29 =	vor.u32 $0x3F800000, v11  }
0x13c: {  	vm2 =	veq.s32 v23, $0x2;
	v3 =	vld [tilespmem:s6+$0x0];
	(erf) = vpow2.f32 v7;
	v5 =	vmul.f32 $-6.151470820e-03, v29  }
0x13d: {  	vm1 =	veq.s32 v23, $0x0;
	v4 =	vmax.f32 v4, $1.000050030e-04;
	v7 =	vadd.f32 v16, v58  }
0x13e: {  	v13 =	vsel vm2, v13, v14;
	v16 =	vadd.f32 $5.635407450e+00, v6;
	v6 =	vld [tilespmem:s6+$0x1000];
	v5 =	vadd.f32 $8.406148100e-02, v5  }
0x13f: {  	v4 =	vmin.f32 v4, $9.210340490e+00;
	v17 =	vadd.f32 v18, v15;
	v11 =	vsel vm0, $0x0, v0  }
0x140: {  	v15 =	vshra.s32 v31, $0x17;
	vm0 =	veq.s32 v27, $0x0;
	v5 =	vmul.f32 v29, v5  }
0x141: {  	v18 =	vmul.f32 $1.442695020e+00, v3;
	v27 =	vsel vm0, $0x0, v4;
	v4 =	vadd.s32 $0xFFFFFF81, v15;
	v15 =	vld [tilespmem:s6+$0x2000]  }
0x142: {  	v24 =	vadd.f32 v11, v7;
	v7 =	vmul.f32 v21, v16;
	v16 =	vld [tilespmem:s6+$0x3000];
	v11 =	vpop (erf);
	v5 =	vadd.f32 $-5.094411970e-01, v5  }
0x143: {  	vm2 =	veq.s32 v23, $0x1;
	v31 =	vmul.f32 $1.442695020e+00, v6;
	v4 =	vcvt.s32.f32 v4;
	v21 =	vpop (erf)  }
0x144: {  	v7 =	vadd.f32 $-2.371283530e+00, v7;
	(erf) = vpow2.f32 v18;
	v30 =	vpop (erf);
	v5 =	vmul.f32 v29, v5  }
0x145: {  	v4 =	vmul.f32 $6.931471820e-01, v4;
	(erf) = vpow2.f32 v31;
	v11 =	vadd.f32 v21, v11;
	v21 =	vpop (erf)  }
0x146: {  	s11 =	simm.s32 $0xC;
	s12 =	simm.s32 $0x180;
	v59 =	vmul.f32 $1.442695020e+00, v15;
	v18 =	vadd.f32 v21, v30;
	v5 =	vadd.f32 $1.801661250e+00, v5  }
0x147: {  	s13 =	simm.s32 $0x30;
	s8 =	sand.u32 $0x380, s11;
	s9 =	sand.u32 $0xC00, s12;
	v14 =	vmul.f32 $1.442695020e+00, v16;
	v23 =	vadd.f32 v7, v4;
	v7 =	vsel vm2, v8, v13  }
0x148: {  	s10 =	sand.u32 $0x70, s13;
	s8 =	sor.u32 s8, s9;
	(erf) = vpow2.f32 v59;
	v18 =	vadd.f32 v18, v11;
	v11 =	vmul.f32 v29, v5  }
0x149: {  	s8 =	sor.u32 s10, s8;
	v1 =	vsel vm1, v1, v7;
	(erf) = vpow2.f32 v14  }
0x14a: {  	v4 =	vld [tilespmem:s8+$0x1000];
	v1 =	vsub.f32 v23, v1;
	v8 =	vand.u32 $0x7FFFFF, v18;
	v13 =	vadd.f32 $-4.118063450e+00, v11  }
0x14b: {  	v14 =	vsel vm0, $0x0, v0;
	v21 =	vor.u32 $0x3F800000, v8  }
0x14c: {  	v1 =	vmax.f32 v1, $1.000050030e-04;
	v5 =	vld [tilespmem:s8+$0x0];
	v8 =	vmul.f32 $-6.151470820e-03, v21;
	v13 =	vmul.f32 v29, v13  }
0x14d: {  	v17 =	vadd.f32 v27, v17;
	v7 =	vld [tilespmem:s8+$0x2000];
	vm0 =	veq.s32 v19, $0x0;
	v1 =	vmin.f32 v1, $9.210340490e+00  }
0x14e: {  	v1 =	vsel vm0, $0x0, v1;
	v11 =	vld [tilespmem:s8+$0x3000];
	v8 =	vadd.f32 $8.406148100e-02, v8;
	v13 =	vadd.f32 $6.378344060e+00, v13  }
0x14f: {  	v27 =	vadd.f32 v14, v24;
	v23 =	vmul.f32 $1.442695020e+00, v4;
	v14 =	vpop (erf)  }
0x150: {  	v30 =	vpop (erf);
	v8 =	vmul.f32 v21, v8;
	v13 =	vmul.f32 v29, v13  }
0x151: {  	v24 =	vadd.f32 v1, v17;
	v14 =	vadd.f32 v30, v14;
	v1 =	vpop (erf);
	v19 =	vmul.f32 $1.442695020e+00, v5  }
0x152: {  	v31 =	vmul.f32 $1.442695020e+00, v7;
	v17 =	vpop (erf);
	v8 =	vadd.f32 $-5.094411970e-01, v8;
	v13 =	vadd.f32 $-6.894534590e+00, v13  }
0x153: {  	v61 =	vld [tilespmem:s7+$0x4000];
	v1 =	vadd.f32 v17, v1;
	v60 =	vmul.f32 $1.442695020e+00, v11;
	(erf) = vpow2.f32 v19  }
0x154: {  	v8 =	vmul.f32 v21, v8;
	v13 =	vmul.f32 v29, v13  }
0x155: {  	(erf) = vpow2.f32 v23;
	v17 =	vadd.f32 v1, v14;
	v1 =	vshra.s32 v28, $0x17  }
0x156: {  	s14 =	simm.s32 $0x10;
	s9 =	simm.s32 $0x200;
	v14 =	vadd.f32 $1.801661250e+00, v8;
	v8 =	vadd.s32 $0xFFFFFF81, v1;
	v13 =	vadd.f32 $5.635407450e+00, v13  }
0x157: {  	s11 =	simm.s32 $0x40;
	s12 =	sand.u32 $0xC00, s9;
	s10 =	sand.u32 $0x380, s14;
	(erf) = vpow2.f32 v31;
	v30 =	vcvt.s32.f32 v8  }
0x158: {  	s13 =	sand.u32 $0x70, s11;
	s10 =	sor.u32 s10, s12;
	vm2 =	veq.s32 v61, $0x1;
	v14 =	vmul.f32 v21, v14;
	v29 =	vmul.f32 v29, v13  }
0x159: {  	s10 =	sor.u32 s13, s10;
	vm1 =	veq.s32 v61, $0x2;
	v28 =	vld [tilespmem:s7+$0x5000];
	v23 =	vand.u32 $0x7FFFFF, v17;
	(erf) = vpow2.f32 v60  }
0x15a: {  	v1 =	vld [tilespmem:s10+$0x0];
	v30 =	vmul.f32 $6.931471820e-01, v30;
	v31 =	vadd.f32 $-4.118063450e+00, v14;
	v29 =	vadd.f32 $-2.371283530e+00, v29  }
0x15b: {  	v25 =	vsel vm1, v25, v26;
	v19 =	vsel vm0, $0x0, v0;
	v8 =	vld [tilespmem:s10+$0x1000];
	v23 =	vor.u32 $0x3F800000, v23  }
0x15c: {  	v62 =	vmul.f32 $-6.151470820e-03, v23;
	v13 =	vld [tilespmem:s10+$0x2000];
	v26 =	vmul.f32 v21, v31;
	v29 =	vadd.f32 v29, v30  }
0x15d: {  	v22 =	vsel vm2, v22, v25;
	vm0 =	veq.s32 v61, $0x0;
	v25 =	vadd.f32 v19, v27  }
0x15e: {  	v19 =	vsel vm0, v20, v22;
	v14 =	vld [tilespmem:s10+$0x3000];
	v20 =	vadd.f32 $6.378344060e+00, v26;
	v30 =	vadd.f32 $8.406148100e-02, v62  }
0x15f: {  	v27 =	vmul.f32 $1.442695020e+00, v1;
	v22 =	vsub.f32 v29, v19  }
0x160: {  	vm0 =	veq.s32 v28, $0x0;
	v26 =	vmul.f32 $1.442695020e+00, v8;
	v20 =	vmul.f32 v21, v20;
	v29 =	vpop (erf)  }
0x161: {  	v19 =	vmul.f32 $1.442695020e+00, v13;
	v31 =	vmul.f32 v23, v30;
	v63 =	vmax.f32 v22, $1.000050030e-04;
	v28 =	vpop (erf)  }
0x162: {  	v32 =	vadd.f32 $-6.894534590e+00, v20;
	v30 =	vpop (erf);
	v29 =	vadd.f32 v28, v29;
	v28 =	vmin.f32 v63, $9.210340490e+00  }
0x163: {  	s7 =	simm.s32 $0x14;
	v20 =	vld [tilespmem:s5+$0x4000];
	v22 =	vmul.f32 $1.442695020e+00, v14;
	v33 =	vadd.f32 $-5.094411970e-01, v31;
	v34 =	vpop (erf);
	v31 =	vsel vm0, $0x0, v28  }
.LBB2_6:
0x164: {  	p0 =	sne.s32 s7, $0x3FC;
	s9 =	sadd.s32 $0x80, s9;
	(erf) = vpow2.f32 v27;
	v27 =	vadd.f32 v34, v30;
	v24 =	vadd.f32 v31, v24;
	v28 =	vmovc v4;
	v4 =	vmovc v8  }
0x165: {  	s13 =	sand.u32 $0x380, s7;
	s11 =	sadd.s32 $0x10, s11;
	v31 =	vsel vm0, $0x0, v0;
	s12 =	sand.u32 $0xC00, s9;
	v8 =	vmul.f32 v23, v33;
	v30 =	vmul.f32 v21, v32;
	v32 =	vmovc v7;
	v7 =	vmovc v13  }
0x166: {  	s14 =	sand.u32 $0x70, s11;
	v13 =	vshra.s32 v18, $0x17;
	v18 =	vmovc v17;
	s12 =	sor.u32 s13, s12;
	(erf) = vpow2.f32 v26;
	v17 =	vadd.f32 v27, v29;
	v26 =	vmovc v12  }
0x167: {  	v12 =	vmovc v16;
	v16 =	vmovc v11;
	s12 =	sor.u32 s14, s12;
	v27 =	vadd.f32 $1.801661250e+00, v8;
	v8 =	vadd.s32 $0xFFFFFF81, v13;
	v13 =	vadd.f32 $5.635407450e+00, v30;
	v29 =	vld [tilespmem:s5+$0x5000];
	s5 =	smov.u32 s6;
	s6 =	smov.u32 s8  }
0x168: {  	v11 =	vmovc v14;
	s8 =	smov.u32 s10;
	v30 =	vld [tilespmem:s12+$0x0];
	(erf) = vpow2.f32 v19;
	v19 =	vcvt.s32.f32 v8;
	vm0 =	veq.s32 v20, $0x0;
	s10 =	smov.u32 s12  }
0x169: {  	v14 =	vand.u32 $0x7FFFFF, v17;
	v8 =	vld [tilespmem:s10+$0x1000];
	v27 =	vmul.f32 v23, v27;
	v33 =	vmul.f32 v21, v13;
	v21 =	vmovc v23  }
0x16a: {  	vm1 =	veq.s32 v20, $0x2;
	v23 =	vor.u32 $0x3F800000, v14;
	v13 =	vld [tilespmem:s10+$0x2000];
	(erf) = vpow2.f32 v22  }
0x16b: {  	v19 =	vmul.f32 $6.931471820e-01, v19;
	v22 =	vadd.f32 $-4.118063450e+00, v27;
	v27 =	vadd.f32 $-2.371283530e+00, v33  }
0x16c: {  	vm2 =	veq.s32 v20, $0x1;
	v20 =	vsel vm1, v9, v26;
	v9 =	vmovc v15;
	v15 =	vmovc v32;
	v33 =	vmul.f32 $-6.151470820e-03, v23  }
0x16d: {  	v10 =	vsel vm2, v10, v20;
	v14 =	vld [tilespmem:s10+$0x3000];
	v32 =	vpop (erf);
	v22 =	vmul.f32 v21, v22;
	v19 =	vadd.f32 v27, v19  }
0x16e: {  	v25 =	vadd.f32 v31, v25;
	v10 =	vsel vm0, v2, v10;
	v2 =	vmovc v3;
	v3 =	vmovc v5;
	v20 =	vadd.f32 $8.406148100e-02, v33  }
.Ltmp2:
0x16f: {  	v27 =	vmul.f32 $1.442695020e+00, v30;
	v31 =	vpop (erf);
	v22 =	vadd.f32 $6.378344060e+00, v22;
	v34 =	vsub.f32 v19, v10;
	(pc) =	sbr.rel @p0 .LBB2_6-.Ltmp2, $4  }
0x170: {  	v5 =	vmovc v1;
	vm0 =	veq.s32 v29, $0x0;
	v1 =	vmovc v30;
	v26 =	vmul.f32 $1.442695020e+00, v8;
	v19 =	vmul.f32 $1.442695020e+00, v13  }
0x171: {  	v20 =	vmul.f32 v23, v20;
	v30 =	vpop (erf);
	v35 =	vmul.f32 v21, v22;
	v33 =	vmax.f32 v34, $1.000050030e-04  }
0x172: {  	v10 =	vmovc v6;
	v6 =	vmovc v28;
	v29 =	vadd.f32 v31, v32;
	v22 =	vmul.f32 $1.442695020e+00, v14;
	v31 =	vmin.f32 v33, $9.210340490e+00  }
0x173: {  	s7 =	sadd.s32 $0x4, s7;
	v33 =	vadd.f32 $-5.094411970e-01, v20;
	v34 =	vpop (erf);
	v32 =	vadd.f32 $-6.894534590e+00, v35;
	v20 =	vld [tilespmem:s5+$0x4000];
	v31 =	vsel vm0, $0x0, v31  }
0x174: {  	(erf) = vpow2.f32 v27  }
0x175: {  	(erf) = vpow2.f32 v26  }
0x176: {  	(erf) = vpow2.f32 v19  }
0x177: {  	(erf) = vpow2.f32 v22;
	_ =	sdelay $0x2  }
0x178: {  	v35 =	vld [tilespmem:s5+$0x5000]  }
0x179: {  	v36 =	vld [tilespmem:s6+$0x4000]  }
0x17a: {  	v28 =	vld [tilespmem:s6+$0x5000]  }
0x17b: {  	v27 =	vld [tilespmem:s8+$0x4000];
	v37 =	vpop (erf)  }
0x17c: {  	v26 =	vld [tilespmem:s8+$0x5000];
	v38 =	vpop (erf)  }
0x17d: {  	s14 =	simm.s32 $0x0;
	s8 =	rddreg [dreg:$0x11];
	v19 =	vld [tilespmem:s10+$0x5000];
	v39 =	vpop (erf)  }
0x17e: {  	v22 =	vld [tilespmem:s10+$0x4000];
	[tilespmem:s14], [sflag:$0x1] =	stream.linear.gather [hbm4b:s8+s14], $0x1000, $0x38;
	v40 =	vpop (erf)  }
0x17f: {  	_ =	swait.ge [sflag:s31], $0x1000  }
0x180: {  	[sflag:s31] =	ssyncset.done $0x0  }
0x181: {  	s9 =	rddreg [dreg:$0x12];
	[sflag:s31] =	ssyncadd.s32 $0xFFFFF000  }
0x182: {  	[tilespmem:s20], [sflag:$0x1] =	stream.linear.gather [hbm4b:s9+s14], $0x1000, $0x38;
	[tilespmem:$0x6100] =	vst v63  }
0x183: {  	_ =	swait.ge [sflag:s31], $0x1000  }
0x184: {  	[sflag:s31] =	ssyncset.done $0x0  }
0x185: {  	v30 =	vadd.f32 v34, v30;
	[sflag:s31] =	ssyncadd.s32 $0xFFFFF000  }
0x186: {  	v33 =	vmul.f32 v23, v33;
	[tilespmem:s0], [sflag:$0x1] =	stream.linear.gather [hbm4b:s15+s14], $0x1000, $0x38;
	[tilespmem:$0x6100] =	vst v63  }
0x187: {  	v29 =	vadd.f32 v30, v29;
	_ =	swait.ge [sflag:s31], $0x1000  }
0x188: {  	v33 =	vadd.f32 $1.801661250e+00, v33;
	[sflag:s31] =	ssyncset.done $0x0  }
0x189: {  	v30 =	vmul.f32 v21, v32;
	v53 =	vand.u32 $0x7FFFFF, v29;
	[sflag:s31] =	ssyncadd.s32 $0xFFFFF000  }
0x18a: {  	v52 =	vmul.f32 v23, v33;
	v33 =	vor.u32 $0x3F800000, v53;
	[tilespmem:s1], [sflag:$0x1] =	stream.linear.gather [hbm4b:s16+s14], $0x1000, $0x38;
	[tilespmem:$0x6100] =	vst v63  }
0x18b: {  	v18 =	vshra.s32 v18, $0x17;
	v30 =	vadd.f32 $5.635407450e+00, v30;
	v54 =	vmul.f32 $-6.151470820e-03, v33;
	_ =	swait.ge [sflag:s31], $0x1000  }
0x18c: {  	v31 =	vadd.f32 v31, v24;
	v17 =	vshra.s32 v17, $0x17;
	v32 =	vadd.f32 $-4.118063450e+00, v52;
	[sflag:s31] =	ssyncset.done $0x0  }
0x18d: {  	v18 =	vadd.s32 $0xFFFFFF81, v18;
	v21 =	vmul.f32 v21, v30;
	v30 =	vadd.f32 $8.406148100e-02, v54;
	[sflag:s31] =	ssyncadd.s32 $0xFFFFF000  }
0x18e: {  	v17 =	vadd.s32 $0xFFFFFF81, v17;
	v18 =	vcvt.s32.f32 v18;
	v32 =	vmul.f32 v23, v32;
	[tilespmem:s2], [sflag:$0x1] =	stream.linear.gather [hbm4b:s25+s14], $0x1000, $0x38;
	[tilespmem:$0x6100] =	vst v63  }
0x18f: {  	v17 =	vcvt.s32.f32 v17;
	vm1 =	veq.s32 v20, $0x2;
	v30 =	vmul.f32 v33, v30;
	_ =	swait.ge [sflag:s31], $0x1000  }
0x190: {  	v18 =	vmul.f32 $6.931471820e-01, v18;
	vm2 =	veq.s32 v20, $0x1;
	v24 =	vadd.f32 $6.378344060e+00, v32;
	[sflag:s31] =	ssyncset.done $0x0  }
0x191: {  	v17 =	vmul.f32 $6.931471820e-01, v17;
	v9 =	vsel vm1, v9, v12;
	v30 =	vadd.f32 $-5.094411970e-01, v30;
	[sflag:s31] =	ssyncadd.s32 $0xFFFFF000  }
0x192: {  	vm1 =	veq.s32 v20, $0x0;
	v9 =	vsel vm2, v10, v9;
	v24 =	vmul.f32 v23, v24;
	[tilespmem:s3], [sflag:$0x1] =	stream.linear.gather [hbm4b:s26+s14], $0x1000, $0x38;
	[tilespmem:$0x6100] =	vst v63  }
0x193: {  	s7 =	sand.u32 $0x380, s14;
	s10 =	sand.u32 $0xC00, s14;
	v55 =	vadd.f32 v38, v37;
	v12 =	vadd.f32 v40, v39;
	v20 =	vmul.f32 v33, v30;
	_ =	swait.ge [sflag:s31], $0x1000  }
0x194: {  	s5 =	sand.u32 $0x70, s14;
	s6 =	sor.u32 s7, s10;
	vm2 =	veq.s32 v36, $0x1;
	v21 =	vadd.f32 $-2.371283530e+00, v21;
	v24 =	vadd.f32 $-6.894534590e+00, v24;
	[sflag:s31] =	ssyncset.done $0x0  }
0x195: {  	v2 =	vsel vm1, v2, v9;
	v12 =	vadd.f32 v12, v55;
	s9 =	sor.u32 s5, s6;
	v9 =	vadd.f32 $1.801661250e+00, v20;
	[sflag:s31] =	ssyncadd.s32 $0xFFFFF000  }
0x196: {  	vm1 =	veq.s32 v36, $0x2;
	v21 =	vadd.f32 v21, v18;
	v10 =	vmul.f32 v23, v24;
	v18 =	vld [tilespmem:s9+$0x0]  }
0x197: {  	v30 =	vsel vm0, $0x0, v0;
	v24 =	vand.u32 $0x7FFFFF, v12;
	v9 =	vmul.f32 v33, v9;
	v20 =	vld [tilespmem:s9+$0x1000]  }
0x198: {  	v25 =	vadd.f32 v30, v25;
	v30 =	vor.u32 $0x3F800000, v24;
	v10 =	vadd.f32 $5.635407450e+00, v10  }
0x199: {  	v2 =	vsub.f32 v21, v2;
	v21 =	vmul.f32 $-6.151470820e-03, v30;
	v9 =	vadd.f32 $-4.118063450e+00, v9;
	v24 =	vld [tilespmem:s9+$0x2000]  }
0x19a: {  	v15 =	vsel vm1, v15, v16;
	vm1 =	veq.s32 v36, $0x0;
	v10 =	vmul.f32 v23, v10  }
0x19b: {  	v21 =	vadd.f32 $8.406148100e-02, v21;
	v9 =	vmul.f32 v33, v9;
	v23 =	vld [tilespmem:s9+$0x3000];
	v56 =	vmul.f32 $1.442695020e+00, v18  }
0x19c: {  	v6 =	vsel vm2, v6, v15;
	vm2 =	veq.s32 v27, $0x2;
	v16 =	vmul.f32 $1.442695020e+00, v20  }
0x19d: {  	v21 =	vmul.f32 v30, v21;
	v9 =	vadd.f32 $6.378344060e+00, v9;
	(erf) = vpow2.f32 v56  }
0x19e: {  	v3 =	vsel vm1, v3, v6;
	(erf) = vpow2.f32 v16;
	v16 =	vmul.f32 $1.442695020e+00, v24  }
0x19f: {  	vm1 =	veq.s32 v27, $0x0;
	v21 =	vadd.f32 $-5.094411970e-01, v21;
	v9 =	vmul.f32 v33, v9  }
0x1a0: {  	v11 =	vsel vm2, v7, v11;
	(erf) = vpow2.f32 v16;
	v16 =	vmul.f32 $1.442695020e+00, v23  }
0x1a1: {  	vm0 =	veq.s32 v35, $0x0;
	v10 =	vadd.f32 $-2.371283530e+00, v10;
	v21 =	vmul.f32 v30, v21  }
0x1a2: {  	v2 =	vmax.f32 v2, $1.000050030e-04;
	v9 =	vadd.f32 $-6.894534590e+00, v9;
	(erf) = vpow2.f32 v16  }
0x1a3: {  	v2 =	vmin.f32 v2, $9.210340490e+00;
	v10 =	vadd.f32 v10, v17;
	v15 =	vadd.f32 $1.801661250e+00, v21  }
0x1a4: {  	s11 =	simm.s32 $0x4;
	s12 =	simm.s32 $0x80;
	vm2 =	veq.s32 v27, $0x1;
	v2 =	vsel vm0, $0x0, v2;
	v6 =	vmul.f32 v33, v9  }
0x1a5: {  	s13 =	simm.s32 $0x10;
	s6 =	sand.u32 $0xC00, s12;
	s5 =	sand.u32 $0x380, s11;
	v9 =	vadd.f32 v2, v31;
	v2 =	vsub.f32 v10, v3;
	v3 =	vmul.f32 v30, v15  }
0x1a6: {  	s7 =	sand.u32 $0x70, s13;
	v4 =	vsel vm2, v4, v11;
	s5 =	sor.u32 s5, s6;
	v10 =	vshra.s32 v29, $0x17;
	v6 =	vadd.f32 $5.635407450e+00, v6  }
0x1a7: {  	s5 =	sor.u32 s7, s5;
	v15 =	vsel vm0, $0x0, v0;
	v2 =	vmax.f32 v2, $1.000050030e-04;
	v3 =	vadd.f32 $-4.118063450e+00, v3  }
0x1a8: {  	v10 =	vadd.s32 $0xFFFFFF81, v10;
	v6 =	vmul.f32 v33, v6;
	v16 =	vmin.f32 v2, $9.210340490e+00;
	v2 =	vld [tilespmem:s5+$0x0];
	v17 =	vpop (erf)  }
0x1a9: {  	vm0 =	veq.s32 v28, $0x0;
	v21 =	vcvt.s32.f32 v10;
	v3 =	vmul.f32 v30, v3;
	v10 =	vld [tilespmem:s5+$0x1000];
	v28 =	vpop (erf)  }
0x1aa: {  	vm2 =	veq.s32 v22, $0x2;
	v4 =	vsel vm1, v5, v4;
	v29 =	vadd.f32 $-2.371283530e+00, v6;
	v6 =	vld [tilespmem:s5+$0x2000];
	v31 =	vpop (erf)  }
0x1ab: {  	vm1 =	veq.s32 v22, $0x0;
	v21 =	vmul.f32 $6.931471820e-01, v21;
	v7 =	vld [tilespmem:s5+$0x3000];
	v3 =	vadd.f32 $6.378344060e+00, v3;
	v57 =	vpop (erf)  }
0x1ac: {  	v13 =	vsel vm2, v13, v14;
	v17 =	vadd.f32 v28, v17;
	v27 =	vadd.f32 v57, v31  }
0x1ad: {  	vm2 =	veq.s32 v22, $0x1;
	v21 =	vadd.f32 v29, v21;
	v11 =	vmul.f32 $1.442695020e+00, v2  }
0x1ae: {  	v3 =	vmul.f32 v30, v3;
	v28 =	vmul.f32 $1.442695020e+00, v10;
	v27 =	vadd.f32 v27, v17  }
0x1af: {  	v4 =	vsub.f32 v21, v4;
	v5 =	vmul.f32 $1.442695020e+00, v6;
	(erf) = vpow2.f32 v11  }
0x1b0: {  	s8 =	simm.s32 $0x100;
	s14 =	simm.s32 $0x8;
	v11 =	vmul.f32 $1.442695020e+00, v7;
	(erf) = vpow2.f32 v28;
	v17 =	vand.u32 $0x7FFFFF, v27  }
0x1b1: {  	s10 =	simm.s32 $0x20;
	s7 =	sand.u32 $0xC00, s8;
	s6 =	sand.u32 $0x380, s14;
	v3 =	vadd.f32 $-6.894534590e+00, v3;
	(erf) = vpow2.f32 v5;
	v28 =	vor.u32 $0x3F800000, v17  }
0x1b2: {  	s8 =	sand.u32 $0x70, s10;
	s6 =	sor.u32 s6, s7;
	v16 =	vsel vm0, $0x0, v16;
	(erf) = vpow2.f32 v11;
	v5 =	vmul.f32 $-6.151470820e-03, v28  }
0x1b3: {  	s6 =	sor.u32 s8, s6;
	v11 =	vadd.f32 v15, v25;
	v15 =	vadd.f32 v16, v9;
	v9 =	vmul.f32 v30, v3  }
0x1b4: {  	v12 =	vshra.s32 v12, $0x17;
	v4 =	vmax.f32 v4, $1.000050030e-04;
	v3 =	vld [tilespmem:s6+$0x0];
	v5 =	vadd.f32 $8.406148100e-02, v5  }
0x1b5: {  	v16 =	vsel vm0, $0x0, v0;
	v9 =	vadd.f32 $5.635407450e+00, v9;
	v17 =	vmin.f32 v4, $9.210340490e+00  }
0x1b6: {  	v16 =	vadd.f32 v16, v11;
	v11 =	vadd.s32 $0xFFFFFF81, v12;
	v4 =	vld [tilespmem:s6+$0x1000];
	v21 =	vmul.f32 v28, v5  }
0x1b7: {  	v13 =	vsel vm2, v8, v13;
	vm0 =	veq.s32 v26, $0x0;
	v11 =	vcvt.s32.f32 v11;
	v5 =	vld [tilespmem:s6+$0x2000]  }
0x1b8: {  	v12 =	vmul.f32 v30, v9;
	v9 =	vld [tilespmem:s6+$0x3000];
	v25 =	vsel vm0, $0x0, v17;
	v17 =	vpop (erf);
	v21 =	vadd.f32 $-5.094411970e-01, v21  }
0x1b9: {  	v13 =	vsel vm1, v1, v13;
	v26 =	vmul.f32 $1.442695020e+00, v3;
	v29 =	vpop (erf)  }
0x1ba: {  	v11 =	vmul.f32 $6.931471820e-01, v11;
	v12 =	vadd.f32 $-2.371283530e+00, v12;
	v30 =	vpop (erf);
	v21 =	vmul.f32 v28, v21  }
0x1bb: {  	(erf) = vpow2.f32 v26;
	v31 =	vmul.f32 $1.442695020e+00, v4;
	v17 =	vadd.f32 v29, v17;
	v29 =	vpop (erf)  }
0x1bc: {  	s11 =	simm.s32 $0xC;
	s12 =	simm.s32 $0x180;
	v29 =	vadd.f32 v29, v30;
	v26 =	vmul.f32 $1.442695020e+00, v5;
	v21 =	vadd.f32 $1.801661250e+00, v21  }
0x1bd: {  	s13 =	simm.s32 $0x30;
	s7 =	sand.u32 $0x380, s11;
	s8 =	sand.u32 $0xC00, s12;
	v12 =	vadd.f32 v12, v11;
	v14 =	vmul.f32 $1.442695020e+00, v9;
	(erf) = vpow2.f32 v31  }
0x1be: {  	s10 =	sand.u32 $0x70, s13;
	s7 =	sor.u32 s7, s8;
	v17 =	vadd.f32 v29, v17;
	(erf) = vpow2.f32 v26;
	v21 =	vmul.f32 v28, v21  }
0x1bf: {  	s7 =	sor.u32 s10, s7;
	v13 =	vsub.f32 v12, v13;
	(erf) = vpow2.f32 v14  }
0x1c0: {  	v8 =	vld [tilespmem:s7+$0x1000];
	v14 =	vand.u32 $0x7FFFFF, v17;
	v22 =	vadd.f32 $-4.118063450e+00, v21  }
0x1c1: {  	v11 =	vld [tilespmem:s7+$0x0];
	v13 =	vmax.f32 v13, $1.000050030e-04;
	v21 =	vor.u32 $0x3F800000, v14  }
0x1c2: {  	v12 =	vld [tilespmem:s7+$0x3000];
	v26 =	vsel vm0, $0x0, v0;
	v14 =	vmul.f32 $-6.151470820e-03, v21;
	v22 =	vmul.f32 v28, v22  }
0x1c3: {  	v1 =	vld [tilespmem:s7+$0x2000];
	v13 =	vmin.f32 v13, $9.210340490e+00;
	vm0 =	veq.s32 v19, $0x0;
	v26 =	vadd.f32 v26, v16  }
0x1c4: {  	v13 =	vsel vm0, $0x0, v13;
	v14 =	vadd.f32 $8.406148100e-02, v14;
	v16 =	vadd.f32 $6.378344060e+00, v22  }
0x1c5: {  	v15 =	vadd.f32 v25, v15;
	v29 =	vmul.f32 $1.442695020e+00, v8;
	v19 =	vpop (erf)  }
0x1c6: {  	v30 =	vpop (erf);
	v14 =	vmul.f32 v21, v14;
	v16 =	vmul.f32 v28, v16  }
0x1c7: {  	v31 =	vmul.f32 $1.442695020e+00, v12;
	v25 =	vadd.f32 v13, v15;
	v22 =	vmul.f32 $1.442695020e+00, v11;
	v13 =	vpop (erf)  }
0x1c8: {  	v15 =	vmul.f32 $1.442695020e+00, v1;
	v58 =	vpop (erf);
	v14 =	vadd.f32 $-5.094411970e-01, v14;
	v16 =	vadd.f32 $-6.894534590e+00, v16  }
0x1c9: {  	v19 =	vadd.f32 v30, v19;
	(erf) = vpow2.f32 v22;
	v13 =	vadd.f32 v58, v13  }
0x1ca: {  	s14 =	simm.s32 $0x10;
	v59 =	vld [tilespmem:s9+$0x4000];
	v14 =	vmul.f32 v21, v14;
	v16 =	vmul.f32 v28, v16  }
0x1cb: {  	s8 =	sand.u32 $0x380, s14;
	s10 =	simm.s32 $0x200;
	(erf) = vpow2.f32 v29;
	v19 =	vadd.f32 v13, v19;
	v13 =	vshra.s32 v27, $0x17  }
0x1cc: {  	s11 =	simm.s32 $0x40;
	s12 =	sand.u32 $0xC00, s10;
	v22 =	vadd.f32 $1.801661250e+00, v14;
	v14 =	vadd.s32 $0xFFFFFF81, v13;
	v16 =	vadd.f32 $5.635407450e+00, v16  }
0x1cd: {  	s13 =	sand.u32 $0x70, s11;
	s8 =	sor.u32 s8, s12;
	(erf) = vpow2.f32 v15;
	v27 =	vcvt.s32.f32 v14  }
0x1ce: {  	s8 =	sor.u32 s13, s8;
	v29 =	vld [tilespmem:s9+$0x5000];
	v61 =	vmul.f32 v21, v22;
	v16 =	vmul.f32 v28, v16  }
0x1cf: {  	vm1 =	veq.s32 v59, $0x2;
	v15 =	vld [tilespmem:s8+$0x2000];
	(erf) = vpow2.f32 v31;
	v60 =	vand.u32 $0x7FFFFF, v19  }
0x1d0: {  	v27 =	vmul.f32 $6.931471820e-01, v27;
	v28 =	vadd.f32 $-4.118063450e+00, v61;
	v31 =	vadd.f32 $-2.371283530e+00, v16  }
0x1d1: {  	vm2 =	veq.s32 v59, $0x1;
	v23 =	vsel vm1, v24, v23;
	v14 =	vld [tilespmem:s8+$0x1000];
	v22 =	vor.u32 $0x3F800000, v60  }
0x1d2: {  	v13 =	vld [tilespmem:s8+$0x0];
	v32 =	vmul.f32 $-6.151470820e-03, v22;
	v24 =	vmul.f32 v21, v28;
	v28 =	vadd.f32 v31, v27  }
0x1d3: {  	v23 =	vsel vm2, v20, v23;
	v30 =	vsel vm0, $0x0, v0;
	vm0 =	veq.s32 v59, $0x0;
	v16 =	vld [tilespmem:s8+$0x3000]  }
0x1d4: {  	v20 =	vadd.f32 v30, v26;
	v18 =	vsel vm0, v18, v23;
	v30 =	vadd.f32 $8.406148100e-02, v32  }
0x1d5: {  	v23 =	vmul.f32 $1.442695020e+00, v15;
	v24 =	vadd.f32 $6.378344060e+00, v24;
	v18 =	vsub.f32 v28, v18  }
0x1d6: {  	vm0 =	veq.s32 v29, $0x0;
	v26 =	vmul.f32 $1.442695020e+00, v14;
	v31 =	vmul.f32 v22, v30;
	v28 =	vpop (erf)  }
0x1d7: {  	v27 =	vmul.f32 $1.442695020e+00, v13;
	v62 =	vmul.f32 v21, v24;
	v18 =	vmax.f32 v18, $1.000050030e-04;
	v29 =	vpop (erf)  }
0x1d8: {  	v31 =	vadd.f32 $-5.094411970e-01, v31;
	v24 =	vmul.f32 $1.442695020e+00, v16;
	v63 =	vmin.f32 v18, $9.210340490e+00;
	v30 =	vpop (erf)  }
0x1d9: {  	s9 =	simm.s32 $0x14;
	v18 =	vld [tilespmem:s5+$0x4000];
	v28 =	vadd.f32 v29, v28;
	v29 =	vadd.f32 $-6.894534590e+00, v62;
	v32 =	vsel vm0, $0x0, v63;
	v33 =	vpop (erf)  }
.LBB2_8:
0x1da: {  	p0 =	sne.s32 s9, $0x3FC;
	s10 =	sadd.s32 $0x80, s10;
	(erf) = vpow2.f32 v27;
	v27 =	vadd.f32 v33, v30;
	v25 =	vadd.f32 v32, v25;
	v32 =	vmovc v8;
	v8 =	vmovc v14  }
0x1db: {  	s13 =	sand.u32 $0x380, s9;
	s11 =	sadd.s32 $0x10, s11;
	v30 =	vsel vm0, $0x0, v0;
	s12 =	sand.u32 $0xC00, s10;
	v14 =	vmul.f32 v22, v31;
	v29 =	vmul.f32 v21, v29;
	v31 =	vmovc v1;
	v1 =	vmovc v15  }
0x1dc: {  	s14 =	sand.u32 $0x70, s11;
	v15 =	vshra.s32 v17, $0x17;
	v17 =	vmovc v19;
	s12 =	sor.u32 s13, s12;
	(erf) = vpow2.f32 v26;
	v19 =	vadd.f32 v27, v28;
	v26 =	vmovc v7  }
0x1dd: {  	v7 =	vmovc v9;
	v9 =	vmovc v12;
	s12 =	sor.u32 s14, s12;
	v27 =	vadd.f32 $1.801661250e+00, v14;
	v14 =	vadd.s32 $0xFFFFFF81, v15;
	v15 =	vadd.f32 $5.635407450e+00, v29;
	v28 =	vld [tilespmem:s5+$0x5000];
	s5 =	smov.u32 s6;
	s6 =	smov.u32 s7  }
0x1de: {  	v12 =	vmovc v16;
	s7 =	smov.u32 s8;
	v29 =	vld [tilespmem:s12+$0x0];
	(erf) = vpow2.f32 v23;
	v23 =	vcvt.s32.f32 v14;
	vm0 =	veq.s32 v18, $0x0;
	s8 =	smov.u32 s12  }
0x1df: {  	v16 =	vand.u32 $0x7FFFFF, v19;
	v14 =	vld [tilespmem:s8+$0x1000];
	v27 =	vmul.f32 v22, v27;
	v33 =	vmul.f32 v21, v15;
	v21 =	vmovc v22  }
0x1e0: {  	vm1 =	veq.s32 v18, $0x2;
	v22 =	vor.u32 $0x3F800000, v16;
	v15 =	vld [tilespmem:s8+$0x2000];
	(erf) = vpow2.f32 v24  }
0x1e1: {  	v23 =	vmul.f32 $6.931471820e-01, v23;
	v24 =	vadd.f32 $-4.118063450e+00, v27;
	v27 =	vadd.f32 $-2.371283530e+00, v33  }
0x1e2: {  	vm2 =	veq.s32 v18, $0x1;
	v18 =	vsel vm1, v6, v26;
	v6 =	vmovc v5;
	v5 =	vmovc v31;
	v34 =	vmul.f32 $-6.151470820e-03, v22  }
0x1e3: {  	v10 =	vsel vm2, v10, v18;
	v16 =	vld [tilespmem:s8+$0x3000];
	v31 =	vpop (erf);
	v24 =	vmul.f32 v21, v24;
	v23 =	vadd.f32 v27, v23  }
0x1e4: {  	v20 =	vadd.f32 v30, v20;
	v10 =	vsel vm0, v2, v10;
	v2 =	vmovc v3;
	v3 =	vmovc v11;
	v18 =	vadd.f32 $8.406148100e-02, v34  }
.Ltmp3:
0x1e5: {  	v27 =	vmul.f32 $1.442695020e+00, v29;
	v33 =	vpop (erf);
	v24 =	vadd.f32 $6.378344060e+00, v24;
	v36 =	vsub.f32 v23, v10;
	(pc) =	sbr.rel @p0 .LBB2_8-.Ltmp3, $4  }
0x1e6: {  	v11 =	vmovc v13;
	vm0 =	veq.s32 v28, $0x0;
	v13 =	vmovc v29;
	v26 =	vmul.f32 $1.442695020e+00, v14;
	v23 =	vmul.f32 $1.442695020e+00, v15  }
0x1e7: {  	v18 =	vmul.f32 v22, v18;
	v30 =	vpop (erf);
	v29 =	vmul.f32 v21, v24;
	v35 =	vmax.f32 v36, $1.000050030e-04  }
0x1e8: {  	v10 =	vmovc v4;
	v4 =	vmovc v32;
	v28 =	vadd.f32 v33, v31;
	v24 =	vmul.f32 $1.442695020e+00, v16;
	v34 =	vmin.f32 v35, $9.210340490e+00  }
0x1e9: {  	s9 =	sadd.s32 $0x4, s9;
	v31 =	vadd.f32 $-5.094411970e-01, v18;
	v33 =	vpop (erf);
	v29 =	vadd.f32 $-6.894534590e+00, v29;
	v18 =	vld [tilespmem:s5+$0x4000];
	v32 =	vsel vm0, $0x0, v34  }
0x1ea: {  	(erf) = vpow2.f32 v27  }
0x1eb: {  	(erf) = vpow2.f32 v26  }
0x1ec: {  	(erf) = vpow2.f32 v23  }
0x1ed: {  	(erf) = vpow2.f32 v24;
	_ =	sdelay $0x5  }
0x1ee: {  	v54 =	vpop (erf)  }
0x1ef: {  	v53 =	vadd.f32 v33, v30;
	v26 =	vpop (erf)  }
0x1f0: {  	v55 =	vpop (erf)  }
0x1f1: {  	v23 =	vadd.f32 v53, v28;
	v56 =	vpop (erf)  }
0x1f2: {  	v24 =	vadd.f32 v26, v54;
	v57 =	vadd.f32 v56, v55  }
0x1f3: {  	v25 =	vadd.f32 v32, v25;
	v28 =	vand.u32 $0x7FFFFF, v23  }
0x1f4: {  	v17 =	vshra.s32 v17, $0x17;
	v28 =	vor.u32 $0x3F800000, v28;
	v24 =	vadd.f32 v57, v24  }
0x1f5: {  	v63 =	vsel vm0, $0x0, v0;
	v19 =	vshra.s32 v19, $0x17;
	v59 =	vmul.f32 $-6.151470820e-03, v28  }
0x1f6: {  	v58 =	vmul.f32 v22, v31;
	v29 =	vmul.f32 v21, v29;
	v62 =	vand.u32 $0x7FFFFF, v24  }
0x1f7: {  	v17 =	vadd.s32 $0xFFFFFF81, v17;
	v61 =	vadd.f32 $8.406148100e-02, v59;
	v30 =	vor.u32 $0x3F800000, v62  }
0x1f8: {  	v46 =	vadd.f32 v63, v20;
	v60 =	vadd.f32 $1.801661250e+00, v58;
	v36 =	vmul.f32 $-6.151470820e-03, v30  }
0x1f9: {  	v19 =	vadd.s32 $0xFFFFFF81, v19;
	v17 =	vcvt.s32.f32 v17;
	v27 =	vmul.f32 v28, v61  }
0x1fa: {  	v19 =	vcvt.s32.f32 v19;
	v26 =	vmul.f32 v22, v60;
	v38 =	vadd.f32 $8.406148100e-02, v36  }
0x1fb: {  	v40 =	vld [tilespmem:s5+$0x5000];
	v29 =	vadd.f32 $5.635407450e+00, v29;
	vm14 =	veq.s32 v18, $0x0;
	v27 =	vadd.f32 $-5.094411970e-01, v27  }
0x1fc: {  	v47 =	vld [tilespmem:s6+$0x4000];
	vm1 =	veq.s32 v18, $0x2;
	v26 =	vadd.f32 $-4.118063450e+00, v26;
	v39 =	vmul.f32 v30, v38  }
0x1fd: {  	v17 =	vmul.f32 $6.931471820e-01, v17;
	vm2 =	veq.s32 v18, $0x1;
	v27 =	vmul.f32 v28, v27  }
0x1fe: {  	v49 =	vld [tilespmem:s6+$0x5000];
	v19 =	vmul.f32 $6.931471820e-01, v19;
	v26 =	vmul.f32 v22, v26;
	v43 =	vadd.f32 $-5.094411970e-01, v39  }
0x1ff: {  	v37 =	vmul.f32 v21, v29;
	v6 =	vsel vm1, v6, v7;
	v42 =	vadd.f32 $1.801661250e+00, v27  }
0x200: {  	v6 =	vsel vm2, v10, v6;
	v41 =	vadd.f32 $6.378344060e+00, v26;
	v10 =	vmul.f32 v30, v43  }
0x201: {  	vm15 =	veq.s32 v40, $0x0;
	vm4 =	veq.s32 v47, $0x0;
	v45 =	vmul.f32 v28, v42  }
0x202: {  	vm5 =	veq.s32 v47, $0x2;
	v44 =	vmul.f32 v22, v41;
	v10 =	vadd.f32 $1.801661250e+00, v10  }
0x203: {  	v53 =	vld [tilespmem:s7+$0x4000];
	vm6 =	veq.s32 v47, $0x1;
	vm7 =	veq.s32 v49, $0x0;
	v7 =	vadd.f32 $-4.118063450e+00, v45  }
0x204: {  	v2 =	vsel vm14, v2, v6;
	v6 =	vadd.f32 $-6.894534590e+00, v44;
	v10 =	vmul.f32 v30, v10  }
0x205: {  	v48 =	vsel vm15, $0x0, v0;
	v5 =	vsel vm5, v5, v9;
	v7 =	vmul.f32 v28, v7  }
0x206: {  	v21 =	vadd.f32 $-2.371283530e+00, v37;
	v6 =	vmul.f32 v22, v6;
	v10 =	vadd.f32 $-4.118063450e+00, v10  }
0x207: {  	v4 =	vsel vm6, v4, v5;
	v52 =	vadd.f32 v48, v46;
	v7 =	vadd.f32 $6.378344060e+00, v7  }
0x208: {  	vm9 =	veq.s32 v53, $0x2;
	v6 =	vadd.f32 $5.635407450e+00, v6;
	v10 =	vmul.f32 v30, v10  }
0x209: {  	vm10 =	veq.s32 v53, $0x1;
	v1 =	vsel vm9, v1, v12;
	v7 =	vmul.f32 v28, v7  }
0x20a: {  	v17 =	vadd.f32 v21, v17;
	v6 =	vmul.f32 v22, v6;
	v50 =	vadd.f32 $6.378344060e+00, v10  }
0x20b: {  	vm8 =	veq.s32 v53, $0x0;
	v1 =	vsel vm10, v8, v1;
	v7 =	vadd.f32 $-6.894534590e+00, v7  }
0x20c: {  	v2 =	vsub.f32 v17, v2;
	v6 =	vadd.f32 $-2.371283530e+00, v6;
	v9 =	vmul.f32 v30, v50  }
0x20d: {  	v3 =	vsel vm4, v3, v4;
	v1 =	vsel vm8, v11, v1;
	v51 =	vmul.f32 v28, v7  }
0x20e: {  	v2 =	vmax.f32 v2, $1.000050030e-04;
	v6 =	vadd.f32 v6, v19;
	v9 =	vadd.f32 $-6.894534590e+00, v9  }
0x20f: {  	v54 =	vshra.s32 v23, $0x17;
	v55 =	vld [tilespmem:s8+$0x4000];
	v2 =	vmin.f32 v2, $9.210340490e+00;
	v5 =	vadd.f32 $5.635407450e+00, v51  }
0x210: {  	v3 =	vsub.f32 v6, v3;
	v6 =	vadd.s32 $0xFFFFFF81, v54;
	v9 =	vmul.f32 v30, v9  }
0x211: {  	v2 =	vsel vm15, $0x0, v2;
	v5 =	vmul.f32 v28, v5;
	v6 =	vcvt.s32.f32 v6  }
0x212: {  	v2 =	vadd.f32 v2, v25;
	v56 =	vshra.s32 v24, $0x17;
	v9 =	vadd.f32 $5.635407450e+00, v9  }
0x213: {  	v57 =	vadd.s32 $0xFFFFFF81, v56;
	v5 =	vadd.f32 $-2.371283530e+00, v5;
	v6 =	vmul.f32 $6.931471820e-01, v6  }
0x214: {  	vm11 =	veq.s32 v55, $0x2;
	v7 =	vcvt.s32.f32 v57;
	v58 =	vmul.f32 v30, v9  }
0x215: {  	v59 =	vld [tilespmem:s7+$0x5000];
	vm12 =	veq.s32 v55, $0x1;
	vm13 =	veq.s32 v55, $0x0;
	v5 =	vadd.f32 v5, v6  }
0x216: {  	v7 =	vmul.f32 $6.931471820e-01, v7;
	v3 =	vmax.f32 v3, $1.000050030e-04;
	v60 =	vadd.f32 $-2.371283530e+00, v58  }
0x217: {  	v61 =	vsel vm11, v15, v16;
	v3 =	vmin.f32 v3, $9.210340490e+00;
	v1 =	vsub.f32 v5, v1  }
0x218: {  	v62 =	vld [tilespmem:s8+$0x5000];
	v3 =	vsel vm7, $0x0, v3;
	v5 =	vsel vm12, v14, v61;
	v6 =	vadd.f32 v60, v7  }
0x219: {  	v2 =	vadd.f32 v3, v2;
	v3 =	vsel vm13, v13, v5;
	v1 =	vmax.f32 v1, $1.000050030e-04  }
0x21a: {  	vm14 =	veq.s32 v59, $0x0;
	v1 =	vmin.f32 v1, $9.210340490e+00;
	v3 =	vsub.f32 v6, v3  }
0x21b: {  	v63 =	vsel vm7, $0x0, v0;
	v1 =	vsel vm14, $0x0, v1  }
0x21c: {  	v4 =	vadd.f32 v63, v52;
	v1 =	vadd.f32 v1, v2;
	v2 =	vmax.f32 v3, $1.000050030e-04  }
0x21d: {  	vm15 =	veq.s32 v62, $0x0;
	v3 =	vsel vm14, $0x0, v0;
	v2 =	vmin.f32 v2, $9.210340490e+00  }
0x21e: {  	v3 =	vadd.f32 v3, v4;
	v2 =	vsel vm15, $0x0, v2  }
0x21f: {  	v1 =	vadd.f32 v2, v1;
	v2 =	vsel vm15, $0x0, v0  }
0x220: {  	v2 =	vadd.f32 v2, v3  }
0x221: {  	[tilespmem:$0x6000] =	vst v1  }
0x222: {  	s13 =	simm.s32 $0x6000;
	[tilespmem:$0x6080] =	vst v2  }
0x223: {  	[hbm4b:s28+s17] =	stream.linear.scatter [tilespmem:s13], [sflag:$0x1], $0x80, $0x38;
	[tilespmem:$0x6100] =	vst v63  }
0x224: {  	s4 =	sadd.s32 $0x1, s4;
	_ =	swait.ge [sflag:s31], $0x80  }
0x225: {  	p0 =	sne.s32 s4, s30;
	[sflag:s31] =	ssyncset.done $0x0  }
.Ltmp4:
0x226: {  	s14 =	simm.s32 $0x6080;
	[sflag:s31] =	ssyncadd.s32 $0xFFFFFF80;
	(pc) =	sbr.rel @p0 .LBB2_1-.Ltmp4, $4  }
0x227: {  	[hbm4b:s29+s17] =	stream.linear.scatter [tilespmem:s14], [sflag:$0x1], $0x80, $0x38;
	[tilespmem:$0x6100] =	vst v63  }
0x228: {  	_ =	swait.ge [sflag:s31], $0x80  }
0x229: {  	[sflag:s31] =	ssyncset.done $0x0  }
0x22a: {  	[sflag:s31] =	ssyncadd.s32 $0xFFFFFF80  }
0x22b: {  	_ =	sfence.sel $0x180000  }
0x22c: {  	[bflag:$0x0] =	sbarrier.arrive $0xFFFF  }
0x22d: {  	_ =	strace $0x90000047  }
0x22e: {  	s0 =	stileid.u32;
	[bflag:$0x2] =	sbarrier.arrive $0xFFFF  }
0x22f: {  	p0 =	sne.s32 s0, $0x0;
	s0 =	rddreg [dreg:$0x4]  }
0x230: {  	s0 =	sadd.s32 @!p0 $0x100000, s0  }
0x231: {  	[sflag:s0] =	ssyncadd.tile.s32 @!p0 $0x1;
	_ =	shalt  }
.Lfunc_end2:
_tile_overlayer_lowered:
.L_overlay_start_2:
0x232: {  	(tag) =	ssettag $0x2  }
0x233: {  	s0 =	rddreg [dreg:$0x0];
	s2 =	stileid.u32  }
0x234: {  	s1 =	rddreg [dreg:$0x1];
	p0 =	sne.s32 s2, $0x0  }
0x235: {  	s3 =	rddreg [dreg:$0x2];
	[bflag:$0x3] =	sbarrier.arrive $0xFFFF;
	s2 =	simm.s32 @!p0 $0x1C01  }
0x236: {  	[timem:s3], [sflag:s2] =	dma.local @!p0 [hbm:s0], s1  }
0x237: {  	s0 =	simm.s32 @!p0 $0x1  }
0x238: {  	_ =	swait.ge @!p0 [sflag:s0], s1  }
0x239: {  	s1 =	ssub.s32 @!p0 $0x0, s1;
	[sflag:s0] =	ssyncset.done @!p0 $0x0  }
0x23a: {  	[sflag:s0] =	ssyncadd.s32 @!p0 s1  }
0x23b: {  	[bflag:$0x3] =	sbarrier.arrive $0xFFFF  }
0x23c: {  	_ =	shalt  }

</sc_bundles>
